<compile_context>
chip_gen: v7x
topology: tpu7x:2x2x1
jax: 0.10.2.dev20260603
libtpu: 0.0.44.dev20260713+nightly
codegen_flags: <defaults>
</compile_context>

<pallas_src>
import dataclasses
import functools

import jax
import jax.numpy as jnp
from jax import lax
from jax.experimental import pallas as pl
from jax.experimental.pallas import tpu as pltpu
from jax.experimental.pallas import tpu_sc as plsc

N = 10000
E = 320000
IN_DIM = 128
HID = 32
OUT_DIM = 12
OUTP = 16

NC = 2
NS = 16
NW = NC * NS
K = 128
NBLK = 80
E_PAD = NW * NBLK * K
NP = 10240
RPS = NP // NS
TRS = N // NS

_sc_mesh = plsc.VectorSubcoreMesh(core_axis_name="c", subcore_axis_name="s")


def _rsqrt16(x):
    i = plsc.bitcast(x, jnp.int32)
    y = plsc.bitcast(jnp.int32(0x5F3759DF) - (i >> 1), jnp.float32)
    for _ in range(3):
        y = y * (1.5 - 0.5 * x * y * y)
    return y


def _make_edge_scatter(D, do_gather, scale_prologue=False):

    nbuf = 4 if do_gather else 2
    scratch = (
        [pltpu.VMEM((NBLK, K), jnp.int32)]
        + [pltpu.VMEM((K, D), jnp.float32)] * nbuf
        + [pltpu.VMEM_SHARED((NP, D), jnp.float32)]
        + [pltpu.SemaphoreType.DMA] * (2 * nbuf if do_gather else 2)
    )
    if do_gather:
        scratch.insert(0, pltpu.VMEM((NBLK, K), jnp.int32))
        scratch.append(pltpu.VMEM_SHARED((N, D), jnp.float32))
    if scale_prologue:
        scratch.append(pltpu.VMEM((TRS, D), jnp.float32))
        scratch.append(pltpu.VMEM((TRS, OUTP), jnp.float32))
        scratch.append(pltpu.VMEM((TRS, OUTP), jnp.float32))

    cp = pltpu.CompilerParams(use_tc_tiling_on_sc=False)
    if scale_prologue:
        cp = dataclasses.replace(cp, needs_layout_passes=False)

    @functools.partial(
        pl.kernel,
        out_type=jax.ShapeDtypeStruct((NC, NP, D), jnp.float32),
        mesh=_sc_mesh,
        scratch_types=scratch,
        compiler_params=cp,
    )
    def edge_scatter(*refs):
        if scale_prologue:
            (src_hbm, dst_hbm, table_hbm, degp_hbm, zeros_hbm, out_hbm,
             sidx, didx, *rest) = refs
            hbuf = rest[2 + 3 * nbuf]
            dbuf0 = rest[3 + 3 * nbuf]
            dbuf1 = rest[4 + 3 * nbuf]
        elif do_gather:
            (src_hbm, dst_hbm, table_hbm, zeros_hbm, out_hbm,
             sidx, didx, *rest) = refs
        else:
            (dst_hbm, ones_hbm, zeros_hbm, out_hbm,
             didx, rows0, rows1, acc, sem0, sem1) = refs
        if do_gather:
            rows = rest[:nbuf]
            acc = rest[nbuf]
            gsem = rest[nbuf + 1 : nbuf + 1 + nbuf]
            ssem = rest[nbuf + 1 + nbuf : 1 + 3 * nbuf]
            table_s = rest[1 + 3 * nbuf]

        c = lax.axis_index("c")
        s = lax.axis_index("s")
        wid = c * NS + s
        row0 = s * RPS
        pltpu.sync_copy(zeros_hbm.at[pl.ds(row0, RPS)], acc.at[pl.ds(row0, RPS)])
        pltpu.sync_copy(dst_hbm.at[wid], didx)
        if do_gather:
            pltpu.sync_copy(src_hbm.at[wid], sidx)
            trow0 = s * TRS
            if scale_prologue:
                pltpu.sync_copy(table_hbm.at[pl.ds(trow0, TRS)], hbuf)
                pltpu.sync_copy(degp_hbm.at[0, pl.ds(trow0, TRS)], dbuf0)
                pltpu.sync_copy(degp_hbm.at[1, pl.ds(trow0, TRS)], dbuf1)

                @pl.loop(0, TRS, step=5)
                def _(r):
                    ys = [_rsqrt16(dbuf0[r + u] + dbuf1[r + u] + 1.0)
                          for u in range(5)]
                    for u in range(5):
                        for h in range(D // 16):
                            sl = (r + u, pl.ds(16 * h, 16))
                            hbuf[sl] = ys[u] * hbuf[sl]

                pltpu.sync_copy(hbuf, table_s.at[pl.ds(trow0, TRS)])
            else:
                pltpu.sync_copy(table_hbm.at[pl.ds(trow0, TRS)],
                                table_s.at[pl.ds(trow0, TRS)])
        else:
            pltpu.sync_copy(ones_hbm, rows0)
        plsc.subcore_barrier()

        if do_gather:
            for t in range(nbuf):
                pltpu.async_copy(table_s.at[sidx.at[t]], rows[t], gsem[t])

            @pl.loop(0, NBLK - nbuf, step=nbuf)
            def _(j):
                for t in range(nbuf):
                    pltpu.make_async_copy(
                        table_s.at[sidx.at[j + t]], rows[t], gsem[t]).wait()
                    pltpu.async_copy(
                        rows[t], acc.at[didx.at[j + t]], ssem[t], add=True)
                for t in range(nbuf):
                    pltpu.make_async_copy(
                        rows[t], acc.at[didx.at[j + t]], ssem[t]).wait()
                    pltpu.async_copy(
                        table_s.at[sidx.at[j + nbuf + t]], rows[t], gsem[t])

            j0 = NBLK - nbuf
            for t in range(nbuf):
                pltpu.make_async_copy(
                    table_s.at[sidx.at[j0 + t]], rows[t], gsem[t]).wait()
                pltpu.async_copy(
                    rows[t], acc.at[didx.at[j0 + t]], ssem[t], add=True)
            for t in range(nbuf):
                pltpu.make_async_copy(
                    rows[t], acc.at[didx.at[j0 + t]], ssem[t]).wait()
        else:
            @pl.loop(0, NBLK, step=2)
            def _(j):
                pltpu.async_copy(rows0, acc.at[didx.at[j]], sem0, add=True)
                pltpu.async_copy(rows0, acc.at[didx.at[j + 1]], sem1, add=True)
                pltpu.make_async_copy(rows0, acc.at[didx.at[j]], sem0).wait()
                pltpu.make_async_copy(rows0, acc.at[didx.at[j + 1]], sem1).wait()

        plsc.subcore_barrier()
        pltpu.sync_copy(acc.at[pl.ds(row0, RPS)],
                        out_hbm.at[c, pl.ds(row0, RPS)])

    return edge_scatter


_deg_kernel = _make_edge_scatter(OUTP, do_gather=False)
_agg32_kernel = _make_edge_scatter(HID, do_gather=True, scale_prologue=True)
_agg16_kernel = _make_edge_scatter(OUTP, do_gather=True)


def _tc1_body(x_ref, w1_ref, out_ref):
    out_ref[...] = jnp.dot(x_ref[...], w1_ref[...],
                           preferred_element_type=jnp.float32)


def _tcdis_body(degp_ref, out_ref):
    degp = degp_ref[...]
    out_ref[...] = lax.rsqrt(degp[0, :N, 0:1] + degp[1, :N, 0:1] + 1.0)


def _tc2_body(dis_ref, aggp_ref, h1_ref, b1_ref, w2_ref, out_ref):
    dis = dis_ref[...]
    aggp = aggp_ref[...]
    out1 = (dis * (aggp[0, :N] + aggp[1, :N]) + (dis * dis) * h1_ref[...]
            + b1_ref[...])
    h = jnp.maximum(out1, 0.0)
    h2 = jnp.dot(h, w2_ref[...], preferred_element_type=jnp.float32)
    out_ref[...] = dis * h2


def _tc3_body(dis_ref, aggp_ref, scaled2_ref, b2_ref, out_ref):
    dis = dis_ref[...]
    aggp = aggp_ref[...]
    full = dis * (aggp[0, :N] + aggp[1, :N] + scaled2_ref[...])
    out_ref[...] = full[:, :OUT_DIM] + b2_ref[...]


def kernel(x, adj, W1, b1, W2, b2):
    src = adj[0]
    dst = adj[1]

    pad = E_PAD - E
    src3d = jnp.concatenate(
        [src, jnp.zeros((pad,), jnp.int32)]).reshape(NW, NBLK, K)
    dst3d = jnp.concatenate(
        [dst, N + (jnp.arange(pad, dtype=jnp.int32) % (NP - N))]
    ).reshape(NW, NBLK, K)

    ones_blk = jnp.ones((K, OUTP), dtype=jnp.float32)
    zeros16 = jnp.zeros((NP, OUTP), dtype=jnp.float32)
    zeros32 = jnp.zeros((NP, HID), dtype=jnp.float32)
    w2p = jnp.zeros((HID, OUTP), dtype=jnp.float32).at[:, : W2.shape[1]].set(W2)
    b1r = b1.reshape(1, HID)
    b2r = b2.reshape(1, OUT_DIM)

    degp = _deg_kernel(dst3d, ones_blk, zeros16)
    h1 = pl.pallas_call(
        _tc1_body,
        out_shape=jax.ShapeDtypeStruct((N, HID), jnp.float32),
    )(x, W1)

    aggp1 = _agg32_kernel(src3d, dst3d, h1, degp, zeros32)

    dis = pl.pallas_call(
        _tcdis_body,
        out_shape=jax.ShapeDtypeStruct((N, 1), jnp.float32),
    )(degp)

    scaled2 = pl.pallas_call(
        _tc2_body,
        out_shape=jax.ShapeDtypeStruct((N, OUTP), jnp.float32),
    )(dis, aggp1, h1, b1r, w2p)

    aggp2 = _agg16_kernel(src3d, dst3d, scaled2, zeros16)

    out = pl.pallas_call(
        _tc3_body,
        out_shape=jax.ShapeDtypeStruct((N, OUT_DIM), jnp.float32),
    )(dis, aggp2, scaled2, b2r)

    return out

# --- scband reference (transcript-rebuilt; emitter-appended) ---
"""Pipeline reference for scband-gcn-py-g-67259187855731 (READ-ONLY COPY).

The authoritative reference and input builder live on the scoring server;
editing this copy changes nothing except your own understanding.
"""

import jax, jax.numpy as jnp
import numpy as np

N = 10000
E = 320000
IN_DIM = 128
HID = 32
OUT = 12


def setup_inputs(seed: int = 0) -> dict:
    key = jax.random.key(seed)
    k1, k2, k3, k4, k5, k6 = jax.random.split(key, 6)
    x = jax.random.normal(k1, (N, IN_DIM), dtype=jnp.float32)
    adj = jax.random.randint(k2, (2, E), 0, N, dtype=jnp.int32)
    # GCNConv layer 1 params (glorot-style scale)
    W1 = jax.random.normal(k3, (IN_DIM, HID), dtype=jnp.float32) * np.sqrt(2.0 / (IN_DIM + HID))
    b1 = jnp.zeros((HID,), dtype=jnp.float32)
    # GCNConv layer 2 params
    W2 = jax.random.normal(k4, (HID, OUT), dtype=jnp.float32) * np.sqrt(2.0 / (HID + OUT))
    b2 = jnp.zeros((OUT,), dtype=jnp.float32)
    return {"x": x, "adj": adj, "W1": W1, "b1": b1, "W2": W2, "b2": b2}


def _gcn_conv(x, edge_index, W, b):
    # Faithful PyG GCNConv: add self-loops, symmetric normalization, scatter-add aggregation.
    num_nodes = x.shape[0]
    h = x @ W
    src = edge_index[0]
    dst = edge_index[1]
    loop = jnp.arange(num_nodes, dtype=src.dtype)
    src = jnp.concatenate([src, loop])
    dst = jnp.concatenate([dst, loop])
    deg = jnp.zeros((num_nodes,), dtype=x.dtype).at[dst].add(1.0)
    deg_inv_sqrt = jnp.where(deg > 0, jax.lax.rsqrt(jnp.maximum(deg, 1e-12)), 0.0)
    norm = deg_inv_sqrt[src] * deg_inv_sqrt[dst]
    msg = jnp.take(h, src, axis=0) * norm[:, None]
    out = jax.ops.segment_sum(msg, dst, num_segments=num_nodes)
    return out + b


def reference(x, adj, W1, b1, W2, b2):
    h = _gcn_conv(x, adj, W1, b1)
    h = jax.nn.relu(h)
    h = _gcn_conv(h, adj, W2, b2)
    return h

if __name__ == "__main__":
    import jax
    _d = setup_inputs()
    print(jax.jit(kernel)(*tuple(_d.values())))

</pallas_src>

<mosaic_0001>
#map = affine_map<(d0, d1) -> (0, 0, 0)>
#map1 = affine_map<(d0, d1) -> (0, 0)>
module attributes {stable_mosaic.version = 14 : i64} {
  func.func @edge_scatter(%arg0: i32, %arg1: i32, %arg2: memref<32x80x128xi32, #tpu.memory_space<hbm>>, %arg3: memref<32x80x128xi32, #tpu.memory_space<hbm>>, %arg4: memref<10000x32xf32, #tpu.memory_space<hbm>>, %arg5: memref<2x10240x16xf32, #tpu.memory_space<hbm>>, %arg6: memref<10240x32xf32, #tpu.memory_space<hbm>>, %arg7: memref<2x10240x32xf32, #tpu.memory_space<hbm>>, %arg8: memref<80x128xi32, #tpu.memory_space<vmem>>, %arg9: memref<80x128xi32, #tpu.memory_space<vmem>>, %arg10: memref<128x32xf32, #tpu.memory_space<vmem>>, %arg11: memref<128x32xf32, #tpu.memory_space<vmem>>, %arg12: memref<128x32xf32, #tpu.memory_space<vmem>>, %arg13: memref<128x32xf32, #tpu.memory_space<vmem>>, %arg14: memref<10240x32xf32, #tpu.memory_space<vmem_shared>>, %arg15: memref<!tpu.dma_semaphore, #tpu.memory_space<semaphore_mem>>, %arg16: memref<!tpu.dma_semaphore, #tpu.memory_space<semaphore_mem>>, %arg17: memref<!tpu.dma_semaphore, #tpu.memory_space<semaphore_mem>>, %arg18: memref<!tpu.dma_semaphore, #tpu.memory_space<semaphore_mem>>, %arg19: memref<!tpu.dma_semaphore, #tpu.memory_space<semaphore_mem>>, %arg20: memref<!tpu.dma_semaphore, #tpu.memory_space<semaphore_mem>>, %arg21: memref<!tpu.dma_semaphore, #tpu.memory_space<semaphore_mem>>, %arg22: memref<!tpu.dma_semaphore, #tpu.memory_space<semaphore_mem>>, %arg23: memref<10000x32xf32, #tpu.memory_space<vmem_shared>>, %arg24: memref<625x32xf32, #tpu.memory_space<vmem>>, %arg25: memref<625x16xf32, #tpu.memory_space<vmem>>, %arg26: memref<625x16xf32, #tpu.memory_space<vmem>>) attributes {dimension_semantics = [#tpu.dimension_semantics<core_parallel>, #tpu.dimension_semantics<subcore_parallel>], iteration_bounds = array<i64: 2, 16>, scalar_prefetch = 0 : i64, scratch_operands = 19 : i64, tpu.core_type = #tpu.core_type<sc_vector_subcore>, window_params = [{transform_indices = #map}, {transform_indices = #map}, {transform_indices = #map1}, {transform_indices = #map}, {transform_indices = #map1}, {transform_indices = #map}]} {
    %mul3A = arith.constant 16 : i32
    %mul3A_0 = arith.muli %arg0, %mul3A : i32
    %add3A = arith.addi %mul3A_0, %arg1 : i32
    %mul3A_1 = arith.constant 640 : i32
    %mul3A_2 = arith.muli %arg1, %mul3A_1 : i32
    "tpu.region"() ({
      %run_scoped3A_126 = tpu.sem_alloc : memref<!tpu.dma_semaphore, #tpu.memory_space<semaphore_mem>>
      %dma_start3A_127 = arith.constant 0 : i32
      %dma_start3A_128 = tpu.memref_slice %arg14[%mul3A_2, %dma_start3A_127] : memref<10240x32xf32, #tpu.memory_space<vmem_shared>> -> memref<640x32xf32, #tpu.memory_space<vmem_shared>>
      %dma_start3A_129 = arith.constant 0 : i32
      %dma_start3A_130 = tpu.memref_slice %arg6[%mul3A_2, %dma_start3A_129] : memref<10240x32xf32, #tpu.memory_space<hbm>> -> memref<640x32xf32, #tpu.memory_space<hbm>>
      tpu.enqueue_dma source(%dma_start3A_130 : memref<640x32xf32, #tpu.memory_space<hbm>>) target(%dma_start3A_128 : memref<640x32xf32, #tpu.memory_space<vmem_shared>>) target_semaphore(%run_scoped3A_126 : memref<!tpu.dma_semaphore, #tpu.memory_space<semaphore_mem>>)
      %dma_wait3A_131 = arith.constant 0 : i32
      %dma_wait3A_132 = tpu.memref_slice %arg14[%mul3A_2, %dma_wait3A_131] : memref<10240x32xf32, #tpu.memory_space<vmem_shared>> -> memref<640x32xf32, #tpu.memory_space<vmem_shared>>
      %dma_wait3A_133 = arith.constant 0 : i32
      %dma_wait3A_134 = tpu.memref_slice %arg6[%mul3A_2, %dma_wait3A_133] : memref<10240x32xf32, #tpu.memory_space<hbm>> -> memref<640x32xf32, #tpu.memory_space<hbm>>
      tpu.wait_dma2 semaphore(%run_scoped3A_126 : memref<!tpu.dma_semaphore, #tpu.memory_space<semaphore_mem>>) src(%dma_wait3A_134 : memref<640x32xf32, #tpu.memory_space<hbm>>) dst(%dma_wait3A_132 : memref<640x32xf32, #tpu.memory_space<vmem_shared>>)
      tpu.yield
    }) : () -> ()
    "tpu.region"() ({
      %run_scoped3A_126 = tpu.sem_alloc : memref<!tpu.dma_semaphore, #tpu.memory_space<semaphore_mem>>
      %dma_start3A_127 = arith.constant 0 : i32
      %dma_start3A_128 = arith.constant 0 : i32
      %dma_start3A_129 = tpu.memref_slice %arg3[%add3A, %dma_start3A_127, %dma_start3A_128] : memref<32x80x128xi32, #tpu.memory_space<hbm>> -> memref<1x80x128xi32, #tpu.memory_space<hbm>>
      %dma_start3A_130 = tpu.memref_squeeze %dma_start3A_129 : memref<1x80x128xi32, #tpu.memory_space<hbm>> -> memref<80x128xi32, #tpu.memory_space<hbm>>
      %dma_start3A_131 = arith.constant 0 : i32
      %dma_start3A_132 = arith.constant 0 : i32
      %dma_start3A_133 = tpu.memref_slice %arg3[%add3A, %dma_start3A_131, %dma_start3A_132] : memref<32x80x128xi32, #tpu.memory_space<hbm>> -> memref<1x80x128xi32, #tpu.memory_space<hbm>>
      %dma_start3A_134 = tpu.memref_squeeze %dma_start3A_133 : memref<1x80x128xi32, #tpu.memory_space<hbm>> -> memref<80x128xi32, #tpu.memory_space<hbm>>
      tpu.enqueue_dma source(%dma_start3A_134 : memref<80x128xi32, #tpu.memory_space<hbm>>) target(%arg9 : memref<80x128xi32, #tpu.memory_space<vmem>>) target_semaphore(%run_scoped3A_126 : memref<!tpu.dma_semaphore, #tpu.memory_space<semaphore_mem>>)
      %dma_wait3A_135 = arith.constant 0 : i32
      %dma_wait3A_136 = arith.constant 0 : i32
      %dma_wait3A_137 = tpu.memref_slice %arg3[%add3A, %dma_wait3A_135, %dma_wait3A_136] : memref<32x80x128xi32, #tpu.memory_space<hbm>> -> memref<1x80x128xi32, #tpu.memory_space<hbm>>
      %dma_wait3A_138 = tpu.memref_squeeze %dma_wait3A_137 : memref<1x80x128xi32, #tpu.memory_space<hbm>> -> memref<80x128xi32, #tpu.memory_space<hbm>>
      %dma_wait3A_139 = arith.constant 0 : i32
      %dma_wait3A_140 = arith.constant 0 : i32
      %dma_wait3A_141 = tpu.memref_slice %arg3[%add3A, %dma_wait3A_139, %dma_wait3A_140] : memref<32x80x128xi32, #tpu.memory_space<hbm>> -> memref<1x80x128xi32, #tpu.memory_space<hbm>>
      %dma_wait3A_142 = tpu.memref_squeeze %dma_wait3A_141 : memref<1x80x128xi32, #tpu.memory_space<hbm>> -> memref<80x128xi32, #tpu.memory_space<hbm>>
      tpu.wait_dma2 semaphore(%run_scoped3A_126 : memref<!tpu.dma_semaphore, #tpu.memory_space<semaphore_mem>>) src(%dma_wait3A_142 : memref<80x128xi32, #tpu.memory_space<hbm>>) dst(%arg9 : memref<80x128xi32, #tpu.memory_space<vmem>>)
      tpu.yield
    }) : () -> ()
    "tpu.region"() ({
      %run_scoped3A_126 = tpu.sem_alloc : memref<!tpu.dma_semaphore, #tpu.memory_space<semaphore_mem>>
      %dma_start3A_127 = arith.constant 0 : i32
      %dma_start3A_128 = arith.constant 0 : i32
      %dma_start3A_129 = tpu.memref_slice %arg2[%add3A, %dma_start3A_127, %dma_start3A_128] : memref<32x80x128xi32, #tpu.memory_space<hbm>> -> memref<1x80x128xi32, #tpu.memory_space<hbm>>
      %dma_start3A_130 = tpu.memref_squeeze %dma_start3A_129 : memref<1x80x128xi32, #tpu.memory_space<hbm>> -> memref<80x128xi32, #tpu.memory_space<hbm>>
      %dma_start3A_131 = arith.constant 0 : i32
      %dma_start3A_132 = arith.constant 0 : i32
      %dma_start3A_133 = tpu.memref_slice %arg2[%add3A, %dma_start3A_131, %dma_start3A_132] : memref<32x80x128xi32, #tpu.memory_space<hbm>> -> memref<1x80x128xi32, #tpu.memory_space<hbm>>
      %dma_start3A_134 = tpu.memref_squeeze %dma_start3A_133 : memref<1x80x128xi32, #tpu.memory_space<hbm>> -> memref<80x128xi32, #tpu.memory_space<hbm>>
      tpu.enqueue_dma source(%dma_start3A_134 : memref<80x128xi32, #tpu.memory_space<hbm>>) target(%arg8 : memref<80x128xi32, #tpu.memory_space<vmem>>) target_semaphore(%run_scoped3A_126 : memref<!tpu.dma_semaphore, #tpu.memory_space<semaphore_mem>>)
      %dma_wait3A_135 = arith.constant 0 : i32
      %dma_wait3A_136 = arith.constant 0 : i32
      %dma_wait3A_137 = tpu.memref_slice %arg2[%add3A, %dma_wait3A_135, %dma_wait3A_136] : memref<32x80x128xi32, #tpu.memory_space<hbm>> -> memref<1x80x128xi32, #tpu.memory_space<hbm>>
      %dma_wait3A_138 = tpu.memref_squeeze %dma_wait3A_137 : memref<1x80x128xi32, #tpu.memory_space<hbm>> -> memref<80x128xi32, #tpu.memory_space<hbm>>
      %dma_wait3A_139 = arith.constant 0 : i32
      %dma_wait3A_140 = arith.constant 0 : i32
      %dma_wait3A_141 = tpu.memref_slice %arg2[%add3A, %dma_wait3A_139, %dma_wait3A_140] : memref<32x80x128xi32, #tpu.memory_space<hbm>> -> memref<1x80x128xi32, #tpu.memory_space<hbm>>
      %dma_wait3A_142 = tpu.memref_squeeze %dma_wait3A_141 : memref<1x80x128xi32, #tpu.memory_space<hbm>> -> memref<80x128xi32, #tpu.memory_space<hbm>>
      tpu.wait_dma2 semaphore(%run_scoped3A_126 : memref<!tpu.dma_semaphore, #tpu.memory_space<semaphore_mem>>) src(%dma_wait3A_142 : memref<80x128xi32, #tpu.memory_space<hbm>>) dst(%arg8 : memref<80x128xi32, #tpu.memory_space<vmem>>)
      tpu.yield
    }) : () -> ()
    %mul3A_3 = arith.constant 625 : i32
    %mul3A_4 = arith.muli %arg1, %mul3A_3 : i32
    "tpu.region"() ({
      %run_scoped3A_126 = tpu.sem_alloc : memref<!tpu.dma_semaphore, #tpu.memory_space<semaphore_mem>>
      %dma_start3A_127 = arith.constant 0 : i32
      %dma_start3A_128 = tpu.memref_slice %arg4[%mul3A_4, %dma_start3A_127] : memref<10000x32xf32, #tpu.memory_space<hbm>> -> memref<625x32xf32, #tpu.memory_space<hbm>>
      %dma_start3A_129 = arith.constant 0 : i32
      %dma_start3A_130 = tpu.memref_slice %arg4[%mul3A_4, %dma_start3A_129] : memref<10000x32xf32, #tpu.memory_space<hbm>> -> memref<625x32xf32, #tpu.memory_space<hbm>>
      tpu.enqueue_dma source(%dma_start3A_130 : memref<625x32xf32, #tpu.memory_space<hbm>>) target(%arg24 : memref<625x32xf32, #tpu.memory_space<vmem>>) target_semaphore(%run_scoped3A_126 : memref<!tpu.dma_semaphore, #tpu.memory_space<semaphore_mem>>)
      %dma_wait3A_131 = arith.constant 0 : i32
      %dma_wait3A_132 = tpu.memref_slice %arg4[%mul3A_4, %dma_wait3A_131] : memref<10000x32xf32, #tpu.memory_space<hbm>> -> memref<625x32xf32, #tpu.memory_space<hbm>>
      %dma_wait3A_133 = arith.constant 0 : i32
      %dma_wait3A_134 = tpu.memref_slice %arg4[%mul3A_4, %dma_wait3A_133] : memref<10000x32xf32, #tpu.memory_space<hbm>> -> memref<625x32xf32, #tpu.memory_space<hbm>>
      tpu.wait_dma2 semaphore(%run_scoped3A_126 : memref<!tpu.dma_semaphore, #tpu.memory_space<semaphore_mem>>) src(%dma_wait3A_134 : memref<625x32xf32, #tpu.memory_space<hbm>>) dst(%arg24 : memref<625x32xf32, #tpu.memory_space<vmem>>)
      tpu.yield
    }) : () -> ()
    %run_scoped3A = arith.constant 0 : i32
    "tpu.region"() ({
      %run_scoped3A_126 = tpu.sem_alloc : memref<!tpu.dma_semaphore, #tpu.memory_space<semaphore_mem>>
      %dma_start3A_127 = arith.constant 0 : i32
      %dma_start3A_128 = tpu.memref_slice %arg5[%run_scoped3A, %mul3A_4, %dma_start3A_127] : memref<2x10240x16xf32, #tpu.memory_space<hbm>> -> memref<1x625x16xf32, #tpu.memory_space<hbm>>
      %dma_start3A_129 = tpu.memref_squeeze %dma_start3A_128 : memref<1x625x16xf32, #tpu.memory_space<hbm>> -> memref<625x16xf32, #tpu.memory_space<hbm>>
      %dma_start3A_130 = arith.constant 0 : i32
      %dma_start3A_131 = tpu.memref_slice %arg5[%run_scoped3A, %mul3A_4, %dma_start3A_130] : memref<2x10240x16xf32, #tpu.memory_space<hbm>> -> memref<1x625x16xf32, #tpu.memory_space<hbm>>
      %dma_start3A_132 = tpu.memref_squeeze %dma_start3A_131 : memref<1x625x16xf32, #tpu.memory_space<hbm>> -> memref<625x16xf32, #tpu.memory_space<hbm>>
      tpu.enqueue_dma source(%dma_start3A_132 : memref<625x16xf32, #tpu.memory_space<hbm>>) target(%arg25 : memref<625x16xf32, #tpu.memory_space<vmem>>) target_semaphore(%run_scoped3A_126 : memref<!tpu.dma_semaphore, #tpu.memory_space<semaphore_mem>>)
      %dma_wait3A_133 = arith.constant 0 : i32
      %dma_wait3A_134 = tpu.memref_slice %arg5[%run_scoped3A, %mul3A_4, %dma_wait3A_133] : memref<2x10240x16xf32, #tpu.memory_space<hbm>> -> memref<1x625x16xf32, #tpu.memory_space<hbm>>
      %dma_wait3A_135 = tpu.memref_squeeze %dma_wait3A_134 : memref<1x625x16xf32, #tpu.memory_space<hbm>> -> memref<625x16xf32, #tpu.memory_space<hbm>>
      %dma_wait3A_136 = arith.constant 0 : i32
      %dma_wait3A_137 = tpu.memref_slice %arg5[%run_scoped3A, %mul3A_4, %dma_wait3A_136] : memref<2x10240x16xf32, #tpu.memory_space<hbm>> -> memref<1x625x16xf32, #tpu.memory_space<hbm>>
      %dma_wait3A_138 = tpu.memref_squeeze %dma_wait3A_137 : memref<1x625x16xf32, #tpu.memory_space<hbm>> -> memref<625x16xf32, #tpu.memory_space<hbm>>
      tpu.wait_dma2 semaphore(%run_scoped3A_126 : memref<!tpu.dma_semaphore, #tpu.memory_space<semaphore_mem>>) src(%dma_wait3A_138 : memref<625x16xf32, #tpu.memory_space<hbm>>) dst(%arg25 : memref<625x16xf32, #tpu.memory_space<vmem>>)
      tpu.yield
    }) : () -> ()
    %run_scoped3A_5 = arith.constant 1 : i32
    "tpu.region"() ({
      %run_scoped3A_126 = tpu.sem_alloc : memref<!tpu.dma_semaphore, #tpu.memory_space<semaphore_mem>>
      %dma_start3A_127 = arith.constant 0 : i32
      %dma_start3A_128 = tpu.memref_slice %arg5[%run_scoped3A_5, %mul3A_4, %dma_start3A_127] : memref<2x10240x16xf32, #tpu.memory_space<hbm>> -> memref<1x625x16xf32, #tpu.memory_space<hbm>>
      %dma_start3A_129 = tpu.memref_squeeze %dma_start3A_128 : memref<1x625x16xf32, #tpu.memory_space<hbm>> -> memref<625x16xf32, #tpu.memory_space<hbm>>
      %dma_start3A_130 = arith.constant 0 : i32
      %dma_start3A_131 = tpu.memref_slice %arg5[%run_scoped3A_5, %mul3A_4, %dma_start3A_130] : memref<2x10240x16xf32, #tpu.memory_space<hbm>> -> memref<1x625x16xf32, #tpu.memory_space<hbm>>
      %dma_start3A_132 = tpu.memref_squeeze %dma_start3A_131 : memref<1x625x16xf32, #tpu.memory_space<hbm>> -> memref<625x16xf32, #tpu.memory_space<hbm>>
      tpu.enqueue_dma source(%dma_start3A_132 : memref<625x16xf32, #tpu.memory_space<hbm>>) target(%arg26 : memref<625x16xf32, #tpu.memory_space<vmem>>) target_semaphore(%run_scoped3A_126 : memref<!tpu.dma_semaphore, #tpu.memory_space<semaphore_mem>>)
      %dma_wait3A_133 = arith.constant 0 : i32
      %dma_wait3A_134 = tpu.memref_slice %arg5[%run_scoped3A_5, %mul3A_4, %dma_wait3A_133] : memref<2x10240x16xf32, #tpu.memory_space<hbm>> -> memref<1x625x16xf32, #tpu.memory_space<hbm>>
      %dma_wait3A_135 = tpu.memref_squeeze %dma_wait3A_134 : memref<1x625x16xf32, #tpu.memory_space<hbm>> -> memref<625x16xf32, #tpu.memory_space<hbm>>
      %dma_wait3A_136 = arith.constant 0 : i32
      %dma_wait3A_137 = tpu.memref_slice %arg5[%run_scoped3A_5, %mul3A_4, %dma_wait3A_136] : memref<2x10240x16xf32, #tpu.memory_space<hbm>> -> memref<1x625x16xf32, #tpu.memory_space<hbm>>
      %dma_wait3A_138 = tpu.memref_squeeze %dma_wait3A_137 : memref<1x625x16xf32, #tpu.memory_space<hbm>> -> memref<625x16xf32, #tpu.memory_space<hbm>>
      tpu.wait_dma2 semaphore(%run_scoped3A_126 : memref<!tpu.dma_semaphore, #tpu.memory_space<semaphore_mem>>) src(%dma_wait3A_138 : memref<625x16xf32, #tpu.memory_space<hbm>>) dst(%arg26 : memref<625x16xf32, #tpu.memory_space<vmem>>)
      tpu.yield
    }) : () -> ()
    %scan3A = arith.constant 0 : i32
    %scan3A_6 = arith.constant 125 : i32
    %scan3A_7 = arith.addi %scan3A, %scan3A_6 : i32
    %scan3A_8 = arith.constant 1 : i32
    scf.for %scan3A_126 = %scan3A to %scan3A_7 step %scan3A_8  : i32 {
      %mul3A_127 = arith.constant 5 : i32
      %mul3A_128 = arith.muli %scan3A_126, %mul3A_127 : i32
      %add3A_129 = arith.constant 0 : i32
      %add3A_130 = arith.addi %add3A_129, %mul3A_128 : i32
      %add3A_131 = arith.constant 0 : i32
      %add3A_132 = arith.addi %add3A_130, %add3A_131 : i32
      %get3A = arith.index_cast %add3A_132 : i32 to index
      %get3A_133 = arith.constant 0 : index
      %get3A_134 = tpu.vector_load %arg25[%get3A, %get3A_133] {strides = array<i32>} : memref<625x16xf32, #tpu.memory_space<vmem>>, vector<16xf32>,
      %add3A_135 = arith.constant 0 : i32
      %add3A_136 = arith.addi %add3A_130, %add3A_135 : i32
      %get3A_137 = arith.index_cast %add3A_136 : i32 to index
      %get3A_138 = arith.constant 0 : index
      %get3A_139 = tpu.vector_load %arg26[%get3A_137, %get3A_138] {strides = array<i32>} : memref<625x16xf32, #tpu.memory_space<vmem>>, vector<16xf32>,
      %add3A_140 = arith.addf %get3A_134, %get3A_139 : vector<16xf32>
      %add3A_141 = arith.constant 1.000000e+00 : f32
      %add3A_142 = vector.broadcast %add3A_141 : f32 to vector<16xf32>
      %add3A_143 = arith.addf %add3A_140, %add3A_142 : vector<16xf32>
      %bitcast3A = vector.bitcast %add3A_143 : vector<16xf32> to vector<16xi32>
      %shift_right_arithmetic3A = arith.constant 1 : i32
      %shift_right_arithmetic3A_144 = vector.broadcast %shift_right_arithmetic3A : i32 to vector<16xi32>
      %shift_right_arithmetic3A_145 = arith.shrsi %bitcast3A, %shift_right_arithmetic3A_144 : vector<16xi32>
      %sub3A = arith.constant 1597463007 : i32
      %sub3A_146 = vector.broadcast %sub3A : i32 to vector<16xi32>
      %sub3A_147 = arith.subi %sub3A_146, %shift_right_arithmetic3A_145 : vector<16xi32>
      %bitcast3A_148 = vector.bitcast %sub3A_147 : vector<16xi32> to vector<16xf32>
      %mul3A_149 = arith.constant 5.000000e-01 : f32
      %mul3A_150 = vector.broadcast %mul3A_149 : f32 to vector<16xf32>
      %mul3A_151 = arith.mulf %mul3A_150, %add3A_143 : vector<16xf32>
      %mul3A_152 = arith.mulf %mul3A_151, %bitcast3A_148 : vector<16xf32>
      %mul3A_153 = arith.mulf %mul3A_152, %bitcast3A_148 : vector<16xf32>
      %sub3A_154 = arith.constant 1.500000e+00 : f32
      %sub3A_155 = vector.broadcast %sub3A_154 : f32 to vector<16xf32>
      %sub3A_156 = arith.subf %sub3A_155, %mul3A_153 : vector<16xf32>
      %mul3A_157 = arith.mulf %bitcast3A_148, %sub3A_156 : vector<16xf32>
      %mul3A_158 = arith.constant 5.000000e-01 : f32
      %mul3A_159 = vector.broadcast %mul3A_158 : f32 to vector<16xf32>
      %mul3A_160 = arith.mulf %mul3A_159, %add3A_143 : vector<16xf32>
      %mul3A_161 = arith.mulf %mul3A_160, %mul3A_157 : vector<16xf32>
      %mul3A_162 = arith.mulf %mul3A_161, %mul3A_157 : vector<16xf32>
      %sub3A_163 = arith.constant 1.500000e+00 : f32
      %sub3A_164 = vector.broadcast %sub3A_163 : f32 to vector<16xf32>
      %sub3A_165 = arith.subf %sub3A_164, %mul3A_162 : vector<16xf32>
      %mul3A_166 = arith.mulf %mul3A_157, %sub3A_165 : vector<16xf32>
      %mul3A_167 = arith.constant 5.000000e-01 : f32
      %mul3A_168 = vector.broadcast %mul3A_167 : f32 to vector<16xf32>
      %mul3A_169 = arith.mulf %mul3A_168, %add3A_143 : vector<16xf32>
      %mul3A_170 = arith.mulf %mul3A_169, %mul3A_166 : vector<16xf32>
      %mul3A_171 = arith.mulf %mul3A_170, %mul3A_166 : vector<16xf32>
      %sub3A_172 = arith.constant 1.500000e+00 : f32
      %sub3A_173 = vector.broadcast %sub3A_172 : f32 to vector<16xf32>
      %sub3A_174 = arith.subf %sub3A_173, %mul3A_171 : vector<16xf32>
      %mul3A_175 = arith.mulf %mul3A_166, %sub3A_174 : vector<16xf32>
      %add3A_176 = arith.constant 1 : i32
      %add3A_177 = arith.addi %add3A_130, %add3A_176 : i32
      %get3A_178 = arith.index_cast %add3A_177 : i32 to index
      %get3A_179 = arith.constant 0 : index
      %get3A_180 = tpu.vector_load %arg25[%get3A_178, %get3A_179] {strides = array<i32>} : memref<625x16xf32, #tpu.memory_space<vmem>>, vector<16xf32>,
      %add3A_181 = arith.constant 1 : i32
      %add3A_182 = arith.addi %add3A_130, %add3A_181 : i32
      %get3A_183 = arith.index_cast %add3A_182 : i32 to index
      %get3A_184 = arith.constant 0 : index
      %get3A_185 = tpu.vector_load %arg26[%get3A_183, %get3A_184] {strides = array<i32>} : memref<625x16xf32, #tpu.memory_space<vmem>>, vector<16xf32>,
      %add3A_186 = arith.addf %get3A_180, %get3A_185 : vector<16xf32>
      %add3A_187 = arith.constant 1.000000e+00 : f32
      %add3A_188 = vector.broadcast %add3A_187 : f32 to vector<16xf32>
      %add3A_189 = arith.addf %add3A_186, %add3A_188 : vector<16xf32>
      %bitcast3A_190 = vector.bitcast %add3A_189 : vector<16xf32> to vector<16xi32>
      %shift_right_arithmetic3A_191 = arith.constant 1 : i32
      %shift_right_arithmetic3A_192 = vector.broadcast %shift_right_arithmetic3A_191 : i32 to vector<16xi32>
      %shift_right_arithmetic3A_193 = arith.shrsi %bitcast3A_190, %shift_right_arithmetic3A_192 : vector<16xi32>
      %sub3A_194 = arith.constant 1597463007 : i32
      %sub3A_195 = vector.broadcast %sub3A_194 : i32 to vector<16xi32>
      %sub3A_196 = arith.subi %sub3A_195, %shift_right_arithmetic3A_193 : vector<16xi32>
      %bitcast3A_197 = vector.bitcast %sub3A_196 : vector<16xi32> to vector<16xf32>
      %mul3A_198 = arith.constant 5.000000e-01 : f32
      %mul3A_199 = vector.broadcast %mul3A_198 : f32 to vector<16xf32>
      %mul3A_200 = arith.mulf %mul3A_199, %add3A_189 : vector<16xf32>
      %mul3A_201 = arith.mulf %mul3A_200, %bitcast3A_197 : vector<16xf32>
      %mul3A_202 = arith.mulf %mul3A_201, %bitcast3A_197 : vector<16xf32>
      %sub3A_203 = arith.constant 1.500000e+00 : f32
      %sub3A_204 = vector.broadcast %sub3A_203 : f32 to vector<16xf32>
      %sub3A_205 = arith.subf %sub3A_204, %mul3A_202 : vector<16xf32>
      %mul3A_206 = arith.mulf %bitcast3A_197, %sub3A_205 : vector<16xf32>
      %mul3A_207 = arith.constant 5.000000e-01 : f32
      %mul3A_208 = vector.broadcast %mul3A_207 : f32 to vector<16xf32>
      %mul3A_209 = arith.mulf %mul3A_208, %add3A_189 : vector<16xf32>
      %mul3A_210 = arith.mulf %mul3A_209, %mul3A_206 : vector<16xf32>
      %mul3A_211 = arith.mulf %mul3A_210, %mul3A_206 : vector<16xf32>
      %sub3A_212 = arith.constant 1.500000e+00 : f32
      %sub3A_213 = vector.broadcast %sub3A_212 : f32 to vector<16xf32>
      %sub3A_214 = arith.subf %sub3A_213, %mul3A_211 : vector<16xf32>
      %mul3A_215 = arith.mulf %mul3A_206, %sub3A_214 : vector<16xf32>
      %mul3A_216 = arith.constant 5.000000e-01 : f32
      %mul3A_217 = vector.broadcast %mul3A_216 : f32 to vector<16xf32>
      %mul3A_218 = arith.mulf %mul3A_217, %add3A_189 : vector<16xf32>
      %mul3A_219 = arith.mulf %mul3A_218, %mul3A_215 : vector<16xf32>
      %mul3A_220 = arith.mulf %mul3A_219, %mul3A_215 : vector<16xf32>
      %sub3A_221 = arith.constant 1.500000e+00 : f32
      %sub3A_222 = vector.broadcast %sub3A_221 : f32 to vector<16xf32>
      %sub3A_223 = arith.subf %sub3A_222, %mul3A_220 : vector<16xf32>
      %mul3A_224 = arith.mulf %mul3A_215, %sub3A_223 : vector<16xf32>
      %add3A_225 = arith.constant 2 : i32
      %add3A_226 = arith.addi %add3A_130, %add3A_225 : i32
      %get3A_227 = arith.index_cast %add3A_226 : i32 to index
      %get3A_228 = arith.constant 0 : index
      %get3A_229 = tpu.vector_load %arg25[%get3A_227, %get3A_228] {strides = array<i32>} : memref<625x16xf32, #tpu.memory_space<vmem>>, vector<16xf32>,
      %add3A_230 = arith.constant 2 : i32
      %add3A_231 = arith.addi %add3A_130, %add3A_230 : i32
      %get3A_232 = arith.index_cast %add3A_231 : i32 to index
      %get3A_233 = arith.constant 0 : index
      %get3A_234 = tpu.vector_load %arg26[%get3A_232, %get3A_233] {strides = array<i32>} : memref<625x16xf32, #tpu.memory_space<vmem>>, vector<16xf32>,
      %add3A_235 = arith.addf %get3A_229, %get3A_234 : vector<16xf32>
      %add3A_236 = arith.constant 1.000000e+00 : f32
      %add3A_237 = vector.broadcast %add3A_236 : f32 to vector<16xf32>
      %add3A_238 = arith.addf %add3A_235, %add3A_237 : vector<16xf32>
      %bitcast3A_239 = vector.bitcast %add3A_238 : vector<16xf32> to vector<16xi32>
      %shift_right_arithmetic3A_240 = arith.constant 1 : i32
      %shift_right_arithmetic3A_241 = vector.broadcast %shift_right_arithmetic3A_240 : i32 to vector<16xi32>
      %shift_right_arithmetic3A_242 = arith.shrsi %bitcast3A_239, %shift_right_arithmetic3A_241 : vector<16xi32>
      %sub3A_243 = arith.constant 1597463007 : i32
      %sub3A_244 = vector.broadcast %sub3A_243 : i32 to vector<16xi32>
      %sub3A_245 = arith.subi %sub3A_244, %shift_right_arithmetic3A_242 : vector<16xi32>
      %bitcast3A_246 = vector.bitcast %sub3A_245 : vector<16xi32> to vector<16xf32>
      %mul3A_247 = arith.constant 5.000000e-01 : f32
      %mul3A_248 = vector.broadcast %mul3A_247 : f32 to vector<16xf32>
      %mul3A_249 = arith.mulf %mul3A_248, %add3A_238 : vector<16xf32>
      %mul3A_250 = arith.mulf %mul3A_249, %bitcast3A_246 : vector<16xf32>
      %mul3A_251 = arith.mulf %mul3A_250, %bitcast3A_246 : vector<16xf32>
      %sub3A_252 = arith.constant 1.500000e+00 : f32
      %sub3A_253 = vector.broadcast %sub3A_252 : f32 to vector<16xf32>
      %sub3A_254 = arith.subf %sub3A_253, %mul3A_251 : vector<16xf32>
      %mul3A_255 = arith.mulf %bitcast3A_246, %sub3A_254 : vector<16xf32>
      %mul3A_256 = arith.constant 5.000000e-01 : f32
      %mul3A_257 = vector.broadcast %mul3A_256 : f32 to vector<16xf32>
      %mul3A_258 = arith.mulf %mul3A_257, %add3A_238 : vector<16xf32>
      %mul3A_259 = arith.mulf %mul3A_258, %mul3A_255 : vector<16xf32>
      %mul3A_260 = arith.mulf %mul3A_259, %mul3A_255 : vector<16xf32>
      %sub3A_261 = arith.constant 1.500000e+00 : f32
      %sub3A_262 = vector.broadcast %sub3A_261 : f32 to vector<16xf32>
      %sub3A_263 = arith.subf %sub3A_262, %mul3A_260 : vector<16xf32>
      %mul3A_264 = arith.mulf %mul3A_255, %sub3A_263 : vector<16xf32>
      %mul3A_265 = arith.constant 5.000000e-01 : f32
      %mul3A_266 = vector.broadcast %mul3A_265 : f32 to vector<16xf32>
      %mul3A_267 = arith.mulf %mul3A_266, %add3A_238 : vector<16xf32>
      %mul3A_268 = arith.mulf %mul3A_267, %mul3A_264 : vector<16xf32>
      %mul3A_269 = arith.mulf %mul3A_268, %mul3A_264 : vector<16xf32>
      %sub3A_270 = arith.constant 1.500000e+00 : f32
      %sub3A_271 = vector.broadcast %sub3A_270 : f32 to vector<16xf32>
      %sub3A_272 = arith.subf %sub3A_271, %mul3A_269 : vector<16xf32>
      %mul3A_273 = arith.mulf %mul3A_264, %sub3A_272 : vector<16xf32>
      %add3A_274 = arith.constant 3 : i32
      %add3A_275 = arith.addi %add3A_130, %add3A_274 : i32
      %get3A_276 = arith.index_cast %add3A_275 : i32 to index
      %get3A_277 = arith.constant 0 : index
      %get3A_278 = tpu.vector_load %arg25[%get3A_276, %get3A_277] {strides = array<i32>} : memref<625x16xf32, #tpu.memory_space<vmem>>, vector<16xf32>,
      %add3A_279 = arith.constant 3 : i32
      %add3A_280 = arith.addi %add3A_130, %add3A_279 : i32
      %get3A_281 = arith.index_cast %add3A_280 : i32 to index
      %get3A_282 = arith.constant 0 : index
      %get3A_283 = tpu.vector_load %arg26[%get3A_281, %get3A_282] {strides = array<i32>} : memref<625x16xf32, #tpu.memory_space<vmem>>, vector<16xf32>,
      %add3A_284 = arith.addf %get3A_278, %get3A_283 : vector<16xf32>
      %add3A_285 = arith.constant 1.000000e+00 : f32
      %add3A_286 = vector.broadcast %add3A_285 : f32 to vector<16xf32>
      %add3A_287 = arith.addf %add3A_284, %add3A_286 : vector<16xf32>
      %bitcast3A_288 = vector.bitcast %add3A_287 : vector<16xf32> to vector<16xi32>
      %shift_right_arithmetic3A_289 = arith.constant 1 : i32
      %shift_right_arithmetic3A_290 = vector.broadcast %shift_right_arithmetic3A_289 : i32 to vector<16xi32>
      %shift_right_arithmetic3A_291 = arith.shrsi %bitcast3A_288, %shift_right_arithmetic3A_290 : vector<16xi32>
      %sub3A_292 = arith.constant 1597463007 : i32
      %sub3A_293 = vector.broadcast %sub3A_292 : i32 to vector<16xi32>
      %sub3A_294 = arith.subi %sub3A_293, %shift_right_arithmetic3A_291 : vector<16xi32>
      %bitcast3A_295 = vector.bitcast %sub3A_294 : vector<16xi32> to vector<16xf32>
      %mul3A_296 = arith.constant 5.000000e-01 : f32
      %mul3A_297 = vector.broadcast %mul3A_296 : f32 to vector<16xf32>
      %mul3A_298 = arith.mulf %mul3A_297, %add3A_287 : vector<16xf32>
      %mul3A_299 = arith.mulf %mul3A_298, %bitcast3A_295 : vector<16xf32>
      %mul3A_300 = arith.mulf %mul3A_299, %bitcast3A_295 : vector<16xf32>
      %sub3A_301 = arith.constant 1.500000e+00 : f32
      %sub3A_302 = vector.broadcast %sub3A_301 : f32 to vector<16xf32>
      %sub3A_303 = arith.subf %sub3A_302, %mul3A_300 : vector<16xf32>
      %mul3A_304 = arith.mulf %bitcast3A_295, %sub3A_303 : vector<16xf32>
      %mul3A_305 = arith.constant 5.000000e-01 : f32
      %mul3A_306 = vector.broadcast %mul3A_305 : f32 to vector<16xf32>
      %mul3A_307 = arith.mulf %mul3A_306, %add3A_287 : vector<16xf32>
      %mul3A_308 = arith.mulf %mul3A_307, %mul3A_304 : vector<16xf32>
      %mul3A_309 = arith.mulf %mul3A_308, %mul3A_304 : vector<16xf32>
      %sub3A_310 = arith.constant 1.500000e+00 : f32
      %sub3A_311 = vector.broadcast %sub3A_310 : f32 to vector<16xf32>
      %sub3A_312 = arith.subf %sub3A_311, %mul3A_309 : vector<16xf32>
      %mul3A_313 = arith.mulf %mul3A_304, %sub3A_312 : vector<16xf32>
      %mul3A_314 = arith.constant 5.000000e-01 : f32
      %mul3A_315 = vector.broadcast %mul3A_314 : f32 to vector<16xf32>
      %mul3A_316 = arith.mulf %mul3A_315, %add3A_287 : vector<16xf32>
      %mul3A_317 = arith.mulf %mul3A_316, %mul3A_313 : vector<16xf32>
      %mul3A_318 = arith.mulf %mul3A_317, %mul3A_313 : vector<16xf32>
      %sub3A_319 = arith.constant 1.500000e+00 : f32
      %sub3A_320 = vector.broadcast %sub3A_319 : f32 to vector<16xf32>
      %sub3A_321 = arith.subf %sub3A_320, %mul3A_318 : vector<16xf32>
      %mul3A_322 = arith.mulf %mul3A_313, %sub3A_321 : vector<16xf32>
      %add3A_323 = arith.constant 4 : i32
      %add3A_324 = arith.addi %add3A_130, %add3A_323 : i32
      %get3A_325 = arith.index_cast %add3A_324 : i32 to index
      %get3A_326 = arith.constant 0 : index
      %get3A_327 = tpu.vector_load %arg25[%get3A_325, %get3A_326] {strides = array<i32>} : memref<625x16xf32, #tpu.memory_space<vmem>>, vector<16xf32>,
      %add3A_328 = arith.constant 4 : i32
      %add3A_329 = arith.addi %add3A_130, %add3A_328 : i32
      %get3A_330 = arith.index_cast %add3A_329 : i32 to index
      %get3A_331 = arith.constant 0 : index
      %get3A_332 = tpu.vector_load %arg26[%get3A_330, %get3A_331] {strides = array<i32>} : memref<625x16xf32, #tpu.memory_space<vmem>>, vector<16xf32>,
      %add3A_333 = arith.addf %get3A_327, %get3A_332 : vector<16xf32>
      %add3A_334 = arith.constant 1.000000e+00 : f32
      %add3A_335 = vector.broadcast %add3A_334 : f32 to vector<16xf32>
      %add3A_336 = arith.addf %add3A_333, %add3A_335 : vector<16xf32>
      %bitcast3A_337 = vector.bitcast %add3A_336 : vector<16xf32> to vector<16xi32>
      %shift_right_arithmetic3A_338 = arith.constant 1 : i32
      %shift_right_arithmetic3A_339 = vector.broadcast %shift_right_arithmetic3A_338 : i32 to vector<16xi32>
      %shift_right_arithmetic3A_340 = arith.shrsi %bitcast3A_337, %shift_right_arithmetic3A_339 : vector<16xi32>
      %sub3A_341 = arith.constant 1597463007 : i32
      %sub3A_342 = vector.broadcast %sub3A_341 : i32 to vector<16xi32>
      %sub3A_343 = arith.subi %sub3A_342, %shift_right_arithmetic3A_340 : vector<16xi32>
      %bitcast3A_344 = vector.bitcast %sub3A_343 : vector<16xi32> to vector<16xf32>
      %mul3A_345 = arith.constant 5.000000e-01 : f32
      %mul3A_346 = vector.broadcast %mul3A_345 : f32 to vector<16xf32>
      %mul3A_347 = arith.mulf %mul3A_346, %add3A_336 : vector<16xf32>
      %mul3A_348 = arith.mulf %mul3A_347, %bitcast3A_344 : vector<16xf32>
      %mul3A_349 = arith.mulf %mul3A_348, %bitcast3A_344 : vector<16xf32>
      %sub3A_350 = arith.constant 1.500000e+00 : f32
      %sub3A_351 = vector.broadcast %sub3A_350 : f32 to vector<16xf32>
      %sub3A_352 = arith.subf %sub3A_351, %mul3A_349 : vector<16xf32>
      %mul3A_353 = arith.mulf %bitcast3A_344, %sub3A_352 : vector<16xf32>
      %mul3A_354 = arith.constant 5.000000e-01 : f32
      %mul3A_355 = vector.broadcast %mul3A_354 : f32 to vector<16xf32>
      %mul3A_356 = arith.mulf %mul3A_355, %add3A_336 : vector<16xf32>
      %mul3A_357 = arith.mulf %mul3A_356, %mul3A_353 : vector<16xf32>
      %mul3A_358 = arith.mulf %mul3A_357, %mul3A_353 : vector<16xf32>
      %sub3A_359 = arith.constant 1.500000e+00 : f32
      %sub3A_360 = vector.broadcast %sub3A_359 : f32 to vector<16xf32>
      %sub3A_361 = arith.subf %sub3A_360, %mul3A_358 : vector<16xf32>
      %mul3A_362 = arith.mulf %mul3A_353, %sub3A_361 : vector<16xf32>
      %mul3A_363 = arith.constant 5.000000e-01 : f32
      %mul3A_364 = vector.broadcast %mul3A_363 : f32 to vector<16xf32>
      %mul3A_365 = arith.mulf %mul3A_364, %add3A_336 : vector<16xf32>
      %mul3A_366 = arith.mulf %mul3A_365, %mul3A_362 : vector<16xf32>
      %mul3A_367 = arith.mulf %mul3A_366, %mul3A_362 : vector<16xf32>
      %sub3A_368 = arith.constant 1.500000e+00 : f32
      %sub3A_369 = vector.broadcast %sub3A_368 : f32 to vector<16xf32>
      %sub3A_370 = arith.subf %sub3A_369, %mul3A_367 : vector<16xf32>
      %mul3A_371 = arith.mulf %mul3A_362, %sub3A_370 : vector<16xf32>
      %add3A_372 = arith.constant 0 : i32
      %add3A_373 = arith.addi %add3A_130, %add3A_372 : i32
      %get3A_374 = arith.index_cast %add3A_373 : i32 to index
      %get3A_375 = arith.constant 0 : index
      %get3A_376 = tpu.vector_load %arg24[%get3A_374, %get3A_375] {strides = array<i32>} : memref<625x32xf32, #tpu.memory_space<vmem>>, vector<16xf32>,
      %mul3A_377 = arith.mulf %mul3A_175, %get3A_376 : vector<16xf32>
      %swap3A = arith.index_cast %add3A_373 : i32 to index
      %swap3A_378 = arith.constant 0 : index
      %swap3A_379 = tpu.vector_load %arg24[%swap3A, %swap3A_378] {strides = array<i32>} : memref<625x32xf32, #tpu.memory_space<vmem>>, vector<16xf32>,
      tpu.vector_store %arg24[%swap3A, %swap3A_378], %mul3A_377 {strides = array<i32>} : memref<625x32xf32, #tpu.memory_space<vmem>>, vector<16xf32>,
      %add3A_380 = arith.constant 0 : i32
      %add3A_381 = arith.addi %add3A_130, %add3A_380 : i32
      %get3A_382 = arith.index_cast %add3A_381 : i32 to index
      %get3A_383 = arith.constant 16 : index
      %get3A_384 = tpu.vector_load %arg24[%get3A_382, %get3A_383] {strides = array<i32>} : memref<625x32xf32, #tpu.memory_space<vmem>>, vector<16xf32>,
      %mul3A_385 = arith.mulf %mul3A_175, %get3A_384 : vector<16xf32>
      %swap3A_386 = arith.index_cast %add3A_381 : i32 to index
      %swap3A_387 = arith.constant 16 : index
      %swap3A_388 = tpu.vector_load %arg24[%swap3A_386, %swap3A_387] {strides = array<i32>} : memref<625x32xf32, #tpu.memory_space<vmem>>, vector<16xf32>,
      tpu.vector_store %arg24[%swap3A_386, %swap3A_387], %mul3A_385 {strides = array<i32>} : memref<625x32xf32, #tpu.memory_space<vmem>>, vector<16xf32>,
      %add3A_389 = arith.constant 1 : i32
      %add3A_390 = arith.addi %add3A_130, %add3A_389 : i32
      %get3A_391 = arith.index_cast %add3A_390 : i32 to index
      %get3A_392 = arith.constant 0 : index
      %get3A_393 = tpu.vector_load %arg24[%get3A_391, %get3A_392] {strides = array<i32>} : memref<625x32xf32, #tpu.memory_space<vmem>>, vector<16xf32>,
      %mul3A_394 = arith.mulf %mul3A_224, %get3A_393 : vector<16xf32>
      %swap3A_395 = arith.index_cast %add3A_390 : i32 to index
      %swap3A_396 = arith.constant 0 : index
      %swap3A_397 = tpu.vector_load %arg24[%swap3A_395, %swap3A_396] {strides = array<i32>} : memref<625x32xf32, #tpu.memory_space<vmem>>, vector<16xf32>,
      tpu.vector_store %arg24[%swap3A_395, %swap3A_396], %mul3A_394 {strides = array<i32>} : memref<625x32xf32, #tpu.memory_space<vmem>>, vector<16xf32>,
      %add3A_398 = arith.constant 1 : i32
      %add3A_399 = arith.addi %add3A_130, %add3A_398 : i32
      %get3A_400 = arith.index_cast %add3A_399 : i32 to index
      %get3A_401 = arith.constant 16 : index
      %get3A_402 = tpu.vector_load %arg24[%get3A_400, %get3A_401] {strides = array<i32>} : memref<625x32xf32, #tpu.memory_space<vmem>>, vector<16xf32>,
      %mul3A_403 = arith.mulf %mul3A_224, %get3A_402 : vector<16xf32>
      %swap3A_404 = arith.index_cast %add3A_399 : i32 to index
      %swap3A_405 = arith.constant 16 : index
      %swap3A_406 = tpu.vector_load %arg24[%swap3A_404, %swap3A_405] {strides = array<i32>} : memref<625x32xf32, #tpu.memory_space<vmem>>, vector<16xf32>,
      tpu.vector_store %arg24[%swap3A_404, %swap3A_405], %mul3A_403 {strides = array<i32>} : memref<625x32xf32, #tpu.memory_space<vmem>>, vector<16xf32>,
      %add3A_407 = arith.constant 2 : i32
      %add3A_408 = arith.addi %add3A_130, %add3A_407 : i32
      %get3A_409 = arith.index_cast %add3A_408 : i32 to index
      %get3A_410 = arith.constant 0 : index
      %get3A_411 = tpu.vector_load %arg24[%get3A_409, %get3A_410] {strides = array<i32>} : memref<625x32xf32, #tpu.memory_space<vmem>>, vector<16xf32>,
      %mul3A_412 = arith.mulf %mul3A_273, %get3A_411 : vector<16xf32>
      %swap3A_413 = arith.index_cast %add3A_408 : i32 to index
      %swap3A_414 = arith.constant 0 : index
      %swap3A_415 = tpu.vector_load %arg24[%swap3A_413, %swap3A_414] {strides = array<i32>} : memref<625x32xf32, #tpu.memory_space<vmem>>, vector<16xf32>,
      tpu.vector_store %arg24[%swap3A_413, %swap3A_414], %mul3A_412 {strides = array<i32>} : memref<625x32xf32, #tpu.memory_space<vmem>>, vector<16xf32>,
      %add3A_416 = arith.constant 2 : i32
      %add3A_417 = arith.addi %add3A_130, %add3A_416 : i32
      %get3A_418 = arith.index_cast %add3A_417 : i32 to index
      %get3A_419 = arith.constant 16 : index
      %get3A_420 = tpu.vector_load %arg24[%get3A_418, %get3A_419] {strides = array<i32>} : memref<625x32xf32, #tpu.memory_space<vmem>>, vector<16xf32>,
      %mul3A_421 = arith.mulf %mul3A_273, %get3A_420 : vector<16xf32>
      %swap3A_422 = arith.index_cast %add3A_417 : i32 to index
      %swap3A_423 = arith.constant 16 : index
      %swap3A_424 = tpu.vector_load %arg24[%swap3A_422, %swap3A_423] {strides = array<i32>} : memref<625x32xf32, #tpu.memory_space<vmem>>, vector<16xf32>,
      tpu.vector_store %arg24[%swap3A_422, %swap3A_423], %mul3A_421 {strides = array<i32>} : memref<625x32xf32, #tpu.memory_space<vmem>>, vector<16xf32>,
      %add3A_425 = arith.constant 3 : i32
      %add3A_426 = arith.addi %add3A_130, %add3A_425 : i32
      %get3A_427 = arith.index_cast %add3A_426 : i32 to index
      %get3A_428 = arith.constant 0 : index
      %get3A_429 = tpu.vector_load %arg24[%get3A_427, %get3A_428] {strides = array<i32>} : memref<625x32xf32, #tpu.memory_space<vmem>>, vector<16xf32>,
      %mul3A_430 = arith.mulf %mul3A_322, %get3A_429 : vector<16xf32>
      %swap3A_431 = arith.index_cast %add3A_426 : i32 to index
      %swap3A_432 = arith.constant 0 : index
      %swap3A_433 = tpu.vector_load %arg24[%swap3A_431, %swap3A_432] {strides = array<i32>} : memref<625x32xf32, #tpu.memory_space<vmem>>, vector<16xf32>,
      tpu.vector_store %arg24[%swap3A_431, %swap3A_432], %mul3A_430 {strides = array<i32>} : memref<625x32xf32, #tpu.memory_space<vmem>>, vector<16xf32>,
      %add3A_434 = arith.constant 3 : i32
      %add3A_435 = arith.addi %add3A_130, %add3A_434 : i32
      %get3A_436 = arith.index_cast %add3A_435 : i32 to index
      %get3A_437 = arith.constant 16 : index
      %get3A_438 = tpu.vector_load %arg24[%get3A_436, %get3A_437] {strides = array<i32>} : memref<625x32xf32, #tpu.memory_space<vmem>>, vector<16xf32>,
      %mul3A_439 = arith.mulf %mul3A_322, %get3A_438 : vector<16xf32>
      %swap3A_440 = arith.index_cast %add3A_435 : i32 to index
      %swap3A_441 = arith.constant 16 : index
      %swap3A_442 = tpu.vector_load %arg24[%swap3A_440, %swap3A_441] {strides = array<i32>} : memref<625x32xf32, #tpu.memory_space<vmem>>, vector<16xf32>,
      tpu.vector_store %arg24[%swap3A_440, %swap3A_441], %mul3A_439 {strides = array<i32>} : memref<625x32xf32, #tpu.memory_space<vmem>>, vector<16xf32>,
      %add3A_443 = arith.constant 4 : i32
      %add3A_444 = arith.addi %add3A_130, %add3A_443 : i32
      %get3A_445 = arith.index_cast %add3A_444 : i32 to index
      %get3A_446 = arith.constant 0 : index
      %get3A_447 = tpu.vector_load %arg24[%get3A_445, %get3A_446] {strides = array<i32>} : memref<625x32xf32, #tpu.memory_space<vmem>>, vector<16xf32>,
      %mul3A_448 = arith.mulf %mul3A_371, %get3A_447 : vector<16xf32>
      %swap3A_449 = arith.index_cast %add3A_444 : i32 to index
      %swap3A_450 = arith.constant 0 : index
      %swap3A_451 = tpu.vector_load %arg24[%swap3A_449, %swap3A_450] {strides = array<i32>} : memref<625x32xf32, #tpu.memory_space<vmem>>, vector<16xf32>,
      tpu.vector_store %arg24[%swap3A_449, %swap3A_450], %mul3A_448 {strides = array<i32>} : memref<625x32xf32, #tpu.memory_space<vmem>>, vector<16xf32>,
      %add3A_452 = arith.constant 4 : i32
      %add3A_453 = arith.addi %add3A_130, %add3A_452 : i32
      %get3A_454 = arith.index_cast %add3A_453 : i32 to index
      %get3A_455 = arith.constant 16 : index
      %get3A_456 = tpu.vector_load %arg24[%get3A_454, %get3A_455] {strides = array<i32>} : memref<625x32xf32, #tpu.memory_space<vmem>>, vector<16xf32>,
      %mul3A_457 = arith.mulf %mul3A_371, %get3A_456 : vector<16xf32>
      %swap3A_458 = arith.index_cast %add3A_453 : i32 to index
      %swap3A_459 = arith.constant 16 : index
      %swap3A_460 = tpu.vector_load %arg24[%swap3A_458, %swap3A_459] {strides = array<i32>} : memref<625x32xf32, #tpu.memory_space<vmem>>, vector<16xf32>,
      tpu.vector_store %arg24[%swap3A_458, %swap3A_459], %mul3A_457 {strides = array<i32>} : memref<625x32xf32, #tpu.memory_space<vmem>>, vector<16xf32>,
    }
    %scan3A_9 = arith.constant 125 : i32
    "tpu.region"() ({
      %run_scoped3A_126 = tpu.sem_alloc : memref<!tpu.dma_semaphore, #tpu.memory_space<semaphore_mem>>
      %dma_start3A_127 = arith.constant 0 : i32
      %dma_start3A_128 = tpu.memref_slice %arg23[%mul3A_4, %dma_start3A_127] : memref<10000x32xf32, #tpu.memory_space<vmem_shared>> -> memref<625x32xf32, #tpu.memory_space<vmem_shared>>
      %dma_start3A_129 = arith.constant 0 : i32
      %dma_start3A_130 = tpu.memref_slice %arg23[%mul3A_4, %dma_start3A_129] : memref<10000x32xf32, #tpu.memory_space<vmem_shared>> -> memref<625x32xf32, #tpu.memory_space<vmem_shared>>
      tpu.enqueue_dma source(%arg24 : memref<625x32xf32, #tpu.memory_space<vmem>>) target(%dma_start3A_130 : memref<625x32xf32, #tpu.memory_space<vmem_shared>>) target_semaphore(%run_scoped3A_126 : memref<!tpu.dma_semaphore, #tpu.memory_space<semaphore_mem>>)
      %dma_wait3A_131 = arith.constant 0 : i32
      %dma_wait3A_132 = tpu.memref_slice %arg23[%mul3A_4, %dma_wait3A_131] : memref<10000x32xf32, #tpu.memory_space<vmem_shared>> -> memref<625x32xf32, #tpu.memory_space<vmem_shared>>
      %dma_wait3A_133 = arith.constant 0 : i32
      %dma_wait3A_134 = tpu.memref_slice %arg23[%mul3A_4, %dma_wait3A_133] : memref<10000x32xf32, #tpu.memory_space<vmem_shared>> -> memref<625x32xf32, #tpu.memory_space<vmem_shared>>
      tpu.wait_dma2 semaphore(%run_scoped3A_126 : memref<!tpu.dma_semaphore, #tpu.memory_space<semaphore_mem>>) src(%arg24 : memref<625x32xf32, #tpu.memory_space<vmem>>) dst(%dma_wait3A_134 : memref<625x32xf32, #tpu.memory_space<vmem_shared>>)
      tpu.yield
    }) : () -> ()
    %barrier3A = arith.constant 0 : index
    tpu.barrier barrier_id(%barrier3A)
    %dma_start3A = arith.constant 0 : i32
    %dma_start3A_10 = arith.constant 0 : i32
    %dma_start3A_11 = tpu.memref_slice %arg8[%dma_start3A, %dma_start3A_10] : memref<80x128xi32, #tpu.memory_space<vmem>> -> memref<1x128xi32, #tpu.memory_space<vmem>>
    %dma_start3A_12 = tpu.memref_squeeze %dma_start3A_11 : memref<1x128xi32, #tpu.memory_space<vmem>> -> memref<128xi32, #tpu.memory_space<vmem>>
    %dma_start3A_13 = arith.constant 0 : i32
    %dma_start3A_14 = arith.constant 0 : i32
    %dma_start3A_15 = tpu.memref_slice %arg23[%dma_start3A_13, %dma_start3A_14] : memref<10000x32xf32, #tpu.memory_space<vmem_shared>> -> memref<10000x32xf32, #tpu.memory_space<vmem_shared>>
    tpu.enqueue_indirect_dma source(%dma_start3A_15 : memref<10000x32xf32, #tpu.memory_space<vmem_shared>>) target(%arg10 : memref<128x32xf32, #tpu.memory_space<vmem>>) offsets(%dma_start3A_12 : memref<128xi32, #tpu.memory_space<vmem>>) semaphore(%arg15 : memref<!tpu.dma_semaphore, #tpu.memory_space<semaphore_mem>>)
    %dma_start3A_16 = arith.constant 1 : i32
    %dma_start3A_17 = arith.constant 0 : i32
    %dma_start3A_18 = tpu.memref_slice %arg8[%dma_start3A_16, %dma_start3A_17] : memref<80x128xi32, #tpu.memory_space<vmem>> -> memref<1x128xi32, #tpu.memory_space<vmem>>
    %dma_start3A_19 = tpu.memref_squeeze %dma_start3A_18 : memref<1x128xi32, #tpu.memory_space<vmem>> -> memref<128xi32, #tpu.memory_space<vmem>>
    %dma_start3A_20 = arith.constant 0 : i32
    %dma_start3A_21 = arith.constant 0 : i32
    %dma_start3A_22 = tpu.memref_slice %arg23[%dma_start3A_20, %dma_start3A_21] : memref<10000x32xf32, #tpu.memory_space<vmem_shared>> -> memref<10000x32xf32, #tpu.memory_space<vmem_shared>>
    tpu.enqueue_indirect_dma source(%dma_start3A_22 : memref<10000x32xf32, #tpu.memory_space<vmem_shared>>) target(%arg11 : memref<128x32xf32, #tpu.memory_space<vmem>>) offsets(%dma_start3A_19 : memref<128xi32, #tpu.memory_space<vmem>>) semaphore(%arg16 : memref<!tpu.dma_semaphore, #tpu.memory_space<semaphore_mem>>)
    %dma_start3A_23 = arith.constant 2 : i32
    %dma_start3A_24 = arith.constant 0 : i32
    %dma_start3A_25 = tpu.memref_slice %arg8[%dma_start3A_23, %dma_start3A_24] : memref<80x128xi32, #tpu.memory_space<vmem>> -> memref<1x128xi32, #tpu.memory_space<vmem>>
    %dma_start3A_26 = tpu.memref_squeeze %dma_start3A_25 : memref<1x128xi32, #tpu.memory_space<vmem>> -> memref<128xi32, #tpu.memory_space<vmem>>
    %dma_start3A_27 = arith.constant 0 : i32
    %dma_start3A_28 = arith.constant 0 : i32
    %dma_start3A_29 = tpu.memref_slice %arg23[%dma_start3A_27, %dma_start3A_28] : memref<10000x32xf32, #tpu.memory_space<vmem_shared>> -> memref<10000x32xf32, #tpu.memory_space<vmem_shared>>
    tpu.enqueue_indirect_dma source(%dma_start3A_29 : memref<10000x32xf32, #tpu.memory_space<vmem_shared>>) target(%arg12 : memref<128x32xf32, #tpu.memory_space<vmem>>) offsets(%dma_start3A_26 : memref<128xi32, #tpu.memory_space<vmem>>) semaphore(%arg17 : memref<!tpu.dma_semaphore, #tpu.memory_space<semaphore_mem>>)
    %dma_start3A_30 = arith.constant 3 : i32
    %dma_start3A_31 = arith.constant 0 : i32
    %dma_start3A_32 = tpu.memref_slice %arg8[%dma_start3A_30, %dma_start3A_31] : memref<80x128xi32, #tpu.memory_space<vmem>> -> memref<1x128xi32, #tpu.memory_space<vmem>>
    %dma_start3A_33 = tpu.memref_squeeze %dma_start3A_32 : memref<1x128xi32, #tpu.memory_space<vmem>> -> memref<128xi32, #tpu.memory_space<vmem>>
    %dma_start3A_34 = arith.constant 0 : i32
    %dma_start3A_35 = arith.constant 0 : i32
    %dma_start3A_36 = tpu.memref_slice %arg23[%dma_start3A_34, %dma_start3A_35] : memref<10000x32xf32, #tpu.memory_space<vmem_shared>> -> memref<10000x32xf32, #tpu.memory_space<vmem_shared>>
    tpu.enqueue_indirect_dma source(%dma_start3A_36 : memref<10000x32xf32, #tpu.memory_space<vmem_shared>>) target(%arg13 : memref<128x32xf32, #tpu.memory_space<vmem>>) offsets(%dma_start3A_33 : memref<128xi32, #tpu.memory_space<vmem>>) semaphore(%arg18 : memref<!tpu.dma_semaphore, #tpu.memory_space<semaphore_mem>>)
    %scan3A_37 = arith.constant 0 : i32
    %scan3A_38 = arith.constant 19 : i32
    %scan3A_39 = arith.addi %scan3A_37, %scan3A_38 : i32
    %scan3A_40 = arith.constant 1 : i32
    scf.for %scan3A_126 = %scan3A_37 to %scan3A_39 step %scan3A_40  : i32 {
      %mul3A_127 = arith.constant 4 : i32
      %mul3A_128 = arith.muli %scan3A_126, %mul3A_127 : i32
      %add3A_129 = arith.constant 0 : i32
      %add3A_130 = arith.addi %add3A_129, %mul3A_128 : i32
      %add3A_131 = arith.constant 0 : i32
      %add3A_132 = arith.addi %add3A_130, %add3A_131 : i32
      %dma_wait3A_133 = arith.constant 0 : i32
      %dma_wait3A_134 = tpu.memref_slice %arg8[%add3A_132, %dma_wait3A_133] : memref<80x128xi32, #tpu.memory_space<vmem>> -> memref<1x128xi32, #tpu.memory_space<vmem>>
      %dma_wait3A_135 = tpu.memref_squeeze %dma_wait3A_134 : memref<1x128xi32, #tpu.memory_space<vmem>> -> memref<128xi32, #tpu.memory_space<vmem>>
      %dma_wait3A_136 = arith.constant 0 : i32
      %dma_wait3A_137 = arith.constant 0 : i32
      %dma_wait3A_138 = tpu.memref_slice %arg23[%dma_wait3A_136, %dma_wait3A_137] : memref<10000x32xf32, #tpu.memory_space<vmem_shared>> -> memref<10000x32xf32, #tpu.memory_space<vmem_shared>>
      tpu.wait_indirect_dma semaphore(%arg15 : memref<!tpu.dma_semaphore, #tpu.memory_space<semaphore_mem>>) src(%dma_wait3A_138 : memref<10000x32xf32, #tpu.memory_space<vmem_shared>>) dst(%arg10 : memref<128x32xf32, #tpu.memory_space<vmem>>)
      %add3A_139 = arith.constant 0 : i32
      %add3A_140 = arith.addi %add3A_130, %add3A_139 : i32
      %dma_start3A_141 = arith.constant 0 : i32
      %dma_start3A_142 = tpu.memref_slice %arg9[%add3A_140, %dma_start3A_141] : memref<80x128xi32, #tpu.memory_space<vmem>> -> memref<1x128xi32, #tpu.memory_space<vmem>>
      %dma_start3A_143 = tpu.memref_squeeze %dma_start3A_142 : memref<1x128xi32, #tpu.memory_space<vmem>> -> memref<128xi32, #tpu.memory_space<vmem>>
      %dma_start3A_144 = arith.constant 0 : i32
      %dma_start3A_145 = arith.constant 0 : i32
      %dma_start3A_146 = tpu.memref_slice %arg14[%dma_start3A_144, %dma_start3A_145] : memref<10240x32xf32, #tpu.memory_space<vmem_shared>> -> memref<10240x32xf32, #tpu.memory_space<vmem_shared>>
      tpu.enqueue_indirect_dma source(%arg10 : memref<128x32xf32, #tpu.memory_space<vmem>>) target(%dma_start3A_146 : memref<10240x32xf32, #tpu.memory_space<vmem_shared>>) offsets(%dma_start3A_143 : memref<128xi32, #tpu.memory_space<vmem>>) semaphore(%arg19 : memref<!tpu.dma_semaphore, #tpu.memory_space<semaphore_mem>>) {add = true}
      %add3A_147 = arith.constant 1 : i32
      %add3A_148 = arith.addi %add3A_130, %add3A_147 : i32
      %dma_wait3A_149 = arith.constant 0 : i32
      %dma_wait3A_150 = tpu.memref_slice %arg8[%add3A_148, %dma_wait3A_149] : memref<80x128xi32, #tpu.memory_space<vmem>> -> memref<1x128xi32, #tpu.memory_space<vmem>>
      %dma_wait3A_151 = tpu.memref_squeeze %dma_wait3A_150 : memref<1x128xi32, #tpu.memory_space<vmem>> -> memref<128xi32, #tpu.memory_space<vmem>>
      %dma_wait3A_152 = arith.constant 0 : i32
      %dma_wait3A_153 = arith.constant 0 : i32
      %dma_wait3A_154 = tpu.memref_slice %arg23[%dma_wait3A_152, %dma_wait3A_153] : memref<10000x32xf32, #tpu.memory_space<vmem_shared>> -> memref<10000x32xf32, #tpu.memory_space<vmem_shared>>
      tpu.wait_indirect_dma semaphore(%arg16 : memref<!tpu.dma_semaphore, #tpu.memory_space<semaphore_mem>>) src(%dma_wait3A_154 : memref<10000x32xf32, #tpu.memory_space<vmem_shared>>) dst(%arg11 : memref<128x32xf32, #tpu.memory_space<vmem>>)
      %add3A_155 = arith.constant 1 : i32
      %add3A_156 = arith.addi %add3A_130, %add3A_155 : i32
      %dma_start3A_157 = arith.constant 0 : i32
      %dma_start3A_158 = tpu.memref_slice %arg9[%add3A_156, %dma_start3A_157] : memref<80x128xi32, #tpu.memory_space<vmem>> -> memref<1x128xi32, #tpu.memory_space<vmem>>
      %dma_start3A_159 = tpu.memref_squeeze %dma_start3A_158 : memref<1x128xi32, #tpu.memory_space<vmem>> -> memref<128xi32, #tpu.memory_space<vmem>>
      %dma_start3A_160 = arith.constant 0 : i32
      %dma_start3A_161 = arith.constant 0 : i32
      %dma_start3A_162 = tpu.memref_slice %arg14[%dma_start3A_160, %dma_start3A_161] : memref<10240x32xf32, #tpu.memory_space<vmem_shared>> -> memref<10240x32xf32, #tpu.memory_space<vmem_shared>>
      tpu.enqueue_indirect_dma source(%arg11 : memref<128x32xf32, #tpu.memory_space<vmem>>) target(%dma_start3A_162 : memref<10240x32xf32, #tpu.memory_space<vmem_shared>>) offsets(%dma_start3A_159 : memref<128xi32, #tpu.memory_space<vmem>>) semaphore(%arg20 : memref<!tpu.dma_semaphore, #tpu.memory_space<semaphore_mem>>) {add = true}
      %add3A_163 = arith.constant 2 : i32
      %add3A_164 = arith.addi %add3A_130, %add3A_163 : i32
      %dma_wait3A_165 = arith.constant 0 : i32
      %dma_wait3A_166 = tpu.memref_slice %arg8[%add3A_164, %dma_wait3A_165] : memref<80x128xi32, #tpu.memory_space<vmem>> -> memref<1x128xi32, #tpu.memory_space<vmem>>
      %dma_wait3A_167 = tpu.memref_squeeze %dma_wait3A_166 : memref<1x128xi32, #tpu.memory_space<vmem>> -> memref<128xi32, #tpu.memory_space<vmem>>
      %dma_wait3A_168 = arith.constant 0 : i32
      %dma_wait3A_169 = arith.constant 0 : i32
      %dma_wait3A_170 = tpu.memref_slice %arg23[%dma_wait3A_168, %dma_wait3A_169] : memref<10000x32xf32, #tpu.memory_space<vmem_shared>> -> memref<10000x32xf32, #tpu.memory_space<vmem_shared>>
      tpu.wait_indirect_dma semaphore(%arg17 : memref<!tpu.dma_semaphore, #tpu.memory_space<semaphore_mem>>) src(%dma_wait3A_170 : memref<10000x32xf32, #tpu.memory_space<vmem_shared>>) dst(%arg12 : memref<128x32xf32, #tpu.memory_space<vmem>>)
      %add3A_171 = arith.constant 2 : i32
      %add3A_172 = arith.addi %add3A_130, %add3A_171 : i32
      %dma_start3A_173 = arith.constant 0 : i32
      %dma_start3A_174 = tpu.memref_slice %arg9[%add3A_172, %dma_start3A_173] : memref<80x128xi32, #tpu.memory_space<vmem>> -> memref<1x128xi32, #tpu.memory_space<vmem>>
      %dma_start3A_175 = tpu.memref_squeeze %dma_start3A_174 : memref<1x128xi32, #tpu.memory_space<vmem>> -> memref<128xi32, #tpu.memory_space<vmem>>
      %dma_start3A_176 = arith.constant 0 : i32
      %dma_start3A_177 = arith.constant 0 : i32
      %dma_start3A_178 = tpu.memref_slice %arg14[%dma_start3A_176, %dma_start3A_177] : memref<10240x32xf32, #tpu.memory_space<vmem_shared>> -> memref<10240x32xf32, #tpu.memory_space<vmem_shared>>
      tpu.enqueue_indirect_dma source(%arg12 : memref<128x32xf32, #tpu.memory_space<vmem>>) target(%dma_start3A_178 : memref<10240x32xf32, #tpu.memory_space<vmem_shared>>) offsets(%dma_start3A_175 : memref<128xi32, #tpu.memory_space<vmem>>) semaphore(%arg21 : memref<!tpu.dma_semaphore, #tpu.memory_space<semaphore_mem>>) {add = true}
      %add3A_179 = arith.constant 3 : i32
      %add3A_180 = arith.addi %add3A_130, %add3A_179 : i32
      %dma_wait3A_181 = arith.constant 0 : i32
      %dma_wait3A_182 = tpu.memref_slice %arg8[%add3A_180, %dma_wait3A_181] : memref<80x128xi32, #tpu.memory_space<vmem>> -> memref<1x128xi32, #tpu.memory_space<vmem>>
      %dma_wait3A_183 = tpu.memref_squeeze %dma_wait3A_182 : memref<1x128xi32, #tpu.memory_space<vmem>> -> memref<128xi32, #tpu.memory_space<vmem>>
      %dma_wait3A_184 = arith.constant 0 : i32
      %dma_wait3A_185 = arith.constant 0 : i32
      %dma_wait3A_186 = tpu.memref_slice %arg23[%dma_wait3A_184, %dma_wait3A_185] : memref<10000x32xf32, #tpu.memory_space<vmem_shared>> -> memref<10000x32xf32, #tpu.memory_space<vmem_shared>>
      tpu.wait_indirect_dma semaphore(%arg18 : memref<!tpu.dma_semaphore, #tpu.memory_space<semaphore_mem>>) src(%dma_wait3A_186 : memref<10000x32xf32, #tpu.memory_space<vmem_shared>>) dst(%arg13 : memref<128x32xf32, #tpu.memory_space<vmem>>)
      %add3A_187 = arith.constant 3 : i32
      %add3A_188 = arith.addi %add3A_130, %add3A_187 : i32
      %dma_start3A_189 = arith.constant 0 : i32
      %dma_start3A_190 = tpu.memref_slice %arg9[%add3A_188, %dma_start3A_189] : memref<80x128xi32, #tpu.memory_space<vmem>> -> memref<1x128xi32, #tpu.memory_space<vmem>>
      %dma_start3A_191 = tpu.memref_squeeze %dma_start3A_190 : memref<1x128xi32, #tpu.memory_space<vmem>> -> memref<128xi32, #tpu.memory_space<vmem>>
      %dma_start3A_192 = arith.constant 0 : i32
      %dma_start3A_193 = arith.constant 0 : i32
      %dma_start3A_194 = tpu.memref_slice %arg14[%dma_start3A_192, %dma_start3A_193] : memref<10240x32xf32, #tpu.memory_space<vmem_shared>> -> memref<10240x32xf32, #tpu.memory_space<vmem_shared>>
      tpu.enqueue_indirect_dma source(%arg13 : memref<128x32xf32, #tpu.memory_space<vmem>>) target(%dma_start3A_194 : memref<10240x32xf32, #tpu.memory_space<vmem_shared>>) offsets(%dma_start3A_191 : memref<128xi32, #tpu.memory_space<vmem>>) semaphore(%arg22 : memref<!tpu.dma_semaphore, #tpu.memory_space<semaphore_mem>>) {add = true}
      %add3A_195 = arith.constant 0 : i32
      %add3A_196 = arith.addi %add3A_130, %add3A_195 : i32
      %dma_wait3A_197 = arith.constant 0 : i32
      %dma_wait3A_198 = tpu.memref_slice %arg9[%add3A_196, %dma_wait3A_197] : memref<80x128xi32, #tpu.memory_space<vmem>> -> memref<1x128xi32, #tpu.memory_space<vmem>>
      %dma_wait3A_199 = tpu.memref_squeeze %dma_wait3A_198 : memref<1x128xi32, #tpu.memory_space<vmem>> -> memref<128xi32, #tpu.memory_space<vmem>>
      %dma_wait3A_200 = arith.constant 0 : i32
      %dma_wait3A_201 = arith.constant 0 : i32
      %dma_wait3A_202 = tpu.memref_slice %arg14[%dma_wait3A_200, %dma_wait3A_201] : memref<10240x32xf32, #tpu.memory_space<vmem_shared>> -> memref<10240x32xf32, #tpu.memory_space<vmem_shared>>
      tpu.wait_indirect_dma semaphore(%arg19 : memref<!tpu.dma_semaphore, #tpu.memory_space<semaphore_mem>>) src(%arg10 : memref<128x32xf32, #tpu.memory_space<vmem>>) dst(%dma_wait3A_202 : memref<10240x32xf32, #tpu.memory_space<vmem_shared>>)
      %add3A_203 = arith.constant 4 : i32
      %add3A_204 = arith.addi %add3A_130, %add3A_203 : i32
      %add3A_205 = arith.constant 0 : i32
      %add3A_206 = arith.addi %add3A_204, %add3A_205 : i32
      %dma_start3A_207 = arith.constant 0 : i32
      %dma_start3A_208 = tpu.memref_slice %arg8[%add3A_206, %dma_start3A_207] : memref<80x128xi32, #tpu.memory_space<vmem>> -> memref<1x128xi32, #tpu.memory_space<vmem>>
      %dma_start3A_209 = tpu.memref_squeeze %dma_start3A_208 : memref<1x128xi32, #tpu.memory_space<vmem>> -> memref<128xi32, #tpu.memory_space<vmem>>
      %dma_start3A_210 = arith.constant 0 : i32
      %dma_start3A_211 = arith.constant 0 : i32
      %dma_start3A_212 = tpu.memref_slice %arg23[%dma_start3A_210, %dma_start3A_211] : memref<10000x32xf32, #tpu.memory_space<vmem_shared>> -> memref<10000x32xf32, #tpu.memory_space<vmem_shared>>
      tpu.enqueue_indirect_dma source(%dma_start3A_212 : memref<10000x32xf32, #tpu.memory_space<vmem_shared>>) target(%arg10 : memref<128x32xf32, #tpu.memory_space<vmem>>) offsets(%dma_start3A_209 : memref<128xi32, #tpu.memory_space<vmem>>) semaphore(%arg15 : memref<!tpu.dma_semaphore, #tpu.memory_space<semaphore_mem>>)
      %add3A_213 = arith.constant 1 : i32
      %add3A_214 = arith.addi %add3A_130, %add3A_213 : i32
      %dma_wait3A_215 = arith.constant 0 : i32
      %dma_wait3A_216 = tpu.memref_slice %arg9[%add3A_214, %dma_wait3A_215] : memref<80x128xi32, #tpu.memory_space<vmem>> -> memref<1x128xi32, #tpu.memory_space<vmem>>
      %dma_wait3A_217 = tpu.memref_squeeze %dma_wait3A_216 : memref<1x128xi32, #tpu.memory_space<vmem>> -> memref<128xi32, #tpu.memory_space<vmem>>
      %dma_wait3A_218 = arith.constant 0 : i32
      %dma_wait3A_219 = arith.constant 0 : i32
      %dma_wait3A_220 = tpu.memref_slice %arg14[%dma_wait3A_218, %dma_wait3A_219] : memref<10240x32xf32, #tpu.memory_space<vmem_shared>> -> memref<10240x32xf32, #tpu.memory_space<vmem_shared>>
      tpu.wait_indirect_dma semaphore(%arg20 : memref<!tpu.dma_semaphore, #tpu.memory_space<semaphore_mem>>) src(%arg11 : memref<128x32xf32, #tpu.memory_space<vmem>>) dst(%dma_wait3A_220 : memref<10240x32xf32, #tpu.memory_space<vmem_shared>>)
      %add3A_221 = arith.constant 4 : i32
      %add3A_222 = arith.addi %add3A_130, %add3A_221 : i32
      %add3A_223 = arith.constant 1 : i32
      %add3A_224 = arith.addi %add3A_222, %add3A_223 : i32
      %dma_start3A_225 = arith.constant 0 : i32
      %dma_start3A_226 = tpu.memref_slice %arg8[%add3A_224, %dma_start3A_225] : memref<80x128xi32, #tpu.memory_space<vmem>> -> memref<1x128xi32, #tpu.memory_space<vmem>>
      %dma_start3A_227 = tpu.memref_squeeze %dma_start3A_226 : memref<1x128xi32, #tpu.memory_space<vmem>> -> memref<128xi32, #tpu.memory_space<vmem>>
      %dma_start3A_228 = arith.constant 0 : i32
      %dma_start3A_229 = arith.constant 0 : i32
      %dma_start3A_230 = tpu.memref_slice %arg23[%dma_start3A_228, %dma_start3A_229] : memref<10000x32xf32, #tpu.memory_space<vmem_shared>> -> memref<10000x32xf32, #tpu.memory_space<vmem_shared>>
      tpu.enqueue_indirect_dma source(%dma_start3A_230 : memref<10000x32xf32, #tpu.memory_space<vmem_shared>>) target(%arg11 : memref<128x32xf32, #tpu.memory_space<vmem>>) offsets(%dma_start3A_227 : memref<128xi32, #tpu.memory_space<vmem>>) semaphore(%arg16 : memref<!tpu.dma_semaphore, #tpu.memory_space<semaphore_mem>>)
      %add3A_231 = arith.constant 2 : i32
      %add3A_232 = arith.addi %add3A_130, %add3A_231 : i32
      %dma_wait3A_233 = arith.constant 0 : i32
      %dma_wait3A_234 = tpu.memref_slice %arg9[%add3A_232, %dma_wait3A_233] : memref<80x128xi32, #tpu.memory_space<vmem>> -> memref<1x128xi32, #tpu.memory_space<vmem>>
      %dma_wait3A_235 = tpu.memref_squeeze %dma_wait3A_234 : memref<1x128xi32, #tpu.memory_space<vmem>> -> memref<128xi32, #tpu.memory_space<vmem>>
      %dma_wait3A_236 = arith.constant 0 : i32
      %dma_wait3A_237 = arith.constant 0 : i32
      %dma_wait3A_238 = tpu.memref_slice %arg14[%dma_wait3A_236, %dma_wait3A_237] : memref<10240x32xf32, #tpu.memory_space<vmem_shared>> -> memref<10240x32xf32, #tpu.memory_space<vmem_shared>>
      tpu.wait_indirect_dma semaphore(%arg21 : memref<!tpu.dma_semaphore, #tpu.memory_space<semaphore_mem>>) src(%arg12 : memref<128x32xf32, #tpu.memory_space<vmem>>) dst(%dma_wait3A_238 : memref<10240x32xf32, #tpu.memory_space<vmem_shared>>)
      %add3A_239 = arith.constant 4 : i32
      %add3A_240 = arith.addi %add3A_130, %add3A_239 : i32
      %add3A_241 = arith.constant 2 : i32
      %add3A_242 = arith.addi %add3A_240, %add3A_241 : i32
      %dma_start3A_243 = arith.constant 0 : i32
      %dma_start3A_244 = tpu.memref_slice %arg8[%add3A_242, %dma_start3A_243] : memref<80x128xi32, #tpu.memory_space<vmem>> -> memref<1x128xi32, #tpu.memory_space<vmem>>
      %dma_start3A_245 = tpu.memref_squeeze %dma_start3A_244 : memref<1x128xi32, #tpu.memory_space<vmem>> -> memref<128xi32, #tpu.memory_space<vmem>>
      %dma_start3A_246 = arith.constant 0 : i32
      %dma_start3A_247 = arith.constant 0 : i32
      %dma_start3A_248 = tpu.memref_slice %arg23[%dma_start3A_246, %dma_start3A_247] : memref<10000x32xf32, #tpu.memory_space<vmem_shared>> -> memref<10000x32xf32, #tpu.memory_space<vmem_shared>>
      tpu.enqueue_indirect_dma source(%dma_start3A_248 : memref<10000x32xf32, #tpu.memory_space<vmem_shared>>) target(%arg12 : memref<128x32xf32, #tpu.memory_space<vmem>>) offsets(%dma_start3A_245 : memref<128xi32, #tpu.memory_space<vmem>>) semaphore(%arg17 : memref<!tpu.dma_semaphore, #tpu.memory_space<semaphore_mem>>)
      %add3A_249 = arith.constant 3 : i32
      %add3A_250 = arith.addi %add3A_130, %add3A_249 : i32
      %dma_wait3A_251 = arith.constant 0 : i32
      %dma_wait3A_252 = tpu.memref_slice %arg9[%add3A_250, %dma_wait3A_251] : memref<80x128xi32, #tpu.memory_space<vmem>> -> memref<1x128xi32, #tpu.memory_space<vmem>>
      %dma_wait3A_253 = tpu.memref_squeeze %dma_wait3A_252 : memref<1x128xi32, #tpu.memory_space<vmem>> -> memref<128xi32, #tpu.memory_space<vmem>>
      %dma_wait3A_254 = arith.constant 0 : i32
      %dma_wait3A_255 = arith.constant 0 : i32
      %dma_wait3A_256 = tpu.memref_slice %arg14[%dma_wait3A_254, %dma_wait3A_255] : memref<10240x32xf32, #tpu.memory_space<vmem_shared>> -> memref<10240x32xf32, #tpu.memory_space<vmem_shared>>
      tpu.wait_indirect_dma semaphore(%arg22 : memref<!tpu.dma_semaphore, #tpu.memory_space<semaphore_mem>>) src(%arg13 : memref<128x32xf32, #tpu.memory_space<vmem>>) dst(%dma_wait3A_256 : memref<10240x32xf32, #tpu.memory_space<vmem_shared>>)
      %add3A_257 = arith.constant 4 : i32
      %add3A_258 = arith.addi %add3A_130, %add3A_257 : i32
      %add3A_259 = arith.constant 3 : i32
      %add3A_260 = arith.addi %add3A_258, %add3A_259 : i32
      %dma_start3A_261 = arith.constant 0 : i32
      %dma_start3A_262 = tpu.memref_slice %arg8[%add3A_260, %dma_start3A_261] : memref<80x128xi32, #tpu.memory_space<vmem>> -> memref<1x128xi32, #tpu.memory_space<vmem>>
      %dma_start3A_263 = tpu.memref_squeeze %dma_start3A_262 : memref<1x128xi32, #tpu.memory_space<vmem>> -> memref<128xi32, #tpu.memory_space<vmem>>
      %dma_start3A_264 = arith.constant 0 : i32
      %dma_start3A_265 = arith.constant 0 : i32
      %dma_start3A_266 = tpu.memref_slice %arg23[%dma_start3A_264, %dma_start3A_265] : memref<10000x32xf32, #tpu.memory_space<vmem_shared>> -> memref<10000x32xf32, #tpu.memory_space<vmem_shared>>
      tpu.enqueue_indirect_dma source(%dma_start3A_266 : memref<10000x32xf32, #tpu.memory_space<vmem_shared>>) target(%arg13 : memref<128x32xf32, #tpu.memory_space<vmem>>) offsets(%dma_start3A_263 : memref<128xi32, #tpu.memory_space<vmem>>) semaphore(%arg18 : memref<!tpu.dma_semaphore, #tpu.memory_space<semaphore_mem>>)
    }
    %scan3A_41 = arith.constant 19 : i32
    %dma_wait3A = arith.constant 76 : i32
    %dma_wait3A_42 = arith.constant 0 : i32
    %dma_wait3A_43 = tpu.memref_slice %arg8[%dma_wait3A, %dma_wait3A_42] : memref<80x128xi32, #tpu.memory_space<vmem>> -> memref<1x128xi32, #tpu.memory_space<vmem>>
    %dma_wait3A_44 = tpu.memref_squeeze %dma_wait3A_43 : memref<1x128xi32, #tpu.memory_space<vmem>> -> memref<128xi32, #tpu.memory_space<vmem>>
    %dma_wait3A_45 = arith.constant 0 : i32
    %dma_wait3A_46 = arith.constant 0 : i32
    %dma_wait3A_47 = tpu.memref_slice %arg23[%dma_wait3A_45, %dma_wait3A_46] : memref<10000x32xf32, #tpu.memory_space<vmem_shared>> -> memref<10000x32xf32, #tpu.memory_space<vmem_shared>>
    tpu.wait_indirect_dma semaphore(%arg15 : memref<!tpu.dma_semaphore, #tpu.memory_space<semaphore_mem>>) src(%dma_wait3A_47 : memref<10000x32xf32, #tpu.memory_space<vmem_shared>>) dst(%arg10 : memref<128x32xf32, #tpu.memory_space<vmem>>)
    %dma_start3A_48 = arith.constant 76 : i32
    %dma_start3A_49 = arith.constant 0 : i32
    %dma_start3A_50 = tpu.memref_slice %arg9[%dma_start3A_48, %dma_start3A_49] : memref<80x128xi32, #tpu.memory_space<vmem>> -> memref<1x128xi32, #tpu.memory_space<vmem>>
    %dma_start3A_51 = tpu.memref_squeeze %dma_start3A_50 : memref<1x128xi32, #tpu.memory_space<vmem>> -> memref<128xi32, #tpu.memory_space<vmem>>
    %dma_start3A_52 = arith.constant 0 : i32
    %dma_start3A_53 = arith.constant 0 : i32
    %dma_start3A_54 = tpu.memref_slice %arg14[%dma_start3A_52, %dma_start3A_53] : memref<10240x32xf32, #tpu.memory_space<vmem_shared>> -> memref<10240x32xf32, #tpu.memory_space<vmem_shared>>
    tpu.enqueue_indirect_dma source(%arg10 : memref<128x32xf32, #tpu.memory_space<vmem>>) target(%dma_start3A_54 : memref<10240x32xf32, #tpu.memory_space<vmem_shared>>) offsets(%dma_start3A_51 : memref<128xi32, #tpu.memory_space<vmem>>) semaphore(%arg19 : memref<!tpu.dma_semaphore, #tpu.memory_space<semaphore_mem>>) {add = true}
    %dma_wait3A_55 = arith.constant 77 : i32
    %dma_wait3A_56 = arith.constant 0 : i32
    %dma_wait3A_57 = tpu.memref_slice %arg8[%dma_wait3A_55, %dma_wait3A_56] : memref<80x128xi32, #tpu.memory_space<vmem>> -> memref<1x128xi32, #tpu.memory_space<vmem>>
    %dma_wait3A_58 = tpu.memref_squeeze %dma_wait3A_57 : memref<1x128xi32, #tpu.memory_space<vmem>> -> memref<128xi32, #tpu.memory_space<vmem>>
    %dma_wait3A_59 = arith.constant 0 : i32
    %dma_wait3A_60 = arith.constant 0 : i32
    %dma_wait3A_61 = tpu.memref_slice %arg23[%dma_wait3A_59, %dma_wait3A_60] : memref<10000x32xf32, #tpu.memory_space<vmem_shared>> -> memref<10000x32xf32, #tpu.memory_space<vmem_shared>>
    tpu.wait_indirect_dma semaphore(%arg16 : memref<!tpu.dma_semaphore, #tpu.memory_space<semaphore_mem>>) src(%dma_wait3A_61 : memref<10000x32xf32, #tpu.memory_space<vmem_shared>>) dst(%arg11 : memref<128x32xf32, #tpu.memory_space<vmem>>)
    %dma_start3A_62 = arith.constant 77 : i32
    %dma_start3A_63 = arith.constant 0 : i32
    %dma_start3A_64 = tpu.memref_slice %arg9[%dma_start3A_62, %dma_start3A_63] : memref<80x128xi32, #tpu.memory_space<vmem>> -> memref<1x128xi32, #tpu.memory_space<vmem>>
    %dma_start3A_65 = tpu.memref_squeeze %dma_start3A_64 : memref<1x128xi32, #tpu.memory_space<vmem>> -> memref<128xi32, #tpu.memory_space<vmem>>
    %dma_start3A_66 = arith.constant 0 : i32
    %dma_start3A_67 = arith.constant 0 : i32
    %dma_start3A_68 = tpu.memref_slice %arg14[%dma_start3A_66, %dma_start3A_67] : memref<10240x32xf32, #tpu.memory_space<vmem_shared>> -> memref<10240x32xf32, #tpu.memory_space<vmem_shared>>
    tpu.enqueue_indirect_dma source(%arg11 : memref<128x32xf32, #tpu.memory_space<vmem>>) target(%dma_start3A_68 : memref<10240x32xf32, #tpu.memory_space<vmem_shared>>) offsets(%dma_start3A_65 : memref<128xi32, #tpu.memory_space<vmem>>) semaphore(%arg20 : memref<!tpu.dma_semaphore, #tpu.memory_space<semaphore_mem>>) {add = true}
    %dma_wait3A_69 = arith.constant 78 : i32
    %dma_wait3A_70 = arith.constant 0 : i32
    %dma_wait3A_71 = tpu.memref_slice %arg8[%dma_wait3A_69, %dma_wait3A_70] : memref<80x128xi32, #tpu.memory_space<vmem>> -> memref<1x128xi32, #tpu.memory_space<vmem>>
    %dma_wait3A_72 = tpu.memref_squeeze %dma_wait3A_71 : memref<1x128xi32, #tpu.memory_space<vmem>> -> memref<128xi32, #tpu.memory_space<vmem>>
    %dma_wait3A_73 = arith.constant 0 : i32
    %dma_wait3A_74 = arith.constant 0 : i32
    %dma_wait3A_75 = tpu.memref_slice %arg23[%dma_wait3A_73, %dma_wait3A_74] : memref<10000x32xf32, #tpu.memory_space<vmem_shared>> -> memref<10000x32xf32, #tpu.memory_space<vmem_shared>>
    tpu.wait_indirect_dma semaphore(%arg17 : memref<!tpu.dma_semaphore, #tpu.memory_space<semaphore_mem>>) src(%dma_wait3A_75 : memref<10000x32xf32, #tpu.memory_space<vmem_shared>>) dst(%arg12 : memref<128x32xf32, #tpu.memory_space<vmem>>)
    %dma_start3A_76 = arith.constant 78 : i32
    %dma_start3A_77 = arith.constant 0 : i32
    %dma_start3A_78 = tpu.memref_slice %arg9[%dma_start3A_76, %dma_start3A_77] : memref<80x128xi32, #tpu.memory_space<vmem>> -> memref<1x128xi32, #tpu.memory_space<vmem>>
    %dma_start3A_79 = tpu.memref_squeeze %dma_start3A_78 : memref<1x128xi32, #tpu.memory_space<vmem>> -> memref<128xi32, #tpu.memory_space<vmem>>
    %dma_start3A_80 = arith.constant 0 : i32
    %dma_start3A_81 = arith.constant 0 : i32
    %dma_start3A_82 = tpu.memref_slice %arg14[%dma_start3A_80, %dma_start3A_81] : memref<10240x32xf32, #tpu.memory_space<vmem_shared>> -> memref<10240x32xf32, #tpu.memory_space<vmem_shared>>
    tpu.enqueue_indirect_dma source(%arg12 : memref<128x32xf32, #tpu.memory_space<vmem>>) target(%dma_start3A_82 : memref<10240x32xf32, #tpu.memory_space<vmem_shared>>) offsets(%dma_start3A_79 : memref<128xi32, #tpu.memory_space<vmem>>) semaphore(%arg21 : memref<!tpu.dma_semaphore, #tpu.memory_space<semaphore_mem>>) {add = true}
    %dma_wait3A_83 = arith.constant 79 : i32
    %dma_wait3A_84 = arith.constant 0 : i32
    %dma_wait3A_85 = tpu.memref_slice %arg8[%dma_wait3A_83, %dma_wait3A_84] : memref<80x128xi32, #tpu.memory_space<vmem>> -> memref<1x128xi32, #tpu.memory_space<vmem>>
    %dma_wait3A_86 = tpu.memref_squeeze %dma_wait3A_85 : memref<1x128xi32, #tpu.memory_space<vmem>> -> memref<128xi32, #tpu.memory_space<vmem>>
    %dma_wait3A_87 = arith.constant 0 : i32
    %dma_wait3A_88 = arith.constant 0 : i32
    %dma_wait3A_89 = tpu.memref_slice %arg23[%dma_wait3A_87, %dma_wait3A_88] : memref<10000x32xf32, #tpu.memory_space<vmem_shared>> -> memref<10000x32xf32, #tpu.memory_space<vmem_shared>>
    tpu.wait_indirect_dma semaphore(%arg18 : memref<!tpu.dma_semaphore, #tpu.memory_space<semaphore_mem>>) src(%dma_wait3A_89 : memref<10000x32xf32, #tpu.memory_space<vmem_shared>>) dst(%arg13 : memref<128x32xf32, #tpu.memory_space<vmem>>)
    %dma_start3A_90 = arith.constant 79 : i32
    %dma_start3A_91 = arith.constant 0 : i32
    %dma_start3A_92 = tpu.memref_slice %arg9[%dma_start3A_90, %dma_start3A_91] : memref<80x128xi32, #tpu.memory_space<vmem>> -> memref<1x128xi32, #tpu.memory_space<vmem>>
    %dma_start3A_93 = tpu.memref_squeeze %dma_start3A_92 : memref<1x128xi32, #tpu.memory_space<vmem>> -> memref<128xi32, #tpu.memory_space<vmem>>
    %dma_start3A_94 = arith.constant 0 : i32
    %dma_start3A_95 = arith.constant 0 : i32
    %dma_start3A_96 = tpu.memref_slice %arg14[%dma_start3A_94, %dma_start3A_95] : memref<10240x32xf32, #tpu.memory_space<vmem_shared>> -> memref<10240x32xf32, #tpu.memory_space<vmem_shared>>
    tpu.enqueue_indirect_dma source(%arg13 : memref<128x32xf32, #tpu.memory_space<vmem>>) target(%dma_start3A_96 : memref<10240x32xf32, #tpu.memory_space<vmem_shared>>) offsets(%dma_start3A_93 : memref<128xi32, #tpu.memory_space<vmem>>) semaphore(%arg22 : memref<!tpu.dma_semaphore, #tpu.memory_space<semaphore_mem>>) {add = true}
    %dma_wait3A_97 = arith.constant 76 : i32
    %dma_wait3A_98 = arith.constant 0 : i32
    %dma_wait3A_99 = tpu.memref_slice %arg9[%dma_wait3A_97, %dma_wait3A_98] : memref<80x128xi32, #tpu.memory_space<vmem>> -> memref<1x128xi32, #tpu.memory_space<vmem>>
    %dma_wait3A_100 = tpu.memref_squeeze %dma_wait3A_99 : memref<1x128xi32, #tpu.memory_space<vmem>> -> memref<128xi32, #tpu.memory_space<vmem>>
    %dma_wait3A_101 = arith.constant 0 : i32
    %dma_wait3A_102 = arith.constant 0 : i32
    %dma_wait3A_103 = tpu.memref_slice %arg14[%dma_wait3A_101, %dma_wait3A_102] : memref<10240x32xf32, #tpu.memory_space<vmem_shared>> -> memref<10240x32xf32, #tpu.memory_space<vmem_shared>>
    tpu.wait_indirect_dma semaphore(%arg19 : memref<!tpu.dma_semaphore, #tpu.memory_space<semaphore_mem>>) src(%arg10 : memref<128x32xf32, #tpu.memory_space<vmem>>) dst(%dma_wait3A_103 : memref<10240x32xf32, #tpu.memory_space<vmem_shared>>)
    %dma_wait3A_104 = arith.constant 77 : i32
    %dma_wait3A_105 = arith.constant 0 : i32
    %dma_wait3A_106 = tpu.memref_slice %arg9[%dma_wait3A_104, %dma_wait3A_105] : memref<80x128xi32, #tpu.memory_space<vmem>> -> memref<1x128xi32, #tpu.memory_space<vmem>>
    %dma_wait3A_107 = tpu.memref_squeeze %dma_wait3A_106 : memref<1x128xi32, #tpu.memory_space<vmem>> -> memref<128xi32, #tpu.memory_space<vmem>>
    %dma_wait3A_108 = arith.constant 0 : i32
    %dma_wait3A_109 = arith.constant 0 : i32
    %dma_wait3A_110 = tpu.memref_slice %arg14[%dma_wait3A_108, %dma_wait3A_109] : memref<10240x32xf32, #tpu.memory_space<vmem_shared>> -> memref<10240x32xf32, #tpu.memory_space<vmem_shared>>
    tpu.wait_indirect_dma semaphore(%arg20 : memref<!tpu.dma_semaphore, #tpu.memory_space<semaphore_mem>>) src(%arg11 : memref<128x32xf32, #tpu.memory_space<vmem>>) dst(%dma_wait3A_110 : memref<10240x32xf32, #tpu.memory_space<vmem_shared>>)
    %dma_wait3A_111 = arith.constant 78 : i32
    %dma_wait3A_112 = arith.constant 0 : i32
    %dma_wait3A_113 = tpu.memref_slice %arg9[%dma_wait3A_111, %dma_wait3A_112] : memref<80x128xi32, #tpu.memory_space<vmem>> -> memref<1x128xi32, #tpu.memory_space<vmem>>
    %dma_wait3A_114 = tpu.memref_squeeze %dma_wait3A_113 : memref<1x128xi32, #tpu.memory_space<vmem>> -> memref<128xi32, #tpu.memory_space<vmem>>
    %dma_wait3A_115 = arith.constant 0 : i32
    %dma_wait3A_116 = arith.constant 0 : i32
    %dma_wait3A_117 = tpu.memref_slice %arg14[%dma_wait3A_115, %dma_wait3A_116] : memref<10240x32xf32, #tpu.memory_space<vmem_shared>> -> memref<10240x32xf32, #tpu.memory_space<vmem_shared>>
    tpu.wait_indirect_dma semaphore(%arg21 : memref<!tpu.dma_semaphore, #tpu.memory_space<semaphore_mem>>) src(%arg12 : memref<128x32xf32, #tpu.memory_space<vmem>>) dst(%dma_wait3A_117 : memref<10240x32xf32, #tpu.memory_space<vmem_shared>>)
    %dma_wait3A_118 = arith.constant 79 : i32
    %dma_wait3A_119 = arith.constant 0 : i32
    %dma_wait3A_120 = tpu.memref_slice %arg9[%dma_wait3A_118, %dma_wait3A_119] : memref<80x128xi32, #tpu.memory_space<vmem>> -> memref<1x128xi32, #tpu.memory_space<vmem>>
    %dma_wait3A_121 = tpu.memref_squeeze %dma_wait3A_120 : memref<1x128xi32, #tpu.memory_space<vmem>> -> memref<128xi32, #tpu.memory_space<vmem>>
    %dma_wait3A_122 = arith.constant 0 : i32
    %dma_wait3A_123 = arith.constant 0 : i32
    %dma_wait3A_124 = tpu.memref_slice %arg14[%dma_wait3A_122, %dma_wait3A_123] : memref<10240x32xf32, #tpu.memory_space<vmem_shared>> -> memref<10240x32xf32, #tpu.memory_space<vmem_shared>>
    tpu.wait_indirect_dma semaphore(%arg22 : memref<!tpu.dma_semaphore, #tpu.memory_space<semaphore_mem>>) src(%arg13 : memref<128x32xf32, #tpu.memory_space<vmem>>) dst(%dma_wait3A_124 : memref<10240x32xf32, #tpu.memory_space<vmem_shared>>)
    %barrier3A_125 = arith.constant 0 : index
    tpu.barrier barrier_id(%barrier3A_125)
    "tpu.region"() ({
      %run_scoped3A_126 = tpu.sem_alloc : memref<!tpu.dma_semaphore, #tpu.memory_space<semaphore_mem>>
      %dma_start3A_127 = arith.constant 0 : i32
      %dma_start3A_128 = tpu.memref_slice %arg7[%arg0, %mul3A_2, %dma_start3A_127] : memref<2x10240x32xf32, #tpu.memory_space<hbm>> -> memref<1x640x32xf32, #tpu.memory_space<hbm>>
      %dma_start3A_129 = tpu.memref_squeeze %dma_start3A_128 : memref<1x640x32xf32, #tpu.memory_space<hbm>> -> memref<640x32xf32, #tpu.memory_space<hbm>>
      %dma_start3A_130 = arith.constant 0 : i32
      %dma_start3A_131 = tpu.memref_slice %arg14[%mul3A_2, %dma_start3A_130] : memref<10240x32xf32, #tpu.memory_space<vmem_shared>> -> memref<640x32xf32, #tpu.memory_space<vmem_shared>>
      tpu.enqueue_dma source(%dma_start3A_131 : memref<640x32xf32, #tpu.memory_space<vmem_shared>>) target(%dma_start3A_129 : memref<640x32xf32, #tpu.memory_space<hbm>>) target_semaphore(%run_scoped3A_126 : memref<!tpu.dma_semaphore, #tpu.memory_space<semaphore_mem>>)
      %dma_wait3A_132 = arith.constant 0 : i32
      %dma_wait3A_133 = tpu.memref_slice %arg7[%arg0, %mul3A_2, %dma_wait3A_132] : memref<2x10240x32xf32, #tpu.memory_space<hbm>> -> memref<1x640x32xf32, #tpu.memory_space<hbm>>
      %dma_wait3A_134 = tpu.memref_squeeze %dma_wait3A_133 : memref<1x640x32xf32, #tpu.memory_space<hbm>> -> memref<640x32xf32, #tpu.memory_space<hbm>>
      %dma_wait3A_135 = arith.constant 0 : i32
      %dma_wait3A_136 = tpu.memref_slice %arg14[%mul3A_2, %dma_wait3A_135] : memref<10240x32xf32, #tpu.memory_space<vmem_shared>> -> memref<640x32xf32, #tpu.memory_space<vmem_shared>>
      tpu.wait_dma2 semaphore(%run_scoped3A_126 : memref<!tpu.dma_semaphore, #tpu.memory_space<semaphore_mem>>) src(%dma_wait3A_136 : memref<640x32xf32, #tpu.memory_space<vmem_shared>>) dst(%dma_wait3A_134 : memref<640x32xf32, #tpu.memory_space<hbm>>)
      tpu.yield
    }) : () -> ()
    return
  }
}

#map = affine_map<(d0, d1) -> (0, 0, 0)>
#map1 = affine_map<(d0, d1) -> (0, 0)>
module attributes {stable_mosaic.version = 14 : i64} {
  func.func @edge_scatter(%arg0: i32, %arg1: i32, %arg2: memref<32x80x128xi32, #tpu.memory_space<hbm>>, %arg3: memref<32x80x128xi32, #tpu.memory_space<hbm>>, %arg4: memref<10000x16xf32, #tpu.memory_space<hbm>>, %arg5: memref<10240x16xf32, #tpu.memory_space<hbm>>, %arg6: memref<2x10240x16xf32, #tpu.memory_space<hbm>>, %arg7: memref<80x128xi32, #tpu.memory_space<vmem>>, %arg8: memref<80x128xi32, #tpu.memory_space<vmem>>, %arg9: memref<128x16xf32, #tpu.memory_space<vmem>>, %arg10: memref<128x16xf32, #tpu.memory_space<vmem>>, %arg11: memref<128x16xf32, #tpu.memory_space<vmem>>, %arg12: memref<128x16xf32, #tpu.memory_space<vmem>>, %arg13: memref<10240x16xf32, #tpu.memory_space<vmem_shared>>, %arg14: memref<!tpu.dma_semaphore, #tpu.memory_space<semaphore_mem>>, %arg15: memref<!tpu.dma_semaphore, #tpu.memory_space<semaphore_mem>>, %arg16: memref<!tpu.dma_semaphore, #tpu.memory_space<semaphore_mem>>, %arg17: memref<!tpu.dma_semaphore, #tpu.memory_space<semaphore_mem>>, %arg18: memref<!tpu.dma_semaphore, #tpu.memory_space<semaphore_mem>>, %arg19: memref<!tpu.dma_semaphore, #tpu.memory_space<semaphore_mem>>, %arg20: memref<!tpu.dma_semaphore, #tpu.memory_space<semaphore_mem>>, %arg21: memref<!tpu.dma_semaphore, #tpu.memory_space<semaphore_mem>>, %arg22: memref<10000x16xf32, #tpu.memory_space<vmem_shared>>) attributes {dimension_semantics = [#tpu.dimension_semantics<core_parallel>, #tpu.dimension_semantics<subcore_parallel>], iteration_bounds = array<i64: 2, 16>, scalar_prefetch = 0 : i64, scratch_operands = 16 : i64, tpu.core_type = #tpu.core_type<sc_vector_subcore>, window_params = [{transform_indices = #map}, {transform_indices = #map}, {transform_indices = #map1}, {transform_indices = #map1}, {transform_indices = #map}]} {
    %mul3A = arith.constant 16 : i32
    %mul3A_0 = arith.muli %arg0, %mul3A : i32
    %add3A = arith.addi %mul3A_0, %arg1 : i32
    %mul3A_1 = arith.constant 640 : i32
    %mul3A_2 = arith.muli %arg1, %mul3A_1 : i32
    "tpu.region"() ({
      %run_scoped3A = tpu.sem_alloc : memref<!tpu.dma_semaphore, #tpu.memory_space<semaphore_mem>>
      %dma_start3A_120 = arith.constant 0 : i32
      %dma_start3A_121 = tpu.memref_slice %arg13[%mul3A_2, %dma_start3A_120] : memref<10240x16xf32, #tpu.memory_space<vmem_shared>> -> memref<640x16xf32, #tpu.memory_space<vmem_shared>>
      %dma_start3A_122 = arith.constant 0 : i32
      %dma_start3A_123 = tpu.memref_slice %arg5[%mul3A_2, %dma_start3A_122] : memref<10240x16xf32, #tpu.memory_space<hbm>> -> memref<640x16xf32, #tpu.memory_space<hbm>>
      tpu.enqueue_dma source(%dma_start3A_123 : memref<640x16xf32, #tpu.memory_space<hbm>>) target(%dma_start3A_121 : memref<640x16xf32, #tpu.memory_space<vmem_shared>>) target_semaphore(%run_scoped3A : memref<!tpu.dma_semaphore, #tpu.memory_space<semaphore_mem>>)
      %dma_wait3A_124 = arith.constant 0 : i32
      %dma_wait3A_125 = tpu.memref_slice %arg13[%mul3A_2, %dma_wait3A_124] : memref<10240x16xf32, #tpu.memory_space<vmem_shared>> -> memref<640x16xf32, #tpu.memory_space<vmem_shared>>
      %dma_wait3A_126 = arith.constant 0 : i32
      %dma_wait3A_127 = tpu.memref_slice %arg5[%mul3A_2, %dma_wait3A_126] : memref<10240x16xf32, #tpu.memory_space<hbm>> -> memref<640x16xf32, #tpu.memory_space<hbm>>
      tpu.wait_dma2 semaphore(%run_scoped3A : memref<!tpu.dma_semaphore, #tpu.memory_space<semaphore_mem>>) src(%dma_wait3A_127 : memref<640x16xf32, #tpu.memory_space<hbm>>) dst(%dma_wait3A_125 : memref<640x16xf32, #tpu.memory_space<vmem_shared>>)
      tpu.yield
    }) : () -> ()
    "tpu.region"() ({
      %run_scoped3A = tpu.sem_alloc : memref<!tpu.dma_semaphore, #tpu.memory_space<semaphore_mem>>
      %dma_start3A_120 = arith.constant 0 : i32
      %dma_start3A_121 = arith.constant 0 : i32
      %dma_start3A_122 = tpu.memref_slice %arg3[%add3A, %dma_start3A_120, %dma_start3A_121] : memref<32x80x128xi32, #tpu.memory_space<hbm>> -> memref<1x80x128xi32, #tpu.memory_space<hbm>>
      %dma_start3A_123 = tpu.memref_squeeze %dma_start3A_122 : memref<1x80x128xi32, #tpu.memory_space<hbm>> -> memref<80x128xi32, #tpu.memory_space<hbm>>
      %dma_start3A_124 = arith.constant 0 : i32
      %dma_start3A_125 = arith.constant 0 : i32
      %dma_start3A_126 = tpu.memref_slice %arg3[%add3A, %dma_start3A_124, %dma_start3A_125] : memref<32x80x128xi32, #tpu.memory_space<hbm>> -> memref<1x80x128xi32, #tpu.memory_space<hbm>>
      %dma_start3A_127 = tpu.memref_squeeze %dma_start3A_126 : memref<1x80x128xi32, #tpu.memory_space<hbm>> -> memref<80x128xi32, #tpu.memory_space<hbm>>
      tpu.enqueue_dma source(%dma_start3A_127 : memref<80x128xi32, #tpu.memory_space<hbm>>) target(%arg8 : memref<80x128xi32, #tpu.memory_space<vmem>>) target_semaphore(%run_scoped3A : memref<!tpu.dma_semaphore, #tpu.memory_space<semaphore_mem>>)
      %dma_wait3A_128 = arith.constant 0 : i32
      %dma_wait3A_129 = arith.constant 0 : i32
      %dma_wait3A_130 = tpu.memref_slice %arg3[%add3A, %dma_wait3A_128, %dma_wait3A_129] : memref<32x80x128xi32, #tpu.memory_space<hbm>> -> memref<1x80x128xi32, #tpu.memory_space<hbm>>
      %dma_wait3A_131 = tpu.memref_squeeze %dma_wait3A_130 : memref<1x80x128xi32, #tpu.memory_space<hbm>> -> memref<80x128xi32, #tpu.memory_space<hbm>>
      %dma_wait3A_132 = arith.constant 0 : i32
      %dma_wait3A_133 = arith.constant 0 : i32
      %dma_wait3A_134 = tpu.memref_slice %arg3[%add3A, %dma_wait3A_132, %dma_wait3A_133] : memref<32x80x128xi32, #tpu.memory_space<hbm>> -> memref<1x80x128xi32, #tpu.memory_space<hbm>>
      %dma_wait3A_135 = tpu.memref_squeeze %dma_wait3A_134 : memref<1x80x128xi32, #tpu.memory_space<hbm>> -> memref<80x128xi32, #tpu.memory_space<hbm>>
      tpu.wait_dma2 semaphore(%run_scoped3A : memref<!tpu.dma_semaphore, #tpu.memory_space<semaphore_mem>>) src(%dma_wait3A_135 : memref<80x128xi32, #tpu.memory_space<hbm>>) dst(%arg8 : memref<80x128xi32, #tpu.memory_space<vmem>>)
      tpu.yield
    }) : () -> ()
    "tpu.region"() ({
      %run_scoped3A = tpu.sem_alloc : memref<!tpu.dma_semaphore, #tpu.memory_space<semaphore_mem>>
      %dma_start3A_120 = arith.constant 0 : i32
      %dma_start3A_121 = arith.constant 0 : i32
      %dma_start3A_122 = tpu.memref_slice %arg2[%add3A, %dma_start3A_120, %dma_start3A_121] : memref<32x80x128xi32, #tpu.memory_space<hbm>> -> memref<1x80x128xi32, #tpu.memory_space<hbm>>
      %dma_start3A_123 = tpu.memref_squeeze %dma_start3A_122 : memref<1x80x128xi32, #tpu.memory_space<hbm>> -> memref<80x128xi32, #tpu.memory_space<hbm>>
      %dma_start3A_124 = arith.constant 0 : i32
      %dma_start3A_125 = arith.constant 0 : i32
      %dma_start3A_126 = tpu.memref_slice %arg2[%add3A, %dma_start3A_124, %dma_start3A_125] : memref<32x80x128xi32, #tpu.memory_space<hbm>> -> memref<1x80x128xi32, #tpu.memory_space<hbm>>
      %dma_start3A_127 = tpu.memref_squeeze %dma_start3A_126 : memref<1x80x128xi32, #tpu.memory_space<hbm>> -> memref<80x128xi32, #tpu.memory_space<hbm>>
      tpu.enqueue_dma source(%dma_start3A_127 : memref<80x128xi32, #tpu.memory_space<hbm>>) target(%arg7 : memref<80x128xi32, #tpu.memory_space<vmem>>) target_semaphore(%run_scoped3A : memref<!tpu.dma_semaphore, #tpu.memory_space<semaphore_mem>>)
      %dma_wait3A_128 = arith.constant 0 : i32
      %dma_wait3A_129 = arith.constant 0 : i32
      %dma_wait3A_130 = tpu.memref_slice %arg2[%add3A, %dma_wait3A_128, %dma_wait3A_129] : memref<32x80x128xi32, #tpu.memory_space<hbm>> -> memref<1x80x128xi32, #tpu.memory_space<hbm>>
      %dma_wait3A_131 = tpu.memref_squeeze %dma_wait3A_130 : memref<1x80x128xi32, #tpu.memory_space<hbm>> -> memref<80x128xi32, #tpu.memory_space<hbm>>
      %dma_wait3A_132 = arith.constant 0 : i32
      %dma_wait3A_133 = arith.constant 0 : i32
      %dma_wait3A_134 = tpu.memref_slice %arg2[%add3A, %dma_wait3A_132, %dma_wait3A_133] : memref<32x80x128xi32, #tpu.memory_space<hbm>> -> memref<1x80x128xi32, #tpu.memory_space<hbm>>
      %dma_wait3A_135 = tpu.memref_squeeze %dma_wait3A_134 : memref<1x80x128xi32, #tpu.memory_space<hbm>> -> memref<80x128xi32, #tpu.memory_space<hbm>>
      tpu.wait_dma2 semaphore(%run_scoped3A : memref<!tpu.dma_semaphore, #tpu.memory_space<semaphore_mem>>) src(%dma_wait3A_135 : memref<80x128xi32, #tpu.memory_space<hbm>>) dst(%arg7 : memref<80x128xi32, #tpu.memory_space<vmem>>)
      tpu.yield
    }) : () -> ()
    %mul3A_3 = arith.constant 625 : i32
    %mul3A_4 = arith.muli %arg1, %mul3A_3 : i32
    "tpu.region"() ({
      %run_scoped3A = tpu.sem_alloc : memref<!tpu.dma_semaphore, #tpu.memory_space<semaphore_mem>>
      %dma_start3A_120 = arith.constant 0 : i32
      %dma_start3A_121 = tpu.memref_slice %arg22[%mul3A_4, %dma_start3A_120] : memref<10000x16xf32, #tpu.memory_space<vmem_shared>> -> memref<625x16xf32, #tpu.memory_space<vmem_shared>>
      %dma_start3A_122 = arith.constant 0 : i32
      %dma_start3A_123 = tpu.memref_slice %arg4[%mul3A_4, %dma_start3A_122] : memref<10000x16xf32, #tpu.memory_space<hbm>> -> memref<625x16xf32, #tpu.memory_space<hbm>>
      tpu.enqueue_dma source(%dma_start3A_123 : memref<625x16xf32, #tpu.memory_space<hbm>>) target(%dma_start3A_121 : memref<625x16xf32, #tpu.memory_space<vmem_shared>>) target_semaphore(%run_scoped3A : memref<!tpu.dma_semaphore, #tpu.memory_space<semaphore_mem>>)
      %dma_wait3A_124 = arith.constant 0 : i32
      %dma_wait3A_125 = tpu.memref_slice %arg22[%mul3A_4, %dma_wait3A_124] : memref<10000x16xf32, #tpu.memory_space<vmem_shared>> -> memref<625x16xf32, #tpu.memory_space<vmem_shared>>
      %dma_wait3A_126 = arith.constant 0 : i32
      %dma_wait3A_127 = tpu.memref_slice %arg4[%mul3A_4, %dma_wait3A_126] : memref<10000x16xf32, #tpu.memory_space<hbm>> -> memref<625x16xf32, #tpu.memory_space<hbm>>
      tpu.wait_dma2 semaphore(%run_scoped3A : memref<!tpu.dma_semaphore, #tpu.memory_space<semaphore_mem>>) src(%dma_wait3A_127 : memref<625x16xf32, #tpu.memory_space<hbm>>) dst(%dma_wait3A_125 : memref<625x16xf32, #tpu.memory_space<vmem_shared>>)
      tpu.yield
    }) : () -> ()
    %barrier3A = arith.constant 0 : index
    tpu.barrier barrier_id(%barrier3A)
    %dma_start3A = arith.constant 0 : i32
    %dma_start3A_5 = arith.constant 0 : i32
    %dma_start3A_6 = tpu.memref_slice %arg7[%dma_start3A, %dma_start3A_5] : memref<80x128xi32, #tpu.memory_space<vmem>> -> memref<1x128xi32, #tpu.memory_space<vmem>>
    %dma_start3A_7 = tpu.memref_squeeze %dma_start3A_6 : memref<1x128xi32, #tpu.memory_space<vmem>> -> memref<128xi32, #tpu.memory_space<vmem>>
    %dma_start3A_8 = arith.constant 0 : i32
    %dma_start3A_9 = arith.constant 0 : i32
    %dma_start3A_10 = tpu.memref_slice %arg22[%dma_start3A_8, %dma_start3A_9] : memref<10000x16xf32, #tpu.memory_space<vmem_shared>> -> memref<10000x16xf32, #tpu.memory_space<vmem_shared>>
    tpu.enqueue_indirect_dma source(%dma_start3A_10 : memref<10000x16xf32, #tpu.memory_space<vmem_shared>>) target(%arg9 : memref<128x16xf32, #tpu.memory_space<vmem>>) offsets(%dma_start3A_7 : memref<128xi32, #tpu.memory_space<vmem>>) semaphore(%arg14 : memref<!tpu.dma_semaphore, #tpu.memory_space<semaphore_mem>>)
    %dma_start3A_11 = arith.constant 1 : i32
    %dma_start3A_12 = arith.constant 0 : i32
    %dma_start3A_13 = tpu.memref_slice %arg7[%dma_start3A_11, %dma_start3A_12] : memref<80x128xi32, #tpu.memory_space<vmem>> -> memref<1x128xi32, #tpu.memory_space<vmem>>
    %dma_start3A_14 = tpu.memref_squeeze %dma_start3A_13 : memref<1x128xi32, #tpu.memory_space<vmem>> -> memref<128xi32, #tpu.memory_space<vmem>>
    %dma_start3A_15 = arith.constant 0 : i32
    %dma_start3A_16 = arith.constant 0 : i32
    %dma_start3A_17 = tpu.memref_slice %arg22[%dma_start3A_15, %dma_start3A_16] : memref<10000x16xf32, #tpu.memory_space<vmem_shared>> -> memref<10000x16xf32, #tpu.memory_space<vmem_shared>>
    tpu.enqueue_indirect_dma source(%dma_start3A_17 : memref<10000x16xf32, #tpu.memory_space<vmem_shared>>) target(%arg10 : memref<128x16xf32, #tpu.memory_space<vmem>>) offsets(%dma_start3A_14 : memref<128xi32, #tpu.memory_space<vmem>>) semaphore(%arg15 : memref<!tpu.dma_semaphore, #tpu.memory_space<semaphore_mem>>)
    %dma_start3A_18 = arith.constant 2 : i32
    %dma_start3A_19 = arith.constant 0 : i32
    %dma_start3A_20 = tpu.memref_slice %arg7[%dma_start3A_18, %dma_start3A_19] : memref<80x128xi32, #tpu.memory_space<vmem>> -> memref<1x128xi32, #tpu.memory_space<vmem>>
    %dma_start3A_21 = tpu.memref_squeeze %dma_start3A_20 : memref<1x128xi32, #tpu.memory_space<vmem>> -> memref<128xi32, #tpu.memory_space<vmem>>
    %dma_start3A_22 = arith.constant 0 : i32
    %dma_start3A_23 = arith.constant 0 : i32
    %dma_start3A_24 = tpu.memref_slice %arg22[%dma_start3A_22, %dma_start3A_23] : memref<10000x16xf32, #tpu.memory_space<vmem_shared>> -> memref<10000x16xf32, #tpu.memory_space<vmem_shared>>
    tpu.enqueue_indirect_dma source(%dma_start3A_24 : memref<10000x16xf32, #tpu.memory_space<vmem_shared>>) target(%arg11 : memref<128x16xf32, #tpu.memory_space<vmem>>) offsets(%dma_start3A_21 : memref<128xi32, #tpu.memory_space<vmem>>) semaphore(%arg16 : memref<!tpu.dma_semaphore, #tpu.memory_space<semaphore_mem>>)
    %dma_start3A_25 = arith.constant 3 : i32
    %dma_start3A_26 = arith.constant 0 : i32
    %dma_start3A_27 = tpu.memref_slice %arg7[%dma_start3A_25, %dma_start3A_26] : memref<80x128xi32, #tpu.memory_space<vmem>> -> memref<1x128xi32, #tpu.memory_space<vmem>>
    %dma_start3A_28 = tpu.memref_squeeze %dma_start3A_27 : memref<1x128xi32, #tpu.memory_space<vmem>> -> memref<128xi32, #tpu.memory_space<vmem>>
    %dma_start3A_29 = arith.constant 0 : i32
    %dma_start3A_30 = arith.constant 0 : i32
    %dma_start3A_31 = tpu.memref_slice %arg22[%dma_start3A_29, %dma_start3A_30] : memref<10000x16xf32, #tpu.memory_space<vmem_shared>> -> memref<10000x16xf32, #tpu.memory_space<vmem_shared>>
    tpu.enqueue_indirect_dma source(%dma_start3A_31 : memref<10000x16xf32, #tpu.memory_space<vmem_shared>>) target(%arg12 : memref<128x16xf32, #tpu.memory_space<vmem>>) offsets(%dma_start3A_28 : memref<128xi32, #tpu.memory_space<vmem>>) semaphore(%arg17 : memref<!tpu.dma_semaphore, #tpu.memory_space<semaphore_mem>>)
    %scan3A = arith.constant 0 : i32
    %scan3A_32 = arith.constant 19 : i32
    %scan3A_33 = arith.addi %scan3A, %scan3A_32 : i32
    %scan3A_34 = arith.constant 1 : i32
    scf.for %scan3A_120 = %scan3A to %scan3A_33 step %scan3A_34  : i32 {
      %mul3A_121 = arith.constant 4 : i32
      %mul3A_122 = arith.muli %scan3A_120, %mul3A_121 : i32
      %add3A_123 = arith.constant 0 : i32
      %add3A_124 = arith.addi %add3A_123, %mul3A_122 : i32
      %add3A_125 = arith.constant 0 : i32
      %add3A_126 = arith.addi %add3A_124, %add3A_125 : i32
      %dma_wait3A_127 = arith.constant 0 : i32
      %dma_wait3A_128 = tpu.memref_slice %arg7[%add3A_126, %dma_wait3A_127] : memref<80x128xi32, #tpu.memory_space<vmem>> -> memref<1x128xi32, #tpu.memory_space<vmem>>
      %dma_wait3A_129 = tpu.memref_squeeze %dma_wait3A_128 : memref<1x128xi32, #tpu.memory_space<vmem>> -> memref<128xi32, #tpu.memory_space<vmem>>
      %dma_wait3A_130 = arith.constant 0 : i32
      %dma_wait3A_131 = arith.constant 0 : i32
      %dma_wait3A_132 = tpu.memref_slice %arg22[%dma_wait3A_130, %dma_wait3A_131] : memref<10000x16xf32, #tpu.memory_space<vmem_shared>> -> memref<10000x16xf32, #tpu.memory_space<vmem_shared>>
      tpu.wait_indirect_dma semaphore(%arg14 : memref<!tpu.dma_semaphore, #tpu.memory_space<semaphore_mem>>) src(%dma_wait3A_132 : memref<10000x16xf32, #tpu.memory_space<vmem_shared>>) dst(%arg9 : memref<128x16xf32, #tpu.memory_space<vmem>>)
      %add3A_133 = arith.constant 0 : i32
      %add3A_134 = arith.addi %add3A_124, %add3A_133 : i32
      %dma_start3A_135 = arith.constant 0 : i32
      %dma_start3A_136 = tpu.memref_slice %arg8[%add3A_134, %dma_start3A_135] : memref<80x128xi32, #tpu.memory_space<vmem>> -> memref<1x128xi32, #tpu.memory_space<vmem>>
      %dma_start3A_137 = tpu.memref_squeeze %dma_start3A_136 : memref<1x128xi32, #tpu.memory_space<vmem>> -> memref<128xi32, #tpu.memory_space<vmem>>
      %dma_start3A_138 = arith.constant 0 : i32
      %dma_start3A_139 = arith.constant 0 : i32
      %dma_start3A_140 = tpu.memref_slice %arg13[%dma_start3A_138, %dma_start3A_139] : memref<10240x16xf32, #tpu.memory_space<vmem_shared>> -> memref<10240x16xf32, #tpu.memory_space<vmem_shared>>
      tpu.enqueue_indirect_dma source(%arg9 : memref<128x16xf32, #tpu.memory_space<vmem>>) target(%dma_start3A_140 : memref<10240x16xf32, #tpu.memory_space<vmem_shared>>) offsets(%dma_start3A_137 : memref<128xi32, #tpu.memory_space<vmem>>) semaphore(%arg18 : memref<!tpu.dma_semaphore, #tpu.memory_space<semaphore_mem>>) {add = true}
      %add3A_141 = arith.constant 1 : i32
      %add3A_142 = arith.addi %add3A_124, %add3A_141 : i32
      %dma_wait3A_143 = arith.constant 0 : i32
      %dma_wait3A_144 = tpu.memref_slice %arg7[%add3A_142, %dma_wait3A_143] : memref<80x128xi32, #tpu.memory_space<vmem>> -> memref<1x128xi32, #tpu.memory_space<vmem>>
      %dma_wait3A_145 = tpu.memref_squeeze %dma_wait3A_144 : memref<1x128xi32, #tpu.memory_space<vmem>> -> memref<128xi32, #tpu.memory_space<vmem>>
      %dma_wait3A_146 = arith.constant 0 : i32
      %dma_wait3A_147 = arith.constant 0 : i32
      %dma_wait3A_148 = tpu.memref_slice %arg22[%dma_wait3A_146, %dma_wait3A_147] : memref<10000x16xf32, #tpu.memory_space<vmem_shared>> -> memref<10000x16xf32, #tpu.memory_space<vmem_shared>>
      tpu.wait_indirect_dma semaphore(%arg15 : memref<!tpu.dma_semaphore, #tpu.memory_space<semaphore_mem>>) src(%dma_wait3A_148 : memref<10000x16xf32, #tpu.memory_space<vmem_shared>>) dst(%arg10 : memref<128x16xf32, #tpu.memory_space<vmem>>)
      %add3A_149 = arith.constant 1 : i32
      %add3A_150 = arith.addi %add3A_124, %add3A_149 : i32
      %dma_start3A_151 = arith.constant 0 : i32
      %dma_start3A_152 = tpu.memref_slice %arg8[%add3A_150, %dma_start3A_151] : memref<80x128xi32, #tpu.memory_space<vmem>> -> memref<1x128xi32, #tpu.memory_space<vmem>>
      %dma_start3A_153 = tpu.memref_squeeze %dma_start3A_152 : memref<1x128xi32, #tpu.memory_space<vmem>> -> memref<128xi32, #tpu.memory_space<vmem>>
      %dma_start3A_154 = arith.constant 0 : i32
      %dma_start3A_155 = arith.constant 0 : i32
      %dma_start3A_156 = tpu.memref_slice %arg13[%dma_start3A_154, %dma_start3A_155] : memref<10240x16xf32, #tpu.memory_space<vmem_shared>> -> memref<10240x16xf32, #tpu.memory_space<vmem_shared>>
      tpu.enqueue_indirect_dma source(%arg10 : memref<128x16xf32, #tpu.memory_space<vmem>>) target(%dma_start3A_156 : memref<10240x16xf32, #tpu.memory_space<vmem_shared>>) offsets(%dma_start3A_153 : memref<128xi32, #tpu.memory_space<vmem>>) semaphore(%arg19 : memref<!tpu.dma_semaphore, #tpu.memory_space<semaphore_mem>>) {add = true}
      %add3A_157 = arith.constant 2 : i32
      %add3A_158 = arith.addi %add3A_124, %add3A_157 : i32
      %dma_wait3A_159 = arith.constant 0 : i32
      %dma_wait3A_160 = tpu.memref_slice %arg7[%add3A_158, %dma_wait3A_159] : memref<80x128xi32, #tpu.memory_space<vmem>> -> memref<1x128xi32, #tpu.memory_space<vmem>>
      %dma_wait3A_161 = tpu.memref_squeeze %dma_wait3A_160 : memref<1x128xi32, #tpu.memory_space<vmem>> -> memref<128xi32, #tpu.memory_space<vmem>>
      %dma_wait3A_162 = arith.constant 0 : i32
      %dma_wait3A_163 = arith.constant 0 : i32
      %dma_wait3A_164 = tpu.memref_slice %arg22[%dma_wait3A_162, %dma_wait3A_163] : memref<10000x16xf32, #tpu.memory_space<vmem_shared>> -> memref<10000x16xf32, #tpu.memory_space<vmem_shared>>
      tpu.wait_indirect_dma semaphore(%arg16 : memref<!tpu.dma_semaphore, #tpu.memory_space<semaphore_mem>>) src(%dma_wait3A_164 : memref<10000x16xf32, #tpu.memory_space<vmem_shared>>) dst(%arg11 : memref<128x16xf32, #tpu.memory_space<vmem>>)
      %add3A_165 = arith.constant 2 : i32
      %add3A_166 = arith.addi %add3A_124, %add3A_165 : i32
      %dma_start3A_167 = arith.constant 0 : i32
      %dma_start3A_168 = tpu.memref_slice %arg8[%add3A_166, %dma_start3A_167] : memref<80x128xi32, #tpu.memory_space<vmem>> -> memref<1x128xi32, #tpu.memory_space<vmem>>
      %dma_start3A_169 = tpu.memref_squeeze %dma_start3A_168 : memref<1x128xi32, #tpu.memory_space<vmem>> -> memref<128xi32, #tpu.memory_space<vmem>>
      %dma_start3A_170 = arith.constant 0 : i32
      %dma_start3A_171 = arith.constant 0 : i32
      %dma_start3A_172 = tpu.memref_slice %arg13[%dma_start3A_170, %dma_start3A_171] : memref<10240x16xf32, #tpu.memory_space<vmem_shared>> -> memref<10240x16xf32, #tpu.memory_space<vmem_shared>>
      tpu.enqueue_indirect_dma source(%arg11 : memref<128x16xf32, #tpu.memory_space<vmem>>) target(%dma_start3A_172 : memref<10240x16xf32, #tpu.memory_space<vmem_shared>>) offsets(%dma_start3A_169 : memref<128xi32, #tpu.memory_space<vmem>>) semaphore(%arg20 : memref<!tpu.dma_semaphore, #tpu.memory_space<semaphore_mem>>) {add = true}
      %add3A_173 = arith.constant 3 : i32
      %add3A_174 = arith.addi %add3A_124, %add3A_173 : i32
      %dma_wait3A_175 = arith.constant 0 : i32
      %dma_wait3A_176 = tpu.memref_slice %arg7[%add3A_174, %dma_wait3A_175] : memref<80x128xi32, #tpu.memory_space<vmem>> -> memref<1x128xi32, #tpu.memory_space<vmem>>
      %dma_wait3A_177 = tpu.memref_squeeze %dma_wait3A_176 : memref<1x128xi32, #tpu.memory_space<vmem>> -> memref<128xi32, #tpu.memory_space<vmem>>
      %dma_wait3A_178 = arith.constant 0 : i32
      %dma_wait3A_179 = arith.constant 0 : i32
      %dma_wait3A_180 = tpu.memref_slice %arg22[%dma_wait3A_178, %dma_wait3A_179] : memref<10000x16xf32, #tpu.memory_space<vmem_shared>> -> memref<10000x16xf32, #tpu.memory_space<vmem_shared>>
      tpu.wait_indirect_dma semaphore(%arg17 : memref<!tpu.dma_semaphore, #tpu.memory_space<semaphore_mem>>) src(%dma_wait3A_180 : memref<10000x16xf32, #tpu.memory_space<vmem_shared>>) dst(%arg12 : memref<128x16xf32, #tpu.memory_space<vmem>>)
      %add3A_181 = arith.constant 3 : i32
      %add3A_182 = arith.addi %add3A_124, %add3A_181 : i32
      %dma_start3A_183 = arith.constant 0 : i32
      %dma_start3A_184 = tpu.memref_slice %arg8[%add3A_182, %dma_start3A_183] : memref<80x128xi32, #tpu.memory_space<vmem>> -> memref<1x128xi32, #tpu.memory_space<vmem>>
      %dma_start3A_185 = tpu.memref_squeeze %dma_start3A_184 : memref<1x128xi32, #tpu.memory_space<vmem>> -> memref<128xi32, #tpu.memory_space<vmem>>
      %dma_start3A_186 = arith.constant 0 : i32
      %dma_start3A_187 = arith.constant 0 : i32
      %dma_start3A_188 = tpu.memref_slice %arg13[%dma_start3A_186, %dma_start3A_187] : memref<10240x16xf32, #tpu.memory_space<vmem_shared>> -> memref<10240x16xf32, #tpu.memory_space<vmem_shared>>
      tpu.enqueue_indirect_dma source(%arg12 : memref<128x16xf32, #tpu.memory_space<vmem>>) target(%dma_start3A_188 : memref<10240x16xf32, #tpu.memory_space<vmem_shared>>) offsets(%dma_start3A_185 : memref<128xi32, #tpu.memory_space<vmem>>) semaphore(%arg21 : memref<!tpu.dma_semaphore, #tpu.memory_space<semaphore_mem>>) {add = true}
      %add3A_189 = arith.constant 0 : i32
      %add3A_190 = arith.addi %add3A_124, %add3A_189 : i32
      %dma_wait3A_191 = arith.constant 0 : i32
      %dma_wait3A_192 = tpu.memref_slice %arg8[%add3A_190, %dma_wait3A_191] : memref<80x128xi32, #tpu.memory_space<vmem>> -> memref<1x128xi32, #tpu.memory_space<vmem>>
      %dma_wait3A_193 = tpu.memref_squeeze %dma_wait3A_192 : memref<1x128xi32, #tpu.memory_space<vmem>> -> memref<128xi32, #tpu.memory_space<vmem>>
      %dma_wait3A_194 = arith.constant 0 : i32
      %dma_wait3A_195 = arith.constant 0 : i32
      %dma_wait3A_196 = tpu.memref_slice %arg13[%dma_wait3A_194, %dma_wait3A_195] : memref<10240x16xf32, #tpu.memory_space<vmem_shared>> -> memref<10240x16xf32, #tpu.memory_space<vmem_shared>>
      tpu.wait_indirect_dma semaphore(%arg18 : memref<!tpu.dma_semaphore, #tpu.memory_space<semaphore_mem>>) src(%arg9 : memref<128x16xf32, #tpu.memory_space<vmem>>) dst(%dma_wait3A_196 : memref<10240x16xf32, #tpu.memory_space<vmem_shared>>)
      %add3A_197 = arith.constant 4 : i32
      %add3A_198 = arith.addi %add3A_124, %add3A_197 : i32
      %add3A_199 = arith.constant 0 : i32
      %add3A_200 = arith.addi %add3A_198, %add3A_199 : i32
      %dma_start3A_201 = arith.constant 0 : i32
      %dma_start3A_202 = tpu.memref_slice %arg7[%add3A_200, %dma_start3A_201] : memref<80x128xi32, #tpu.memory_space<vmem>> -> memref<1x128xi32, #tpu.memory_space<vmem>>
      %dma_start3A_203 = tpu.memref_squeeze %dma_start3A_202 : memref<1x128xi32, #tpu.memory_space<vmem>> -> memref<128xi32, #tpu.memory_space<vmem>>
      %dma_start3A_204 = arith.constant 0 : i32
      %dma_start3A_205 = arith.constant 0 : i32
      %dma_start3A_206 = tpu.memref_slice %arg22[%dma_start3A_204, %dma_start3A_205] : memref<10000x16xf32, #tpu.memory_space<vmem_shared>> -> memref<10000x16xf32, #tpu.memory_space<vmem_shared>>
      tpu.enqueue_indirect_dma source(%dma_start3A_206 : memref<10000x16xf32, #tpu.memory_space<vmem_shared>>) target(%arg9 : memref<128x16xf32, #tpu.memory_space<vmem>>) offsets(%dma_start3A_203 : memref<128xi32, #tpu.memory_space<vmem>>) semaphore(%arg14 : memref<!tpu.dma_semaphore, #tpu.memory_space<semaphore_mem>>)
      %add3A_207 = arith.constant 1 : i32
      %add3A_208 = arith.addi %add3A_124, %add3A_207 : i32
      %dma_wait3A_209 = arith.constant 0 : i32
      %dma_wait3A_210 = tpu.memref_slice %arg8[%add3A_208, %dma_wait3A_209] : memref<80x128xi32, #tpu.memory_space<vmem>> -> memref<1x128xi32, #tpu.memory_space<vmem>>
      %dma_wait3A_211 = tpu.memref_squeeze %dma_wait3A_210 : memref<1x128xi32, #tpu.memory_space<vmem>> -> memref<128xi32, #tpu.memory_space<vmem>>
      %dma_wait3A_212 = arith.constant 0 : i32
      %dma_wait3A_213 = arith.constant 0 : i32
      %dma_wait3A_214 = tpu.memref_slice %arg13[%dma_wait3A_212, %dma_wait3A_213] : memref<10240x16xf32, #tpu.memory_space<vmem_shared>> -> memref<10240x16xf32, #tpu.memory_space<vmem_shared>>
      tpu.wait_indirect_dma semaphore(%arg19 : memref<!tpu.dma_semaphore, #tpu.memory_space<semaphore_mem>>) src(%arg10 : memref<128x16xf32, #tpu.memory_space<vmem>>) dst(%dma_wait3A_214 : memref<10240x16xf32, #tpu.memory_space<vmem_shared>>)
      %add3A_215 = arith.constant 4 : i32
      %add3A_216 = arith.addi %add3A_124, %add3A_215 : i32
      %add3A_217 = arith.constant 1 : i32
      %add3A_218 = arith.addi %add3A_216, %add3A_217 : i32
      %dma_start3A_219 = arith.constant 0 : i32
      %dma_start3A_220 = tpu.memref_slice %arg7[%add3A_218, %dma_start3A_219] : memref<80x128xi32, #tpu.memory_space<vmem>> -> memref<1x128xi32, #tpu.memory_space<vmem>>
      %dma_start3A_221 = tpu.memref_squeeze %dma_start3A_220 : memref<1x128xi32, #tpu.memory_space<vmem>> -> memref<128xi32, #tpu.memory_space<vmem>>
      %dma_start3A_222 = arith.constant 0 : i32
      %dma_start3A_223 = arith.constant 0 : i32
      %dma_start3A_224 = tpu.memref_slice %arg22[%dma_start3A_222, %dma_start3A_223] : memref<10000x16xf32, #tpu.memory_space<vmem_shared>> -> memref<10000x16xf32, #tpu.memory_space<vmem_shared>>
      tpu.enqueue_indirect_dma source(%dma_start3A_224 : memref<10000x16xf32, #tpu.memory_space<vmem_shared>>) target(%arg10 : memref<128x16xf32, #tpu.memory_space<vmem>>) offsets(%dma_start3A_221 : memref<128xi32, #tpu.memory_space<vmem>>) semaphore(%arg15 : memref<!tpu.dma_semaphore, #tpu.memory_space<semaphore_mem>>)
      %add3A_225 = arith.constant 2 : i32
      %add3A_226 = arith.addi %add3A_124, %add3A_225 : i32
      %dma_wait3A_227 = arith.constant 0 : i32
      %dma_wait3A_228 = tpu.memref_slice %arg8[%add3A_226, %dma_wait3A_227] : memref<80x128xi32, #tpu.memory_space<vmem>> -> memref<1x128xi32, #tpu.memory_space<vmem>>
      %dma_wait3A_229 = tpu.memref_squeeze %dma_wait3A_228 : memref<1x128xi32, #tpu.memory_space<vmem>> -> memref<128xi32, #tpu.memory_space<vmem>>
      %dma_wait3A_230 = arith.constant 0 : i32
      %dma_wait3A_231 = arith.constant 0 : i32
      %dma_wait3A_232 = tpu.memref_slice %arg13[%dma_wait3A_230, %dma_wait3A_231] : memref<10240x16xf32, #tpu.memory_space<vmem_shared>> -> memref<10240x16xf32, #tpu.memory_space<vmem_shared>>
      tpu.wait_indirect_dma semaphore(%arg20 : memref<!tpu.dma_semaphore, #tpu.memory_space<semaphore_mem>>) src(%arg11 : memref<128x16xf32, #tpu.memory_space<vmem>>) dst(%dma_wait3A_232 : memref<10240x16xf32, #tpu.memory_space<vmem_shared>>)
      %add3A_233 = arith.constant 4 : i32
      %add3A_234 = arith.addi %add3A_124, %add3A_233 : i32
      %add3A_235 = arith.constant 2 : i32
      %add3A_236 = arith.addi %add3A_234, %add3A_235 : i32
      %dma_start3A_237 = arith.constant 0 : i32
      %dma_start3A_238 = tpu.memref_slice %arg7[%add3A_236, %dma_start3A_237] : memref<80x128xi32, #tpu.memory_space<vmem>> -> memref<1x128xi32, #tpu.memory_space<vmem>>
      %dma_start3A_239 = tpu.memref_squeeze %dma_start3A_238 : memref<1x128xi32, #tpu.memory_space<vmem>> -> memref<128xi32, #tpu.memory_space<vmem>>
      %dma_start3A_240 = arith.constant 0 : i32
      %dma_start3A_241 = arith.constant 0 : i32
      %dma_start3A_242 = tpu.memref_slice %arg22[%dma_start3A_240, %dma_start3A_241] : memref<10000x16xf32, #tpu.memory_space<vmem_shared>> -> memref<10000x16xf32, #tpu.memory_space<vmem_shared>>
      tpu.enqueue_indirect_dma source(%dma_start3A_242 : memref<10000x16xf32, #tpu.memory_space<vmem_shared>>) target(%arg11 : memref<128x16xf32, #tpu.memory_space<vmem>>) offsets(%dma_start3A_239 : memref<128xi32, #tpu.memory_space<vmem>>) semaphore(%arg16 : memref<!tpu.dma_semaphore, #tpu.memory_space<semaphore_mem>>)
      %add3A_243 = arith.constant 3 : i32
      %add3A_244 = arith.addi %add3A_124, %add3A_243 : i32
      %dma_wait3A_245 = arith.constant 0 : i32
      %dma_wait3A_246 = tpu.memref_slice %arg8[%add3A_244, %dma_wait3A_245] : memref<80x128xi32, #tpu.memory_space<vmem>> -> memref<1x128xi32, #tpu.memory_space<vmem>>
      %dma_wait3A_247 = tpu.memref_squeeze %dma_wait3A_246 : memref<1x128xi32, #tpu.memory_space<vmem>> -> memref<128xi32, #tpu.memory_space<vmem>>
      %dma_wait3A_248 = arith.constant 0 : i32
      %dma_wait3A_249 = arith.constant 0 : i32
      %dma_wait3A_250 = tpu.memref_slice %arg13[%dma_wait3A_248, %dma_wait3A_249] : memref<10240x16xf32, #tpu.memory_space<vmem_shared>> -> memref<10240x16xf32, #tpu.memory_space<vmem_shared>>
      tpu.wait_indirect_dma semaphore(%arg21 : memref<!tpu.dma_semaphore, #tpu.memory_space<semaphore_mem>>) src(%arg12 : memref<128x16xf32, #tpu.memory_space<vmem>>) dst(%dma_wait3A_250 : memref<10240x16xf32, #tpu.memory_space<vmem_shared>>)
      %add3A_251 = arith.constant 4 : i32
      %add3A_252 = arith.addi %add3A_124, %add3A_251 : i32
      %add3A_253 = arith.constant 3 : i32
      %add3A_254 = arith.addi %add3A_252, %add3A_253 : i32
      %dma_start3A_255 = arith.constant 0 : i32
      %dma_start3A_256 = tpu.memref_slice %arg7[%add3A_254, %dma_start3A_255] : memref<80x128xi32, #tpu.memory_space<vmem>> -> memref<1x128xi32, #tpu.memory_space<vmem>>
      %dma_start3A_257 = tpu.memref_squeeze %dma_start3A_256 : memref<1x128xi32, #tpu.memory_space<vmem>> -> memref<128xi32, #tpu.memory_space<vmem>>
      %dma_start3A_258 = arith.constant 0 : i32
      %dma_start3A_259 = arith.constant 0 : i32
      %dma_start3A_260 = tpu.memref_slice %arg22[%dma_start3A_258, %dma_start3A_259] : memref<10000x16xf32, #tpu.memory_space<vmem_shared>> -> memref<10000x16xf32, #tpu.memory_space<vmem_shared>>
      tpu.enqueue_indirect_dma source(%dma_start3A_260 : memref<10000x16xf32, #tpu.memory_space<vmem_shared>>) target(%arg12 : memref<128x16xf32, #tpu.memory_space<vmem>>) offsets(%dma_start3A_257 : memref<128xi32, #tpu.memory_space<vmem>>) semaphore(%arg17 : memref<!tpu.dma_semaphore, #tpu.memory_space<semaphore_mem>>)
    }
    %scan3A_35 = arith.constant 19 : i32
    %dma_wait3A = arith.constant 76 : i32
    %dma_wait3A_36 = arith.constant 0 : i32
    %dma_wait3A_37 = tpu.memref_slice %arg7[%dma_wait3A, %dma_wait3A_36] : memref<80x128xi32, #tpu.memory_space<vmem>> -> memref<1x128xi32, #tpu.memory_space<vmem>>
    %dma_wait3A_38 = tpu.memref_squeeze %dma_wait3A_37 : memref<1x128xi32, #tpu.memory_space<vmem>> -> memref<128xi32, #tpu.memory_space<vmem>>
    %dma_wait3A_39 = arith.constant 0 : i32
    %dma_wait3A_40 = arith.constant 0 : i32
    %dma_wait3A_41 = tpu.memref_slice %arg22[%dma_wait3A_39, %dma_wait3A_40] : memref<10000x16xf32, #tpu.memory_space<vmem_shared>> -> memref<10000x16xf32, #tpu.memory_space<vmem_shared>>
    tpu.wait_indirect_dma semaphore(%arg14 : memref<!tpu.dma_semaphore, #tpu.memory_space<semaphore_mem>>) src(%dma_wait3A_41 : memref<10000x16xf32, #tpu.memory_space<vmem_shared>>) dst(%arg9 : memref<128x16xf32, #tpu.memory_space<vmem>>)
    %dma_start3A_42 = arith.constant 76 : i32
    %dma_start3A_43 = arith.constant 0 : i32
    %dma_start3A_44 = tpu.memref_slice %arg8[%dma_start3A_42, %dma_start3A_43] : memref<80x128xi32, #tpu.memory_space<vmem>> -> memref<1x128xi32, #tpu.memory_space<vmem>>
    %dma_start3A_45 = tpu.memref_squeeze %dma_start3A_44 : memref<1x128xi32, #tpu.memory_space<vmem>> -> memref<128xi32, #tpu.memory_space<vmem>>
    %dma_start3A_46 = arith.constant 0 : i32
    %dma_start3A_47 = arith.constant 0 : i32
    %dma_start3A_48 = tpu.memref_slice %arg13[%dma_start3A_46, %dma_start3A_47] : memref<10240x16xf32, #tpu.memory_space<vmem_shared>> -> memref<10240x16xf32, #tpu.memory_space<vmem_shared>>
    tpu.enqueue_indirect_dma source(%arg9 : memref<128x16xf32, #tpu.memory_space<vmem>>) target(%dma_start3A_48 : memref<10240x16xf32, #tpu.memory_space<vmem_shared>>) offsets(%dma_start3A_45 : memref<128xi32, #tpu.memory_space<vmem>>) semaphore(%arg18 : memref<!tpu.dma_semaphore, #tpu.memory_space<semaphore_mem>>) {add = true}
    %dma_wait3A_49 = arith.constant 77 : i32
    %dma_wait3A_50 = arith.constant 0 : i32
    %dma_wait3A_51 = tpu.memref_slice %arg7[%dma_wait3A_49, %dma_wait3A_50] : memref<80x128xi32, #tpu.memory_space<vmem>> -> memref<1x128xi32, #tpu.memory_space<vmem>>
    %dma_wait3A_52 = tpu.memref_squeeze %dma_wait3A_51 : memref<1x128xi32, #tpu.memory_space<vmem>> -> memref<128xi32, #tpu.memory_space<vmem>>
    %dma_wait3A_53 = arith.constant 0 : i32
    %dma_wait3A_54 = arith.constant 0 : i32
    %dma_wait3A_55 = tpu.memref_slice %arg22[%dma_wait3A_53, %dma_wait3A_54] : memref<10000x16xf32, #tpu.memory_space<vmem_shared>> -> memref<10000x16xf32, #tpu.memory_space<vmem_shared>>
    tpu.wait_indirect_dma semaphore(%arg15 : memref<!tpu.dma_semaphore, #tpu.memory_space<semaphore_mem>>) src(%dma_wait3A_55 : memref<10000x16xf32, #tpu.memory_space<vmem_shared>>) dst(%arg10 : memref<128x16xf32, #tpu.memory_space<vmem>>)
    %dma_start3A_56 = arith.constant 77 : i32
    %dma_start3A_57 = arith.constant 0 : i32
    %dma_start3A_58 = tpu.memref_slice %arg8[%dma_start3A_56, %dma_start3A_57] : memref<80x128xi32, #tpu.memory_space<vmem>> -> memref<1x128xi32, #tpu.memory_space<vmem>>
    %dma_start3A_59 = tpu.memref_squeeze %dma_start3A_58 : memref<1x128xi32, #tpu.memory_space<vmem>> -> memref<128xi32, #tpu.memory_space<vmem>>
    %dma_start3A_60 = arith.constant 0 : i32
    %dma_start3A_61 = arith.constant 0 : i32
    %dma_start3A_62 = tpu.memref_slice %arg13[%dma_start3A_60, %dma_start3A_61] : memref<10240x16xf32, #tpu.memory_space<vmem_shared>> -> memref<10240x16xf32, #tpu.memory_space<vmem_shared>>
    tpu.enqueue_indirect_dma source(%arg10 : memref<128x16xf32, #tpu.memory_space<vmem>>) target(%dma_start3A_62 : memref<10240x16xf32, #tpu.memory_space<vmem_shared>>) offsets(%dma_start3A_59 : memref<128xi32, #tpu.memory_space<vmem>>) semaphore(%arg19 : memref<!tpu.dma_semaphore, #tpu.memory_space<semaphore_mem>>) {add = true}
    %dma_wait3A_63 = arith.constant 78 : i32
    %dma_wait3A_64 = arith.constant 0 : i32
    %dma_wait3A_65 = tpu.memref_slice %arg7[%dma_wait3A_63, %dma_wait3A_64] : memref<80x128xi32, #tpu.memory_space<vmem>> -> memref<1x128xi32, #tpu.memory_space<vmem>>
    %dma_wait3A_66 = tpu.memref_squeeze %dma_wait3A_65 : memref<1x128xi32, #tpu.memory_space<vmem>> -> memref<128xi32, #tpu.memory_space<vmem>>
    %dma_wait3A_67 = arith.constant 0 : i32
    %dma_wait3A_68 = arith.constant 0 : i32
    %dma_wait3A_69 = tpu.memref_slice %arg22[%dma_wait3A_67, %dma_wait3A_68] : memref<10000x16xf32, #tpu.memory_space<vmem_shared>> -> memref<10000x16xf32, #tpu.memory_space<vmem_shared>>
    tpu.wait_indirect_dma semaphore(%arg16 : memref<!tpu.dma_semaphore, #tpu.memory_space<semaphore_mem>>) src(%dma_wait3A_69 : memref<10000x16xf32, #tpu.memory_space<vmem_shared>>) dst(%arg11 : memref<128x16xf32, #tpu.memory_space<vmem>>)
    %dma_start3A_70 = arith.constant 78 : i32
    %dma_start3A_71 = arith.constant 0 : i32
    %dma_start3A_72 = tpu.memref_slice %arg8[%dma_start3A_70, %dma_start3A_71] : memref<80x128xi32, #tpu.memory_space<vmem>> -> memref<1x128xi32, #tpu.memory_space<vmem>>
    %dma_start3A_73 = tpu.memref_squeeze %dma_start3A_72 : memref<1x128xi32, #tpu.memory_space<vmem>> -> memref<128xi32, #tpu.memory_space<vmem>>
    %dma_start3A_74 = arith.constant 0 : i32
    %dma_start3A_75 = arith.constant 0 : i32
    %dma_start3A_76 = tpu.memref_slice %arg13[%dma_start3A_74, %dma_start3A_75] : memref<10240x16xf32, #tpu.memory_space<vmem_shared>> -> memref<10240x16xf32, #tpu.memory_space<vmem_shared>>
    tpu.enqueue_indirect_dma source(%arg11 : memref<128x16xf32, #tpu.memory_space<vmem>>) target(%dma_start3A_76 : memref<10240x16xf32, #tpu.memory_space<vmem_shared>>) offsets(%dma_start3A_73 : memref<128xi32, #tpu.memory_space<vmem>>) semaphore(%arg20 : memref<!tpu.dma_semaphore, #tpu.memory_space<semaphore_mem>>) {add = true}
    %dma_wait3A_77 = arith.constant 79 : i32
    %dma_wait3A_78 = arith.constant 0 : i32
    %dma_wait3A_79 = tpu.memref_slice %arg7[%dma_wait3A_77, %dma_wait3A_78] : memref<80x128xi32, #tpu.memory_space<vmem>> -> memref<1x128xi32, #tpu.memory_space<vmem>>
    %dma_wait3A_80 = tpu.memref_squeeze %dma_wait3A_79 : memref<1x128xi32, #tpu.memory_space<vmem>> -> memref<128xi32, #tpu.memory_space<vmem>>
    %dma_wait3A_81 = arith.constant 0 : i32
    %dma_wait3A_82 = arith.constant 0 : i32
    %dma_wait3A_83 = tpu.memref_slice %arg22[%dma_wait3A_81, %dma_wait3A_82] : memref<10000x16xf32, #tpu.memory_space<vmem_shared>> -> memref<10000x16xf32, #tpu.memory_space<vmem_shared>>
    tpu.wait_indirect_dma semaphore(%arg17 : memref<!tpu.dma_semaphore, #tpu.memory_space<semaphore_mem>>) src(%dma_wait3A_83 : memref<10000x16xf32, #tpu.memory_space<vmem_shared>>) dst(%arg12 : memref<128x16xf32, #tpu.memory_space<vmem>>)
    %dma_start3A_84 = arith.constant 79 : i32
    %dma_start3A_85 = arith.constant 0 : i32
    %dma_start3A_86 = tpu.memref_slice %arg8[%dma_start3A_84, %dma_start3A_85] : memref<80x128xi32, #tpu.memory_space<vmem>> -> memref<1x128xi32, #tpu.memory_space<vmem>>
    %dma_start3A_87 = tpu.memref_squeeze %dma_start3A_86 : memref<1x128xi32, #tpu.memory_space<vmem>> -> memref<128xi32, #tpu.memory_space<vmem>>
    %dma_start3A_88 = arith.constant 0 : i32
    %dma_start3A_89 = arith.constant 0 : i32
    %dma_start3A_90 = tpu.memref_slice %arg13[%dma_start3A_88, %dma_start3A_89] : memref<10240x16xf32, #tpu.memory_space<vmem_shared>> -> memref<10240x16xf32, #tpu.memory_space<vmem_shared>>
    tpu.enqueue_indirect_dma source(%arg12 : memref<128x16xf32, #tpu.memory_space<vmem>>) target(%dma_start3A_90 : memref<10240x16xf32, #tpu.memory_space<vmem_shared>>) offsets(%dma_start3A_87 : memref<128xi32, #tpu.memory_space<vmem>>) semaphore(%arg21 : memref<!tpu.dma_semaphore, #tpu.memory_space<semaphore_mem>>) {add = true}
    %dma_wait3A_91 = arith.constant 76 : i32
    %dma_wait3A_92 = arith.constant 0 : i32
    %dma_wait3A_93 = tpu.memref_slice %arg8[%dma_wait3A_91, %dma_wait3A_92] : memref<80x128xi32, #tpu.memory_space<vmem>> -> memref<1x128xi32, #tpu.memory_space<vmem>>
    %dma_wait3A_94 = tpu.memref_squeeze %dma_wait3A_93 : memref<1x128xi32, #tpu.memory_space<vmem>> -> memref<128xi32, #tpu.memory_space<vmem>>
    %dma_wait3A_95 = arith.constant 0 : i32
    %dma_wait3A_96 = arith.constant 0 : i32
    %dma_wait3A_97 = tpu.memref_slice %arg13[%dma_wait3A_95, %dma_wait3A_96] : memref<10240x16xf32, #tpu.memory_space<vmem_shared>> -> memref<10240x16xf32, #tpu.memory_space<vmem_shared>>
    tpu.wait_indirect_dma semaphore(%arg18 : memref<!tpu.dma_semaphore, #tpu.memory_space<semaphore_mem>>) src(%arg9 : memref<128x16xf32, #tpu.memory_space<vmem>>) dst(%dma_wait3A_97 : memref<10240x16xf32, #tpu.memory_space<vmem_shared>>)
    %dma_wait3A_98 = arith.constant 77 : i32
    %dma_wait3A_99 = arith.constant 0 : i32
    %dma_wait3A_100 = tpu.memref_slice %arg8[%dma_wait3A_98, %dma_wait3A_99] : memref<80x128xi32, #tpu.memory_space<vmem>> -> memref<1x128xi32, #tpu.memory_space<vmem>>
    %dma_wait3A_101 = tpu.memref_squeeze %dma_wait3A_100 : memref<1x128xi32, #tpu.memory_space<vmem>> -> memref<128xi32, #tpu.memory_space<vmem>>
    %dma_wait3A_102 = arith.constant 0 : i32
    %dma_wait3A_103 = arith.constant 0 : i32
    %dma_wait3A_104 = tpu.memref_slice %arg13[%dma_wait3A_102, %dma_wait3A_103] : memref<10240x16xf32, #tpu.memory_space<vmem_shared>> -> memref<10240x16xf32, #tpu.memory_space<vmem_shared>>
    tpu.wait_indirect_dma semaphore(%arg19 : memref<!tpu.dma_semaphore, #tpu.memory_space<semaphore_mem>>) src(%arg10 : memref<128x16xf32, #tpu.memory_space<vmem>>) dst(%dma_wait3A_104 : memref<10240x16xf32, #tpu.memory_space<vmem_shared>>)
    %dma_wait3A_105 = arith.constant 78 : i32
    %dma_wait3A_106 = arith.constant 0 : i32
    %dma_wait3A_107 = tpu.memref_slice %arg8[%dma_wait3A_105, %dma_wait3A_106] : memref<80x128xi32, #tpu.memory_space<vmem>> -> memref<1x128xi32, #tpu.memory_space<vmem>>
    %dma_wait3A_108 = tpu.memref_squeeze %dma_wait3A_107 : memref<1x128xi32, #tpu.memory_space<vmem>> -> memref<128xi32, #tpu.memory_space<vmem>>
    %dma_wait3A_109 = arith.constant 0 : i32
    %dma_wait3A_110 = arith.constant 0 : i32
    %dma_wait3A_111 = tpu.memref_slice %arg13[%dma_wait3A_109, %dma_wait3A_110] : memref<10240x16xf32, #tpu.memory_space<vmem_shared>> -> memref<10240x16xf32, #tpu.memory_space<vmem_shared>>
    tpu.wait_indirect_dma semaphore(%arg20 : memref<!tpu.dma_semaphore, #tpu.memory_space<semaphore_mem>>) src(%arg11 : memref<128x16xf32, #tpu.memory_space<vmem>>) dst(%dma_wait3A_111 : memref<10240x16xf32, #tpu.memory_space<vmem_shared>>)
    %dma_wait3A_112 = arith.constant 79 : i32
    %dma_wait3A_113 = arith.constant 0 : i32
    %dma_wait3A_114 = tpu.memref_slice %arg8[%dma_wait3A_112, %dma_wait3A_113] : memref<80x128xi32, #tpu.memory_space<vmem>> -> memref<1x128xi32, #tpu.memory_space<vmem>>
    %dma_wait3A_115 = tpu.memref_squeeze %dma_wait3A_114 : memref<1x128xi32, #tpu.memory_space<vmem>> -> memref<128xi32, #tpu.memory_space<vmem>>
    %dma_wait3A_116 = arith.constant 0 : i32
    %dma_wait3A_117 = arith.constant 0 : i32
    %dma_wait3A_118 = tpu.memref_slice %arg13[%dma_wait3A_116, %dma_wait3A_117] : memref<10240x16xf32, #tpu.memory_space<vmem_shared>> -> memref<10240x16xf32, #tpu.memory_space<vmem_shared>>
    tpu.wait_indirect_dma semaphore(%arg21 : memref<!tpu.dma_semaphore, #tpu.memory_space<semaphore_mem>>) src(%arg12 : memref<128x16xf32, #tpu.memory_space<vmem>>) dst(%dma_wait3A_118 : memref<10240x16xf32, #tpu.memory_space<vmem_shared>>)
    %barrier3A_119 = arith.constant 0 : index
    tpu.barrier barrier_id(%barrier3A_119)
    "tpu.region"() ({
      %run_scoped3A = tpu.sem_alloc : memref<!tpu.dma_semaphore, #tpu.memory_space<semaphore_mem>>
      %dma_start3A_120 = arith.constant 0 : i32
      %dma_start3A_121 = tpu.memref_slice %arg6[%arg0, %mul3A_2, %dma_start3A_120] : memref<2x10240x16xf32, #tpu.memory_space<hbm>> -> memref<1x640x16xf32, #tpu.memory_space<hbm>>
      %dma_start3A_122 = tpu.memref_squeeze %dma_start3A_121 : memref<1x640x16xf32, #tpu.memory_space<hbm>> -> memref<640x16xf32, #tpu.memory_space<hbm>>
      %dma_start3A_123 = arith.constant 0 : i32
      %dma_start3A_124 = tpu.memref_slice %arg13[%mul3A_2, %dma_start3A_123] : memref<10240x16xf32, #tpu.memory_space<vmem_shared>> -> memref<640x16xf32, #tpu.memory_space<vmem_shared>>
      tpu.enqueue_dma source(%dma_start3A_124 : memref<640x16xf32, #tpu.memory_space<vmem_shared>>) target(%dma_start3A_122 : memref<640x16xf32, #tpu.memory_space<hbm>>) target_semaphore(%run_scoped3A : memref<!tpu.dma_semaphore, #tpu.memory_space<semaphore_mem>>)
      %dma_wait3A_125 = arith.constant 0 : i32
      %dma_wait3A_126 = tpu.memref_slice %arg6[%arg0, %mul3A_2, %dma_wait3A_125] : memref<2x10240x16xf32, #tpu.memory_space<hbm>> -> memref<1x640x16xf32, #tpu.memory_space<hbm>>
      %dma_wait3A_127 = tpu.memref_squeeze %dma_wait3A_126 : memref<1x640x16xf32, #tpu.memory_space<hbm>> -> memref<640x16xf32, #tpu.memory_space<hbm>>
      %dma_wait3A_128 = arith.constant 0 : i32
      %dma_wait3A_129 = tpu.memref_slice %arg13[%mul3A_2, %dma_wait3A_128] : memref<10240x16xf32, #tpu.memory_space<vmem_shared>> -> memref<640x16xf32, #tpu.memory_space<vmem_shared>>
      tpu.wait_dma2 semaphore(%run_scoped3A : memref<!tpu.dma_semaphore, #tpu.memory_space<semaphore_mem>>) src(%dma_wait3A_129 : memref<640x16xf32, #tpu.memory_space<vmem_shared>>) dst(%dma_wait3A_127 : memref<640x16xf32, #tpu.memory_space<hbm>>)
      tpu.yield
    }) : () -> ()
    return
  }
}

#map = affine_map<(d0, d1) -> (0, 0, 0)>
#map1 = affine_map<(d0, d1) -> (0, 0)>
module attributes {stable_mosaic.version = 14 : i64} {
  func.func @edge_scatter(%arg0: i32, %arg1: i32, %arg2: memref<32x80x128xi32, #tpu.memory_space<hbm>>, %arg3: memref<128x16xf32, #tpu.memory_space<hbm>>, %arg4: memref<10240x16xf32, #tpu.memory_space<hbm>>, %arg5: memref<2x10240x16xf32, #tpu.memory_space<hbm>>, %arg6: memref<80x128xi32, #tpu.memory_space<vmem>>, %arg7: memref<128x16xf32, #tpu.memory_space<vmem>>, %arg8: memref<128x16xf32, #tpu.memory_space<vmem>>, %arg9: memref<10240x16xf32, #tpu.memory_space<vmem_shared>>, %arg10: memref<!tpu.dma_semaphore, #tpu.memory_space<semaphore_mem>>, %arg11: memref<!tpu.dma_semaphore, #tpu.memory_space<semaphore_mem>>) attributes {dimension_semantics = [#tpu.dimension_semantics<core_parallel>, #tpu.dimension_semantics<subcore_parallel>], iteration_bounds = array<i64: 2, 16>, scalar_prefetch = 0 : i64, scratch_operands = 6 : i64, tpu.core_type = #tpu.core_type<sc_vector_subcore>, window_params = [{transform_indices = #map}, {transform_indices = #map1}, {transform_indices = #map1}, {transform_indices = #map}]} {
    %mul3A = arith.constant 16 : i32
    %mul3A_0 = arith.muli %arg0, %mul3A : i32
    %add3A = arith.addi %mul3A_0, %arg1 : i32
    %mul3A_1 = arith.constant 640 : i32
    %mul3A_2 = arith.muli %arg1, %mul3A_1 : i32
    "tpu.region"() ({
      %run_scoped3A = tpu.sem_alloc : memref<!tpu.dma_semaphore, #tpu.memory_space<semaphore_mem>>
      %dma_start3A = arith.constant 0 : i32
      %dma_start3A_8 = tpu.memref_slice %arg9[%mul3A_2, %dma_start3A] : memref<10240x16xf32, #tpu.memory_space<vmem_shared>> -> memref<640x16xf32, #tpu.memory_space<vmem_shared>>
      %dma_start3A_9 = arith.constant 0 : i32
      %dma_start3A_10 = tpu.memref_slice %arg4[%mul3A_2, %dma_start3A_9] : memref<10240x16xf32, #tpu.memory_space<hbm>> -> memref<640x16xf32, #tpu.memory_space<hbm>>
      tpu.enqueue_dma source(%dma_start3A_10 : memref<640x16xf32, #tpu.memory_space<hbm>>) target(%dma_start3A_8 : memref<640x16xf32, #tpu.memory_space<vmem_shared>>) target_semaphore(%run_scoped3A : memref<!tpu.dma_semaphore, #tpu.memory_space<semaphore_mem>>)
      %dma_wait3A = arith.constant 0 : i32
      %dma_wait3A_11 = tpu.memref_slice %arg9[%mul3A_2, %dma_wait3A] : memref<10240x16xf32, #tpu.memory_space<vmem_shared>> -> memref<640x16xf32, #tpu.memory_space<vmem_shared>>
      %dma_wait3A_12 = arith.constant 0 : i32
      %dma_wait3A_13 = tpu.memref_slice %arg4[%mul3A_2, %dma_wait3A_12] : memref<10240x16xf32, #tpu.memory_space<hbm>> -> memref<640x16xf32, #tpu.memory_space<hbm>>
      tpu.wait_dma2 semaphore(%run_scoped3A : memref<!tpu.dma_semaphore, #tpu.memory_space<semaphore_mem>>) src(%dma_wait3A_13 : memref<640x16xf32, #tpu.memory_space<hbm>>) dst(%dma_wait3A_11 : memref<640x16xf32, #tpu.memory_space<vmem_shared>>)
      tpu.yield
    }) : () -> ()
    "tpu.region"() ({
      %run_scoped3A = tpu.sem_alloc : memref<!tpu.dma_semaphore, #tpu.memory_space<semaphore_mem>>
      %dma_start3A = arith.constant 0 : i32
      %dma_start3A_8 = arith.constant 0 : i32
      %dma_start3A_9 = tpu.memref_slice %arg2[%add3A, %dma_start3A, %dma_start3A_8] : memref<32x80x128xi32, #tpu.memory_space<hbm>> -> memref<1x80x128xi32, #tpu.memory_space<hbm>>
      %dma_start3A_10 = tpu.memref_squeeze %dma_start3A_9 : memref<1x80x128xi32, #tpu.memory_space<hbm>> -> memref<80x128xi32, #tpu.memory_space<hbm>>
      %dma_start3A_11 = arith.constant 0 : i32
      %dma_start3A_12 = arith.constant 0 : i32
      %dma_start3A_13 = tpu.memref_slice %arg2[%add3A, %dma_start3A_11, %dma_start3A_12] : memref<32x80x128xi32, #tpu.memory_space<hbm>> -> memref<1x80x128xi32, #tpu.memory_space<hbm>>
      %dma_start3A_14 = tpu.memref_squeeze %dma_start3A_13 : memref<1x80x128xi32, #tpu.memory_space<hbm>> -> memref<80x128xi32, #tpu.memory_space<hbm>>
      tpu.enqueue_dma source(%dma_start3A_14 : memref<80x128xi32, #tpu.memory_space<hbm>>) target(%arg6 : memref<80x128xi32, #tpu.memory_space<vmem>>) target_semaphore(%run_scoped3A : memref<!tpu.dma_semaphore, #tpu.memory_space<semaphore_mem>>)
      %dma_wait3A = arith.constant 0 : i32
      %dma_wait3A_15 = arith.constant 0 : i32
      %dma_wait3A_16 = tpu.memref_slice %arg2[%add3A, %dma_wait3A, %dma_wait3A_15] : memref<32x80x128xi32, #tpu.memory_space<hbm>> -> memref<1x80x128xi32, #tpu.memory_space<hbm>>
      %dma_wait3A_17 = tpu.memref_squeeze %dma_wait3A_16 : memref<1x80x128xi32, #tpu.memory_space<hbm>> -> memref<80x128xi32, #tpu.memory_space<hbm>>
      %dma_wait3A_18 = arith.constant 0 : i32
      %dma_wait3A_19 = arith.constant 0 : i32
      %dma_wait3A_20 = tpu.memref_slice %arg2[%add3A, %dma_wait3A_18, %dma_wait3A_19] : memref<32x80x128xi32, #tpu.memory_space<hbm>> -> memref<1x80x128xi32, #tpu.memory_space<hbm>>
      %dma_wait3A_21 = tpu.memref_squeeze %dma_wait3A_20 : memref<1x80x128xi32, #tpu.memory_space<hbm>> -> memref<80x128xi32, #tpu.memory_space<hbm>>
      tpu.wait_dma2 semaphore(%run_scoped3A : memref<!tpu.dma_semaphore, #tpu.memory_space<semaphore_mem>>) src(%dma_wait3A_21 : memref<80x128xi32, #tpu.memory_space<hbm>>) dst(%arg6 : memref<80x128xi32, #tpu.memory_space<vmem>>)
      tpu.yield
    }) : () -> ()
    "tpu.region"() ({
      %run_scoped3A = tpu.sem_alloc : memref<!tpu.dma_semaphore, #tpu.memory_space<semaphore_mem>>
      tpu.enqueue_dma source(%arg3 : memref<128x16xf32, #tpu.memory_space<hbm>>) target(%arg7 : memref<128x16xf32, #tpu.memory_space<vmem>>) target_semaphore(%run_scoped3A : memref<!tpu.dma_semaphore, #tpu.memory_space<semaphore_mem>>)
      tpu.wait_dma2 semaphore(%run_scoped3A : memref<!tpu.dma_semaphore, #tpu.memory_space<semaphore_mem>>) src(%arg3 : memref<128x16xf32, #tpu.memory_space<hbm>>) dst(%arg7 : memref<128x16xf32, #tpu.memory_space<vmem>>)
      tpu.yield
    }) : () -> ()
    %barrier3A = arith.constant 0 : index
    tpu.barrier barrier_id(%barrier3A)
    %scan3A = arith.constant 0 : i32
    %scan3A_3 = arith.constant 40 : i32
    %scan3A_4 = arith.addi %scan3A, %scan3A_3 : i32
    %scan3A_5 = arith.constant 1 : i32
    scf.for %scan3A_8 = %scan3A to %scan3A_4 step %scan3A_5  : i32 {
      %mul3A_9 = arith.constant 2 : i32
      %mul3A_10 = arith.muli %scan3A_8, %mul3A_9 : i32
      %add3A_11 = arith.constant 0 : i32
      %add3A_12 = arith.addi %add3A_11, %mul3A_10 : i32
      %dma_start3A = arith.constant 0 : i32
      %dma_start3A_13 = tpu.memref_slice %arg6[%add3A_12, %dma_start3A] : memref<80x128xi32, #tpu.memory_space<vmem>> -> memref<1x128xi32, #tpu.memory_space<vmem>>
      %dma_start3A_14 = tpu.memref_squeeze %dma_start3A_13 : memref<1x128xi32, #tpu.memory_space<vmem>> -> memref<128xi32, #tpu.memory_space<vmem>>
      %dma_start3A_15 = arith.constant 0 : i32
      %dma_start3A_16 = arith.constant 0 : i32
      %dma_start3A_17 = tpu.memref_slice %arg9[%dma_start3A_15, %dma_start3A_16] : memref<10240x16xf32, #tpu.memory_space<vmem_shared>> -> memref<10240x16xf32, #tpu.memory_space<vmem_shared>>
      tpu.enqueue_indirect_dma source(%arg7 : memref<128x16xf32, #tpu.memory_space<vmem>>) target(%dma_start3A_17 : memref<10240x16xf32, #tpu.memory_space<vmem_shared>>) offsets(%dma_start3A_14 : memref<128xi32, #tpu.memory_space<vmem>>) semaphore(%arg10 : memref<!tpu.dma_semaphore, #tpu.memory_space<semaphore_mem>>) {add = true}
      %add3A_18 = arith.constant 1 : i32
      %add3A_19 = arith.addi %add3A_12, %add3A_18 : i32
      %dma_start3A_20 = arith.constant 0 : i32
      %dma_start3A_21 = tpu.memref_slice %arg6[%add3A_19, %dma_start3A_20] : memref<80x128xi32, #tpu.memory_space<vmem>> -> memref<1x128xi32, #tpu.memory_space<vmem>>
      %dma_start3A_22 = tpu.memref_squeeze %dma_start3A_21 : memref<1x128xi32, #tpu.memory_space<vmem>> -> memref<128xi32, #tpu.memory_space<vmem>>
      %dma_start3A_23 = arith.constant 0 : i32
      %dma_start3A_24 = arith.constant 0 : i32
      %dma_start3A_25 = tpu.memref_slice %arg9[%dma_start3A_23, %dma_start3A_24] : memref<10240x16xf32, #tpu.memory_space<vmem_shared>> -> memref<10240x16xf32, #tpu.memory_space<vmem_shared>>
      tpu.enqueue_indirect_dma source(%arg7 : memref<128x16xf32, #tpu.memory_space<vmem>>) target(%dma_start3A_25 : memref<10240x16xf32, #tpu.memory_space<vmem_shared>>) offsets(%dma_start3A_22 : memref<128xi32, #tpu.memory_space<vmem>>) semaphore(%arg11 : memref<!tpu.dma_semaphore, #tpu.memory_space<semaphore_mem>>) {add = true}
      %dma_wait3A = arith.constant 0 : i32
      %dma_wait3A_26 = tpu.memref_slice %arg6[%add3A_12, %dma_wait3A] : memref<80x128xi32, #tpu.memory_space<vmem>> -> memref<1x128xi32, #tpu.memory_space<vmem>>
      %dma_wait3A_27 = tpu.memref_squeeze %dma_wait3A_26 : memref<1x128xi32, #tpu.memory_space<vmem>> -> memref<128xi32, #tpu.memory_space<vmem>>
      %dma_wait3A_28 = arith.constant 0 : i32
      %dma_wait3A_29 = arith.constant 0 : i32
      %dma_wait3A_30 = tpu.memref_slice %arg9[%dma_wait3A_28, %dma_wait3A_29] : memref<10240x16xf32, #tpu.memory_space<vmem_shared>> -> memref<10240x16xf32, #tpu.memory_space<vmem_shared>>
      tpu.wait_indirect_dma semaphore(%arg10 : memref<!tpu.dma_semaphore, #tpu.memory_space<semaphore_mem>>) src(%arg7 : memref<128x16xf32, #tpu.memory_space<vmem>>) dst(%dma_wait3A_30 : memref<10240x16xf32, #tpu.memory_space<vmem_shared>>)
      %add3A_31 = arith.constant 1 : i32
      %add3A_32 = arith.addi %add3A_12, %add3A_31 : i32
      %dma_wait3A_33 = arith.constant 0 : i32
      %dma_wait3A_34 = tpu.memref_slice %arg6[%add3A_32, %dma_wait3A_33] : memref<80x128xi32, #tpu.memory_space<vmem>> -> memref<1x128xi32, #tpu.memory_space<vmem>>
      %dma_wait3A_35 = tpu.memref_squeeze %dma_wait3A_34 : memref<1x128xi32, #tpu.memory_space<vmem>> -> memref<128xi32, #tpu.memory_space<vmem>>
      %dma_wait3A_36 = arith.constant 0 : i32
      %dma_wait3A_37 = arith.constant 0 : i32
      %dma_wait3A_38 = tpu.memref_slice %arg9[%dma_wait3A_36, %dma_wait3A_37] : memref<10240x16xf32, #tpu.memory_space<vmem_shared>> -> memref<10240x16xf32, #tpu.memory_space<vmem_shared>>
      tpu.wait_indirect_dma semaphore(%arg11 : memref<!tpu.dma_semaphore, #tpu.memory_space<semaphore_mem>>) src(%arg7 : memref<128x16xf32, #tpu.memory_space<vmem>>) dst(%dma_wait3A_38 : memref<10240x16xf32, #tpu.memory_space<vmem_shared>>)
    }
    %scan3A_6 = arith.constant 40 : i32
    %barrier3A_7 = arith.constant 0 : index
    tpu.barrier barrier_id(%barrier3A_7)
    "tpu.region"() ({
      %run_scoped3A = tpu.sem_alloc : memref<!tpu.dma_semaphore, #tpu.memory_space<semaphore_mem>>
      %dma_start3A = arith.constant 0 : i32
      %dma_start3A_8 = tpu.memref_slice %arg5[%arg0, %mul3A_2, %dma_start3A] : memref<2x10240x16xf32, #tpu.memory_space<hbm>> -> memref<1x640x16xf32, #tpu.memory_space<hbm>>
      %dma_start3A_9 = tpu.memref_squeeze %dma_start3A_8 : memref<1x640x16xf32, #tpu.memory_space<hbm>> -> memref<640x16xf32, #tpu.memory_space<hbm>>
      %dma_start3A_10 = arith.constant 0 : i32
      %dma_start3A_11 = tpu.memref_slice %arg9[%mul3A_2, %dma_start3A_10] : memref<10240x16xf32, #tpu.memory_space<vmem_shared>> -> memref<640x16xf32, #tpu.memory_space<vmem_shared>>
      tpu.enqueue_dma source(%dma_start3A_11 : memref<640x16xf32, #tpu.memory_space<vmem_shared>>) target(%dma_start3A_9 : memref<640x16xf32, #tpu.memory_space<hbm>>) target_semaphore(%run_scoped3A : memref<!tpu.dma_semaphore, #tpu.memory_space<semaphore_mem>>)
      %dma_wait3A = arith.constant 0 : i32
      %dma_wait3A_12 = tpu.memref_slice %arg5[%arg0, %mul3A_2, %dma_wait3A] : memref<2x10240x16xf32, #tpu.memory_space<hbm>> -> memref<1x640x16xf32, #tpu.memory_space<hbm>>
      %dma_wait3A_13 = tpu.memref_squeeze %dma_wait3A_12 : memref<1x640x16xf32, #tpu.memory_space<hbm>> -> memref<640x16xf32, #tpu.memory_space<hbm>>
      %dma_wait3A_14 = arith.constant 0 : i32
      %dma_wait3A_15 = tpu.memref_slice %arg9[%mul3A_2, %dma_wait3A_14] : memref<10240x16xf32, #tpu.memory_space<vmem_shared>> -> memref<640x16xf32, #tpu.memory_space<vmem_shared>>
      tpu.wait_dma2 semaphore(%run_scoped3A : memref<!tpu.dma_semaphore, #tpu.memory_space<semaphore_mem>>) src(%dma_wait3A_15 : memref<640x16xf32, #tpu.memory_space<vmem_shared>>) dst(%dma_wait3A_13 : memref<640x16xf32, #tpu.memory_space<hbm>>)
      tpu.yield
    }) : () -> ()
    return
  }
}

module attributes {stable_mosaic.version = 14 : i64} {
  func.func @_tc1_body(%arg0: memref<10000x128xf32, #tpu.memory_space<vmem>>, %arg1: memref<128x32xf32, #tpu.memory_space<vmem>>, %arg2: memref<10000x32xf32, #tpu.memory_space<vmem>>) attributes {dimension_semantics = [], scalar_prefetch = 0 : i64, scratch_operands = 0 : i64, tpu.core_type = #tpu.core_type<tc>} {
    %get3A = arith.constant 0 : index
    %get3A_0 = arith.constant 0 : index
    %get3A_1 = vector.load %arg0[%get3A, %get3A_0] : memref<10000x128xf32, #tpu.memory_space<vmem>>, vector<10000x128xf32>
    %get3A_2 = arith.constant 0 : index
    %get3A_3 = arith.constant 0 : index
    %get3A_4 = vector.load %arg1[%get3A_2, %get3A_3] : memref<128x32xf32, #tpu.memory_space<vmem>>, vector<128x32xf32>
    %dot_general3A = arith.constant dense<0.000000e+00> : vector<10000x32xf32>
    %dot_general3A_5 = tpu.matmul %get3A_1, %get3A_4, %dot_general3A {dimension_numbers = #tpu.dot_dimension_numbers<[1], [0], [0], [1], [0, 0, 1, 1], [], []>, transpose_lhs_hint = false} : vector<10000x128xf32>, vector<128x32xf32>, vector<10000x32xf32> -> vector<10000x32xf32>
    %swap3A = arith.constant 0 : index
    %swap3A_6 = arith.constant 0 : index
    %swap3A_7 = vector.load %arg2[%swap3A, %swap3A_6] : memref<10000x32xf32, #tpu.memory_space<vmem>>, vector<10000x32xf32>
    tpu.vector_store %arg2[%swap3A, %swap3A_6], %dot_general3A_5 {strides = array<i32>} : memref<10000x32xf32, #tpu.memory_space<vmem>>, vector<10000x32xf32>,
    return
  }
}

module attributes {stable_mosaic.version = 14 : i64} {
  func.func @_tcdis_body(%arg0: memref<2x10240x16xf32, #tpu.memory_space<vmem>>, %arg1: memref<10000x1xf32, #tpu.memory_space<vmem>>) attributes {dimension_semantics = [], scalar_prefetch = 0 : i64, scratch_operands = 0 : i64, tpu.core_type = #tpu.core_type<tc>} {
    %get3A = arith.constant 0 : index
    %get3A_0 = arith.constant 0 : index
    %get3A_1 = arith.constant 0 : index
    %get3A_2 = vector.load %arg0[%get3A, %get3A_0, %get3A_1] : memref<2x10240x16xf32, #tpu.memory_space<vmem>>, vector<2x10240x16xf32>
    %slice3A = vector.extract_strided_slice %get3A_2 {offsets = [0, 0, 0], sizes = [1, 10000, 1], strides = [1, 1, 1]} : vector<2x10240x16xf32> to vector<1x10000x1xf32>
    %squeeze3A = vector.shape_cast %slice3A : vector<1x10000x1xf32> to vector<10000x1xf32>
    %slice3A_3 = vector.extract_strided_slice %get3A_2 {offsets = [1, 0, 0], sizes = [1, 10000, 1], strides = [1, 1, 1]} : vector<2x10240x16xf32> to vector<1x10000x1xf32>
    %squeeze3A_4 = vector.shape_cast %slice3A_3 : vector<1x10000x1xf32> to vector<10000x1xf32>
    %add3A = arith.addf %squeeze3A, %squeeze3A_4 : vector<10000x1xf32>
    %add3A_5 = arith.constant 1.000000e+00 : f32
    %add3A_6 = vector.broadcast %add3A_5 : f32 to vector<10000x1xf32>
    %add3A_7 = arith.addf %add3A, %add3A_6 : vector<10000x1xf32>
    %rsqrt3A = math.rsqrt %add3A_7 : vector<10000x1xf32>
    %swap3A = arith.constant 0 : index
    %swap3A_8 = arith.constant 0 : index
    %swap3A_9 = vector.load %arg1[%swap3A, %swap3A_8] : memref<10000x1xf32, #tpu.memory_space<vmem>>, vector<10000x1xf32>
    tpu.vector_store %arg1[%swap3A, %swap3A_8], %rsqrt3A {strides = array<i32>} : memref<10000x1xf32, #tpu.memory_space<vmem>>, vector<10000x1xf32>,
    return
  }
}

module attributes {stable_mosaic.version = 14 : i64} {
  func.func @_tc2_body(%arg0: memref<10000x1xf32, #tpu.memory_space<vmem>>, %arg1: memref<2x10240x32xf32, #tpu.memory_space<vmem>>, %arg2: memref<10000x32xf32, #tpu.memory_space<vmem>>, %arg3: memref<1x32xf32, #tpu.memory_space<vmem>>, %arg4: memref<32x16xf32, #tpu.memory_space<vmem>>, %arg5: memref<10000x16xf32, #tpu.memory_space<vmem>>) attributes {dimension_semantics = [], scalar_prefetch = 0 : i64, scratch_operands = 0 : i64, tpu.core_type = #tpu.core_type<tc>} {
    %get3A = arith.constant 0 : index
    %get3A_0 = arith.constant 0 : index
    %get3A_1 = vector.load %arg0[%get3A, %get3A_0] : memref<10000x1xf32, #tpu.memory_space<vmem>>, vector<10000x1xf32>
    %get3A_2 = arith.constant 0 : index
    %get3A_3 = arith.constant 0 : index
    %get3A_4 = arith.constant 0 : index
    %get3A_5 = vector.load %arg1[%get3A_2, %get3A_3, %get3A_4] : memref<2x10240x32xf32, #tpu.memory_space<vmem>>, vector<2x10240x32xf32>
    %slice3A = vector.extract_strided_slice %get3A_5 {offsets = [0, 0, 0], sizes = [1, 10000, 32], strides = [1, 1, 1]} : vector<2x10240x32xf32> to vector<1x10000x32xf32>
    %squeeze3A = vector.shape_cast %slice3A : vector<1x10000x32xf32> to vector<10000x32xf32>
    %slice3A_6 = vector.extract_strided_slice %get3A_5 {offsets = [1, 0, 0], sizes = [1, 10000, 32], strides = [1, 1, 1]} : vector<2x10240x32xf32> to vector<1x10000x32xf32>
    %squeeze3A_7 = vector.shape_cast %slice3A_6 : vector<1x10000x32xf32> to vector<10000x32xf32>
    %add3A = arith.addf %squeeze3A, %squeeze3A_7 : vector<10000x32xf32>
    %mul3A = vector.broadcast %get3A_1 : vector<10000x1xf32> to vector<10000x32xf32>
    %mul3A_8 = arith.mulf %mul3A, %add3A : vector<10000x32xf32>
    %mul3A_9 = arith.mulf %get3A_1, %get3A_1 : vector<10000x1xf32>
    %get3A_10 = arith.constant 0 : index
    %get3A_11 = arith.constant 0 : index
    %get3A_12 = vector.load %arg2[%get3A_10, %get3A_11] : memref<10000x32xf32, #tpu.memory_space<vmem>>, vector<10000x32xf32>
    %mul3A_13 = vector.broadcast %mul3A_9 : vector<10000x1xf32> to vector<10000x32xf32>
    %mul3A_14 = arith.mulf %mul3A_13, %get3A_12 : vector<10000x32xf32>
    %add3A_15 = arith.addf %mul3A_8, %mul3A_14 : vector<10000x32xf32>
    %get3A_16 = arith.constant 0 : index
    %get3A_17 = arith.constant 0 : index
    %get3A_18 = vector.load %arg3[%get3A_16, %get3A_17] : memref<1x32xf32, #tpu.memory_space<vmem>>, vector<1x32xf32>
    %add3A_19 = vector.broadcast %get3A_18 : vector<1x32xf32> to vector<10000x32xf32>
    %add3A_20 = arith.addf %add3A_15, %add3A_19 : vector<10000x32xf32>
    %max3A = arith.constant 0.000000e+00 : f32
    %max3A_21 = vector.broadcast %max3A : f32 to vector<10000x32xf32>
    %max3A_22 = arith.maximumf %add3A_20, %max3A_21 : vector<10000x32xf32>
    %get3A_23 = arith.constant 0 : index
    %get3A_24 = arith.constant 0 : index
    %get3A_25 = vector.load %arg4[%get3A_23, %get3A_24] : memref<32x16xf32, #tpu.memory_space<vmem>>, vector<32x16xf32>
    %dot_general3A = arith.constant dense<0.000000e+00> : vector<10000x16xf32>
    %dot_general3A_26 = tpu.matmul %max3A_22, %get3A_25, %dot_general3A {dimension_numbers = #tpu.dot_dimension_numbers<[1], [0], [0], [1], [0, 0, 1, 1], [], []>, transpose_lhs_hint = false} : vector<10000x32xf32>, vector<32x16xf32>, vector<10000x16xf32> -> vector<10000x16xf32>
    %mul3A_27 = vector.broadcast %get3A_1 : vector<10000x1xf32> to vector<10000x16xf32>
    %mul3A_28 = arith.mulf %mul3A_27, %dot_general3A_26 : vector<10000x16xf32>
    %swap3A = arith.constant 0 : index
    %swap3A_29 = arith.constant 0 : index
    %swap3A_30 = vector.load %arg5[%swap3A, %swap3A_29] : memref<10000x16xf32, #tpu.memory_space<vmem>>, vector<10000x16xf32>
    tpu.vector_store %arg5[%swap3A, %swap3A_29], %mul3A_28 {strides = array<i32>} : memref<10000x16xf32, #tpu.memory_space<vmem>>, vector<10000x16xf32>,
    return
  }
}

module attributes {stable_mosaic.version = 14 : i64} {
  func.func @_tc3_body(%arg0: memref<10000x1xf32, #tpu.memory_space<vmem>>, %arg1: memref<2x10240x16xf32, #tpu.memory_space<vmem>>, %arg2: memref<10000x16xf32, #tpu.memory_space<vmem>>, %arg3: memref<1x12xf32, #tpu.memory_space<vmem>>, %arg4: memref<10000x12xf32, #tpu.memory_space<vmem>>) attributes {dimension_semantics = [], scalar_prefetch = 0 : i64, scratch_operands = 0 : i64, tpu.core_type = #tpu.core_type<tc>} {
    %get3A = arith.constant 0 : index
    %get3A_0 = arith.constant 0 : index
    %get3A_1 = vector.load %arg0[%get3A, %get3A_0] : memref<10000x1xf32, #tpu.memory_space<vmem>>, vector<10000x1xf32>
    %get3A_2 = arith.constant 0 : index
    %get3A_3 = arith.constant 0 : index
    %get3A_4 = arith.constant 0 : index
    %get3A_5 = vector.load %arg1[%get3A_2, %get3A_3, %get3A_4] : memref<2x10240x16xf32, #tpu.memory_space<vmem>>, vector<2x10240x16xf32>
    %slice3A = vector.extract_strided_slice %get3A_5 {offsets = [0, 0, 0], sizes = [1, 10000, 16], strides = [1, 1, 1]} : vector<2x10240x16xf32> to vector<1x10000x16xf32>
    %squeeze3A = vector.shape_cast %slice3A : vector<1x10000x16xf32> to vector<10000x16xf32>
    %slice3A_6 = vector.extract_strided_slice %get3A_5 {offsets = [1, 0, 0], sizes = [1, 10000, 16], strides = [1, 1, 1]} : vector<2x10240x16xf32> to vector<1x10000x16xf32>
    %squeeze3A_7 = vector.shape_cast %slice3A_6 : vector<1x10000x16xf32> to vector<10000x16xf32>
    %add3A = arith.addf %squeeze3A, %squeeze3A_7 : vector<10000x16xf32>
    %get3A_8 = arith.constant 0 : index
    %get3A_9 = arith.constant 0 : index
    %get3A_10 = vector.load %arg2[%get3A_8, %get3A_9] : memref<10000x16xf32, #tpu.memory_space<vmem>>, vector<10000x16xf32>
    %add3A_11 = arith.addf %add3A, %get3A_10 : vector<10000x16xf32>
    %mul3A = vector.broadcast %get3A_1 : vector<10000x1xf32> to vector<10000x16xf32>
    %mul3A_12 = arith.mulf %mul3A, %add3A_11 : vector<10000x16xf32>
    %slice3A_13 = vector.extract_strided_slice %mul3A_12 {offsets = [0, 0], sizes = [10000, 12], strides = [1, 1]} : vector<10000x16xf32> to vector<10000x12xf32>
    %get3A_14 = arith.constant 0 : index
    %get3A_15 = arith.constant 0 : index
    %get3A_16 = vector.load %arg3[%get3A_14, %get3A_15] : memref<1x12xf32, #tpu.memory_space<vmem>>, vector<1x12xf32>
    %add3A_17 = vector.broadcast %get3A_16 : vector<1x12xf32> to vector<10000x12xf32>
    %add3A_18 = arith.addf %slice3A_13, %add3A_17 : vector<10000x12xf32>
    %swap3A = arith.constant 0 : index
    %swap3A_19 = arith.constant 0 : index
    %swap3A_20 = vector.load %arg4[%swap3A, %swap3A_19] : memref<10000x12xf32, #tpu.memory_space<vmem>>, vector<10000x12xf32>
    tpu.vector_store %arg4[%swap3A, %swap3A_19], %add3A_18 {strides = array<i32>} : memref<10000x12xf32, #tpu.memory_space<vmem>>, vector<10000x12xf32>,
    return
  }
}

</mosaic_0001>

<sc_bundles>
// kernel: kernel.12.cloned.1.call-start
scs
__scs_entry_jumppad:
0x0: {  	(pc) =	sbr.rel $0x88, $3  }
0x1: {  	(tag) =	ssettag $0x0;
	lr =	simm.s32 $0x1  }
0x2: {  	[smem:$0x3F9B] =	sst lr;
	_ =	strace $0xD0000000  }
0x3: {  	_ = 	snop  }
0x4: {  	_ = 	snop  }
0x5: {  	_ = 	snop  }
0x6: {  	_ = 	snop  }
0x7: {  	_ = 	snop  }
__scs_overlays_trampoline_lowered:
0x8: {  	[smem:$0x3FAA] =	sst s0  }
0x9: {  	[smem:$0x3FAB] =	sst s1  }
0xa: {  	[smem:$0x3FAC] =	sst s2  }
0xb: {  	[smem:$0x3FAD] =	sst s3  }
0xc: {  	[smem:$0x3FAE] =	sst s4  }
0xd: {  	[smem:$0x3FAF] =	sst s5  }
0xe: {  	[smem:$0x3FB0] =	sst s6  }
0xf: {  	[smem:$0x3FB1] =	sst s7  }
0x10: {  	[smem:$0x3FB2] =	sst s8  }
0x11: {  	[smem:$0x3FB3] =	sst s9;
	s0 =	simm.s32 @!p0 $0x0  }
0x12: {  	s1 =	sld [smem:$0x3F99];
	s0 =	simm.s32 @p0 $0x1  }
0x13: {  	[smem:$0x3FB4] =	sst s0;
	s0 =	simm.s32 @!p1 $0x0  }
0x14: {  	s2 =	sld [smem:$0x3F98];
	s0 =	simm.s32 @p1 $0x1  }
0x15: {  	[smem:$0x3FB5] =	sst s0;
	s0 =	simm.s32 @!p2 $0x0  }
0x16: {  	s3 =	sld [smem:$0x3FDB];
	s0 =	simm.s32 @p2 $0x1  }
0x17: {  	s4 =	simm.s32 $0x1BF5;
	[smem:$0x3FB7] =	sst s0  }
0x18: {  	s0 =	sld [smem:$0x3F9A];
	_ =	swait.ge [sflag:s4], $0x0  }
0x19: {  	s7 =	sld [smem:$0x3F9B]  }
0x1a: {  	s8 =	sadd.s32 $0xFFFFE003, lr  }
0x1b: {  	s9 =	sadd.s32 $0xFFFFFEF7, lr;
	s5 =	simm.s32 $0xFFFFFFFF;
	p2 =	slt.u32 s8, $0xFFFFF086  }
0x1c: {  	p1 =	slt.u32 s9, $0xF7A;
	s5 =	simm.s32 @!p2 $0x0  }
0x1d: {  	s5 =	simm.s32 @p1 $0x1;
	p0 =	seq.s32 s7, s2  }
0x1e: {  	s7 =	smul.u32 @!p0 $0xF7A, s2;
	p2 =	seq.s32 @!p0 s5, $0x0  }
0x1f: {  	s9 =	smul.u32 $0xF7A, s1;
	s8 =	simm.s32 @!p0 $0x1BF5;
	p2 =	por !p2, p0  }
0x20: {  	[sflag:s8] =	ssyncset.s32 @!p0 $0xFFFFF086;
	s6 =	sadd.s32 @!p0 s3, s7;
	s7 =	simm.s32 @!p0 $0x108  }
0x21: {  	s3 =	sadd.s32 s3, s9;
	s6 =	sadd.s32 @!p0 $0x88, s6;
	s7 =	simm.s32 @p2 $0x1082  }
0x22: {  	[simem:s7], [sflag:s8] =	dma.local @!p0 [hbm:s6], $0xF7A  }
0x23: {  	s9 =	sor.u32 $0xD0000000, s2;
	s6 =	simm.s32 $0x108;
	_ =	swait.ge @!p0 [sflag:s8], $0x0  }
0x24: {  	s3 =	sadd.s32 $0x88, s3;
	s6 =	simm.s32 @!p1 $0x1082;
	[sflag:s4] =	ssyncset.s32 $0xFFFFF086  }
0x25: {  	[simem:s6], [sflag:s4] =	dma.local [hbm:s3], $0xF7A  }
0x26: {  	[smem:$0x3F9B] =	sst s1;
	(tag) =	ssettag s2;
	_ =	strace s9  }
0x27: {  	s1 =	sld [smem:$0x3FAB]  }
0x28: {  	s2 =	sld [smem:$0x3FAC]  }
0x29: {  	s4 =	sld [smem:$0x3FAE]  }
0x2a: {  	p0 =	seq.s32 s5, $0x0;
	s5 =	sld [smem:$0x3FAF]  }
0x2b: {  	s6 =	sld [smem:$0x3FB0]  }
0x2c: {  	s7 =	sld [smem:$0x3FB1]  }
0x2d: {  	s3 =	simm.s32 $0x108;
	s8 =	sld [smem:$0x3FB2]  }
0x2e: {  	s3 =	simm.s32 @!p0 $0x1082;
	s9 =	sld [smem:$0x3FB3]  }
0x2f: {  	lr =	sadd.s32 s0, s3;
	s0 =	sld [smem:$0x3FAA]  }
0x30: {  	s3 =	sld [smem:$0x3FAD]  }
0x31: {  	[smem:$0x3FB6] =	sst s10  }
0x32: {  	s10 =	sld [smem:$0x3FB4];
	_ =	sdelay $0x3  }
0x33: {  	p0 =	seq.s32 s10, $0x1;
	s10 =	sld [smem:$0x3FB6];
	_ =	sdelay $0x3  }
0x34: {  	[smem:$0x3FB6] =	sst s10  }
0x35: {  	s10 =	sld [smem:$0x3FB5];
	_ =	sdelay $0x3  }
0x36: {  	p1 =	seq.s32 s10, $0x1;
	s10 =	sld [smem:$0x3FB6];
	_ =	sdelay $0x3  }
0x37: {  	[smem:$0x3FB6] =	sst s10  }
0x38: {  	s10 =	sld [smem:$0x3FB7]  }
0x39: {  	_ = 	snop;
	(pc) =	sbr.ind lr, $3  }
0x3a: {  	_ = 	snop  }
0x3b: {  	_ = 	snop  }
0x3c: {  	p2 =	seq.s32 s10, $0x1;
	s10 =	sld [smem:$0x3FB6]  }
0x3d: {  	_ =	shalt  }
0x3e: {  	_ =	shalt  }
0x3f: {  	_ =	shalt  }
0x40: {  	_ =	shalt  }
0x41: {  	_ =	shalt  }
0x42: {  	_ =	shalt  }
0x43: {  	_ =	shalt  }
0x44: {  	_ =	shalt  }
0x45: {  	_ =	shalt  }
0x46: {  	_ =	shalt  }
0x47: {  	_ =	shalt  }
0x48: {  	_ =	shalt  }
0x49: {  	_ =	shalt  }
0x4a: {  	_ =	shalt  }
0x4b: {  	_ =	shalt  }
0x4c: {  	_ =	shalt  }
0x4d: {  	_ =	shalt  }
0x4e: {  	_ =	shalt  }
0x4f: {  	_ =	shalt  }
0x50: {  	_ =	shalt  }
0x51: {  	_ =	shalt  }
0x52: {  	_ =	shalt  }
0x53: {  	_ =	shalt  }
0x54: {  	_ =	shalt  }
0x55: {  	_ =	shalt  }
0x56: {  	_ =	shalt  }
0x57: {  	_ =	shalt  }
0x58: {  	_ =	shalt  }
0x59: {  	_ =	shalt  }
0x5a: {  	_ =	shalt  }
0x5b: {  	_ =	shalt  }
0x5c: {  	_ =	shalt  }
0x5d: {  	_ =	shalt  }
0x5e: {  	_ =	shalt  }
0x5f: {  	_ =	shalt  }
0x60: {  	_ =	shalt  }
0x61: {  	_ =	shalt  }
0x62: {  	_ =	shalt  }
0x63: {  	_ =	shalt  }
0x64: {  	_ =	shalt  }
0x65: {  	_ =	shalt  }
0x66: {  	_ =	shalt  }
0x67: {  	_ =	shalt  }
0x68: {  	_ =	shalt  }
0x69: {  	_ =	shalt  }
0x6a: {  	_ =	shalt  }
0x6b: {  	_ =	shalt  }
0x6c: {  	_ =	shalt  }
0x6d: {  	_ =	shalt  }
0x6e: {  	_ =	shalt  }
0x6f: {  	_ =	shalt  }
0x70: {  	_ =	shalt  }
0x71: {  	_ =	shalt  }
0x72: {  	_ =	shalt  }
0x73: {  	_ =	shalt  }
0x74: {  	_ =	shalt  }
0x75: {  	_ =	shalt  }
0x76: {  	_ =	shalt  }
0x77: {  	_ =	shalt  }
0x78: {  	_ =	shalt  }
0x79: {  	_ =	shalt  }
0x7a: {  	_ =	shalt  }
0x7b: {  	_ =	shalt  }
0x7c: {  	_ =	shalt  }
0x7d: {  	_ =	shalt  }
0x7e: {  	_ =	shalt  }
0x7f: {  	_ =	shalt  }
0x80: {  	_ =	shalt  }
0x81: {  	_ =	shalt  }
0x82: {  	_ =	shalt  }
0x83: {  	_ =	shalt  }
0x84: {  	_ =	shalt  }
0x85: {  	_ =	shalt  }
0x86: {  	_ =	shalt  }
0x87: {  	_ =	shalt  }
.Lfunc_end0:
.L_simem_size_0:
called_computation.1_lowered:
.L_overlay_start_0:
0x88: {  	s2 =	sld [smem:$0x3FD9]  }
0x89: {  	s3 =	sld [smem:$0x3FFE];
	_ =	sdelay $0x1  }
0x8a: {  	s1 =	srdreg.scid  }
0x8b: {  	s0 =	sand.u32 $0x1, s1  }
0x8c: {  	s16 =	sshll.u32 s0, $0xA;
	s2 =	sadd.s32 s3, s2  }
0x8d: {  	s2 =	sadd.s32 s2, s16  }
0x8e: {  	[smem:$0x3FC2] =	sst s2  }
0x8f: {  	_ = 	snop  }
0x90: {  	(tm) =	ssettm $0x1  }
0x91: {  	s17 =	sld [smem:$0x3FFB];
	_ =	sdelay $0x3  }
0x92: {  	_ =	strace s17  }
0x93: {  	s2 =	sld [smem:$0x3FFC];
	_ =	sdelay $0x3  }
0x94: {  	_ =	strace s2  }
0x95: {  	s2 =	sld [smem:$0x3FFD];
	_ =	sdelay $0x3  }
0x96: {  	_ =	strace s2  }
0x97: {  	_ =	strace $0x8FFFFFFF  }
0x98: {  	s18 =	sld [smem:$0x3FDB];
	_ =	sdelay $0x1  }
0x99: {  	s19 =	simm.s32 $_scs_section_size  }
0x9a: {  	s4 =	simm.s32 $_size__tile_overlayer_lowered;
	s5 =	simm.s32 $_tile_overlayer_lowered  }
0x9b: {  	s22 =	simm.s32 $0x1BFF;
	s21 =	sshll.u32 s5, $0x1;
	s2 =	sadd.s32 s19, s18  }
0x9c: {  	s6 =	simm.s32 $0x0;
	s20 =	sshll.u32 s4, $0x1;
	s4 =	sadd.s32 s21, s2  }
0x9d: {  	[timem:s6], [sflag:s22] =	dma.local [hbm:s4], s20  }
0x9e: {  	_ =	swait.ge [sflag:s22], s20  }
0x9f: {  	s3 =	ssub.s32 $0x0, s20;
	[sflag:s22] =	ssyncset.done $0x0  }
0xa0: {  	[sflag:s22] =	ssyncadd.s32 s3;
	_ =	sdelay $0x1  }
0xa1: {  	s23 =	simm.s32 $0x1B8B  }
0xa2: {  	_ =	swait.ge [sflag:s23], $0x1  }
0xa3: {  	[sflag:s23] =	ssyncset.done $0x0  }
0xa4: {  	s25 =	simm.s32 $0x1B8E;
	s24 =	sld [smem:$0x3FFE];
	[sflag:s23] =	ssyncadd.s32 $0xFFFFFFFF  }
0xa5: {  	s26 =	simm.s32 $execute0_lowered;
	[smem:$0x3FD2] =	sst s25  }
0xa6: {  	s4 =	sshll.u32 s26, $0x1;
	_ =	strace $0x80000049;
	[dreg:$0x1] =	wrdreg $0xFFFFFFFF  }
0xa7: {  	s28 =	simm.s32 $_size_execute0_lowered;
	s2 =	sadd.s32 s2, s4;
	[dreg:$0x0] =	wrdreg $0x0  }
0xa8: {  	s4 =	sshll.u32 s28, $0x1;
	[dreg:$0x2] =	wrdreg s2  }
0xa9: {  	[dreg:$0x3] =	wrdreg s4  }
0xaa: {  	[dreg:$0x4] =	wrdreg $0xC0  }
0xab: {  	_ =	task [dreg:s6], $0x5FFFF  }
0xac: {  	[dreg:$0x1] =	wrdreg $0xFFFFFFFF  }
0xad: {  	[dreg:$0x0] =	wrdreg $0x60  }
0xae: {  	[dreg:$0x2] =	wrdreg s24  }
0xaf: {  	[dreg:$0x3] =	wrdreg $0x90000  }
0xb0: {  	[dreg:$0x4] =	wrdreg $0xE0000  }
0xb1: {  	[dreg:$0x5] =	wrdreg $0x9  }
0xb2: {  	_ =	task.clear_ibuf [dreg:s6], $0x6FFFF;
	_ =	strace $0x90000049  }
0xb3: {  	s29 =	simm.s32 $0x9;
	_ =	strace $0x8000004B  }
0xb4: {  	_ =	swait.ge [sflag:s29], $0x1  }
0xb5: {  	[sflag:s29] =	ssyncadd.s32 $0xFFFFFFFF  }
0xb6: {  	_ =	strace $0x9000004B  }
0xb7: {  	_ =	sfence  }
0xb8: {  	s30 =	sld [smem:$0x0];
	_ =	sdelay $0x2  }
0xb9: {  	s31 =	sshll.u32 s1, $0xD;
	s1 =	sshrl.u32 s1, $0x2  }
0xba: {  	s3 =	sand.u32 $0x4000, s31;
	s1 =	sadd.s32 s1, s30  }
0xbb: {  	s0 =	sor.u32 s3, s0;
	s1 =	sshll.u32 s1, $0x11  }
0xbc: {  	s0 =	sor.u32 s1, s0  }
0xbd: {  	s0 =	sadd.s32 $0x8F2B, s0  }
0xbe: {  	[sflag:s0] =	ssyncadd.remote.s32 $0x1  }
0xbf: {  	_ =	sfence.sel $0xFFFF  }
0xc0: {  	[dreg:$0x0] =	wrdreg $0xFFFFFFFF;
	(pc) =	sbr.abs _section_cstart, $3  }
0xc1: {  	[dreg:$0x1] =	wrdreg $0xFFFFFFFF  }
0xc2: {  	_ =	task.clear_ibuf [dreg:s6], $0x2FFFF;
	_ =	strace $0x9FFFFFFF  }
0xc3: {  	(tm) =	ssettm $0x7FFFFFFF  }
tec
execute0_lowered:
.L_overlay_start_1:
0x0: {  	(tag) =	ssettag $0x1  }
0x1: {  	s5 =	rddreg [dreg:$0x0]  }
0x2: {  	s0 =	srdreg.scid;
	s2 =	rddreg [dreg:$0x1]  }
0x3: {  	s12 =	stileid.u32;
	s3 =	rddreg [dreg:$0x2]  }
0x4: {  	s4 =	simm.s32 $0x0;
	s16 =	simm.s32 $0x9;
	s18 =	simm.s32 $0x12E20  }
0x5: {  	s28 =	simm.s32 $0x8000;
	s29 =	simm.s32 $0x1;
	s30 =	simm.s32 $0x2  }
0x6: {  	s31 =	simm.s32 $0x3;
	s17 =	simm.s32 $0x6;
	s7 =	smul.u32 $0x4E20, s12  }
0x7: {  	s19 =	simm.s32 $0x7;
	s20 =	simm.s32 $0x8;
	s6 =	smul.u32 $0x2710, s12  }
0x8: {  	s0 =	sand.u32 $0x1, s0;
	[smem:$0x7FF] =	sst s4;
	s8 =	smul.u32 $0x5000, s12  }
0x9: {  	s24 =	sshll.u32 s12, $0x6;
	s1 =	sshll.u32 s0, $0x4;
	_ =	strace $0x8000004A  }
0xa: {  	s9 =	smul.u32 $0x50000, s0;
	s0 =	ssub.s32 $0x2, s0;
	s1 =	sor.u32 s12, s1  }
0xb: {  	s10 =	sshrl.u32 s7, $0x3;
	s6 =	sshrl.u32 s6, $0x3;
	s22 =	sshrl.u32 s8, $0x3  }
0xc: {  	s23 =	sshrl.u32 s0, $0x1;
	s12 =	sadd.s32 s7, s3;
	s1 =	smul.u32 $0x500, s1  }
0xd: {  	s10 =	sadd.s32 s10, s5;
	s11 =	sadd.s32 s6, s5;
	s21 =	sadd.s32 s8, s9  }
0xe: {  	s9 =	sadd.s32 s22, s5;
	s0 =	ssub.s32 s0, s23;
	s8 =	sadd.s32 s8, s2  }
0xf: {  	s22 =	simm.s32 $0x5000;
	s23 =	simm.s32 $0x6000;
	s6 =	sshrl.u32 s21, $0x3  }
0x10: {  	s9 =	sadd.s32 $0x2DE00, s9;
	s26 =	sadd.s32 $0x1A000, s10;
	s10 =	sadd.s32 $0x10000, s11  }
0x11: {  	s11 =	sadd.s32 $0x15000, s11;
	s14 =	smax.u32 s0, $0x1;
	s15 =	sshrl.u32 s8, $0x3  }
0x12: {  	s21 =	simm.s32 $0x80;
	s0 =	simm.s32 $0x5;
	s1 =	sadd.s32 s1, s5  }
0x13: {  	s5 =	sadd.s32 s6, s5;
	[dreg:$0x4] =	wrdreg s9;
	s6 =	sor.u32 $0x1C09, s24  }
0x14: {  	[dreg:$0x7] =	wrdreg s26;
	s24 =	simm.s32 $0x0;
	s25 =	sadd.s32 $0x1000, s1  }
0x15: {  	s1 =	sadd.s32 $0x23E00, s1;
	s13 =	sadd.s32 $0x37E00, s5;
	[dreg:$0x5] =	wrdreg s25  }
0x16: {  	[dreg:$0x6] =	wrdreg s1;
	s25 =	simm.s32 $0x7000;
	s1 =	simm.s32 $0x4  }
.LBB2_1:
0x17: {  	s5 =	rddreg [dreg:$0x4]  }
0x18: {  	[spmem:s15], [sflag:s6] =	dma.local [hbm:s5], $0xA00  }
0x19: {  	_ =	swait.ge [sflag:s16], $0xA00  }
0x1a: {  	[sflag:s16] =	ssyncset.done $0x0  }
0x1b: {  	s7 =	simm.s32 $0x2800;
	s26 =	rddreg [dreg:$0x5];
	[sflag:s16] =	ssyncadd.s32 $0xFFFFF600  }
0x1c: {  	[tilespmem:s7], [sflag:$0x9] =	stream.linear.gather [hbm4b:s26+s4], $0x2800, $0x38;
	[tilespmem:$0x1CA60] =	vst v63  }
0x1d: {  	_ =	swait.ge [sflag:s16], $0x2800  }
0x1e: {  	[sflag:s16] =	ssyncset.done $0x0  }
0x1f: {  	s7 =	rddreg [dreg:$0x6];
	[sflag:s16] =	ssyncadd.s32 $0xFFFFD800  }
0x20: {  	[tilespmem:s4], [sflag:$0x9] =	stream.linear.gather [hbm4b:s7+s4], $0x2800, $0x38;
	[tilespmem:$0x1CA60] =	vst v63  }
0x21: {  	_ =	swait.ge [sflag:s16], $0x2800  }
0x22: {  	[sflag:s16] =	ssyncset.done $0x0  }
0x23: {  	s8 =	rddreg [dreg:$0x7];
	[sflag:s16] =	ssyncadd.s32 $0xFFFFD800  }
0x24: {  	[tilespmem:s18], [sflag:$0x9] =	stream.linear.gather [hbm4b:s8+s4], $0x4E20, $0x38;
	[tilespmem:$0x1CA60] =	vst v63  }
0x25: {  	_ =	swait.ge [sflag:s16], $0x4E20  }
0x26: {  	[sflag:s16] =	ssyncset.done $0x0  }
0x27: {  	s9 =	simm.s32 $0x17C40;
	[sflag:s16] =	ssyncadd.s32 $0xFFFFB1E0  }
0x28: {  	[tilespmem:s9], [sflag:$0x9] =	stream.linear.gather [hbm4b:s10+s4], $0x2710, $0x38;
	[tilespmem:$0x1CA60] =	vst v63  }
0x29: {  	_ =	swait.ge [sflag:s16], $0x2710  }
0x2a: {  	[sflag:s16] =	ssyncset.done $0x0  }
0x2b: {  	s26 =	simm.s32 $0x1A350;
	[sflag:s16] =	ssyncadd.s32 $0xFFFFD8F0  }
0x2c: {  	[tilespmem:s26], [sflag:$0x9] =	stream.linear.gather [hbm4b:s11+s4], $0x2710, $0x38;
	[tilespmem:$0x1CA60] =	vst v63  }
0x2d: {  	_ =	swait.ge [sflag:s16], $0x2710  }
0x2e: {  	[sflag:s16] =	ssyncset.done $0x0  }
0x2f: {  	s5 =	simm.s32 $0x40;
	[sflag:s16] =	ssyncadd.s32 $0xFFFFD8F0  }
0x30: {  	s7 =	simm.s32 $0x12E70;
	s8 =	simm.s32 $0x240;
	s26 =	simm.s32 $0x12E70;
	v0 =	vld [tilespmem:s5+$0x17C10]  }
.LBB2_2:
0x31: {  	p0 =	sne.s32 s8, $0x9C00  }
0x32: {  	v1 =	vld [tilespmem:s5+$0x1A320];
	s7 =	sadd.s32 $0xA0, s7;
	s9 =	smov.u32 s8;
	s8 =	sadd.s32 $0x140, s8  }
0x33: {  	v2 =	vld [tilespmem:s5+$0x1A310]  }
0x34: {  	v3 =	vld [tilespmem:s5+$0x17C00]  }
0x35: {  	v4 =	vld [tilespmem:s5+$0x1A340]  }
0x36: {  	v5 =	vld [tilespmem:s5+$0x17C30]  }
0x37: {  	v0 =	vadd.f32 v1, v0;
	v1 =	vld [tilespmem:s5+$0x1A350]  }
0x38: {  	v6 =	vld [tilespmem:s5+$0x17C40]  }
0x39: {  	v2 =	vadd.f32 v2, v3;
	v0 =	vadd.f32 $1.000000000e+00, v0;
	_ =	sdelay $0x1  }
0x3a: {  	v2 =	vadd.f32 $1.000000000e+00, v2;
	v3 =	vshra.s32 v0, $0x1;
	v0 =	vmul.f32 $5.000000000e-01, v0  }
0x3b: {  	v4 =	vadd.f32 v4, v5;
	v3 =	vsub.s32 $0x5F3759DF, v3  }
0x3c: {  	v5 =	vshra.s32 v2, $0x1;
	v2 =	vmul.f32 $5.000000000e-01, v2;
	v7 =	vld [tilespmem:s5+$0x17C20];
	v1 =	vadd.f32 v1, v6  }
0x3d: {  	v6 =	vmul.f32 v3, v0;
	v4 =	vadd.f32 $1.000000000e+00, v4;
	v5 =	vsub.s32 $0x5F3759DF, v5;
	v8 =	vld [tilespmem:s5+$0x1A330]  }
0x3e: {  	v9 =	vmul.f32 v5, v2;
	v1 =	vadd.f32 $1.000000000e+00, v1  }
0x3f: {  	s5 =	sshra.s32 s9, $0x2;
	v6 =	vmul.f32 v3, v6;
	v10 =	vshra.s32 v4, $0x1;
	v4 =	vmul.f32 $5.000000000e-01, v4  }
0x40: {  	v10 =	vsub.s32 $0x5F3759DF, v10;
	v9 =	vmul.f32 v5, v9;
	v11 =	vmul.f32 $5.000000000e-01, v1  }
0x41: {  	v6 =	vsub.f32 $1.500000000e+00, v6;
	v12 =	vmul.f32 v10, v4;
	v1 =	vshra.s32 v1, $0x1  }
0x42: {  	v1 =	vsub.s32 $0x5F3759DF, v1;
	v9 =	vsub.f32 $1.500000000e+00, v9;
	v7 =	vadd.f32 v8, v7  }
0x43: {  	v3 =	vmul.f32 v3, v6;
	v6 =	vmul.f32 v10, v12  }
0x44: {  	v8 =	vmul.f32 v1, v11;
	v5 =	vmul.f32 v5, v9;
	v7 =	vadd.f32 $1.000000000e+00, v7  }
0x45: {  	v9 =	vmul.f32 v3, v0;
	v6 =	vsub.f32 $1.500000000e+00, v6  }
0x46: {  	v12 =	vmul.f32 v5, v2;
	v13 =	vshra.s32 v7, $0x1;
	v7 =	vmul.f32 $5.000000000e-01, v7  }
0x47: {  	v8 =	vmul.f32 v1, v8;
	v6 =	vmul.f32 v10, v6;
	v13 =	vsub.s32 $0x5F3759DF, v13  }
0x48: {  	v10 =	vmul.f32 v12, v5;
	v12 =	vmul.f32 v13, v7  }
0x49: {  	v9 =	vmul.f32 v9, v3;
	v8 =	vsub.f32 $1.500000000e+00, v8;
	v14 =	vmul.f32 v6, v4  }
0x4a: {  	v10 =	vsub.f32 $1.500000000e+00, v10;
	v12 =	vmul.f32 v13, v12  }
0x4b: {  	v9 =	vsub.f32 $1.500000000e+00, v9;
	v1 =	vmul.f32 v1, v8;
	v14 =	vmul.f32 v14, v6  }
0x4c: {  	v5 =	vmul.f32 v10, v5;
	v8 =	vsub.f32 $1.500000000e+00, v12  }
0x4d: {  	v3 =	vmul.f32 v9, v3;
	v9 =	vsub.f32 $1.500000000e+00, v14;
	v10 =	vmul.f32 v1, v11  }
0x4e: {  	v2 =	vmul.f32 v5, v2;
	v8 =	vmul.f32 v13, v8  }
0x4f: {  	v6 =	vmul.f32 v9, v6;
	v9 =	vmul.f32 v10, v1  }
0x50: {  	v2 =	vmul.f32 v2, v5;
	v10 =	vmul.f32 v8, v7  }
0x51: {  	v0 =	vmul.f32 v3, v0;
	v4 =	vmul.f32 v6, v4;
	v9 =	vsub.f32 $1.500000000e+00, v9;
	v12 =	vld [tilespmem:s26+$0xFFFFFFB0]  }
0x52: {  	v2 =	vsub.f32 $1.500000000e+00, v2;
	v10 =	vmul.f32 v10, v8;
	v13 =	vld [tilespmem:s26+$0x10]  }
0x53: {  	v4 =	vmul.f32 v4, v6;
	v1 =	vmul.f32 v9, v1;
	v9 =	vld [tilespmem:s26+$0xFFFFFFC0]  }
0x54: {  	v0 =	vmul.f32 v0, v3;
	v2 =	vmul.f32 v2, v5;
	v5 =	vsub.f32 $1.500000000e+00, v10;
	v10 =	vld [tilespmem:s26+$0x20]  }
0x55: {  	v4 =	vsub.f32 $1.500000000e+00, v4;
	v11 =	vmul.f32 v1, v11;
	v14 =	vld [tilespmem:s26+$0x30]  }
0x56: {  	v0 =	vsub.f32 $1.500000000e+00, v0;
	v5 =	vmul.f32 v5, v8;
	v8 =	vmul.f32 v2, v12;
	v12 =	vld [tilespmem:s26+$0xFFFFFFD0]  }
0x57: {  	v4 =	vmul.f32 v4, v6;
	v6 =	vmul.f32 v11, v1;
	v11 =	vld [tilespmem:s26+$0xFFFFFFE0]  }
0x58: {  	v7 =	vmul.f32 v5, v7;
	[tilespmem:s26+$0xFFFFFFB0] =	vst v8;
	v2 =	vmul.f32 v2, v9;
	v8 =	vld [tilespmem:s26+$0x40]  }
0x59: {  	v6 =	vsub.f32 $1.500000000e+00, v6;
	v9 =	vmul.f32 v4, v13;
	v4 =	vmul.f32 v4, v10  }
0x5a: {  	v0 =	vmul.f32 v0, v3;
	v3 =	vmul.f32 v7, v5;
	[tilespmem:s26+$0xFFFFFFC0] =	vst v2;
	v2 =	vld [tilespmem:s26+$0xFFFFFFF0]  }
0x5b: {  	v1 =	vmul.f32 v6, v1;
	v6 =	vld [tilespmem:s26+$0x0];
	[tilespmem:s26+$0x10] =	vst v9  }
0x5c: {  	v7 =	vmul.f32 v0, v12;
	v3 =	vsub.f32 $1.500000000e+00, v3;
	v0 =	vmul.f32 v0, v11;
	[tilespmem:s26+$0x20] =	vst v4  }
0x5d: {  	v4 =	vmul.f32 v1, v14;
	v1 =	vmul.f32 v8, v1  }
0x5e: {  	v3 =	vmul.f32 v3, v5;
	[tilespmem:s26+$0xFFFFFFD0] =	vst v7  }
0x5f: {  	[tilespmem:s26+$0x30] =	vst v4  }
.Ltmp0:
0x60: {  	v2 =	vmul.f32 v3, v2;
	v3 =	vmul.f32 v3, v6;
	[tilespmem:s26+$0x40] =	vst v1;
	(pc) =	sbr.rel @p0 .LBB2_2-.Ltmp0, $4  }
0x61: {  	[tilespmem:s26+$0xFFFFFFE0] =	vst v0  }
0x62: {  	[tilespmem:s26+$0xFFFFFFF0] =	vst v2  }
0x63: {  	[tilespmem:s26+$0x0] =	vst v3;
	s26 =	smov.u32 s7  }
0x64: {  	v0 =	vld [tilespmem:s5+$0x17C10]  }
0x65: {  	v1 =	vld [tilespmem:s5+$0x1A320]  }
0x66: {  	v2 =	vld [tilespmem:s5+$0x1A310]  }
0x67: {  	v3 =	vld [tilespmem:s5+$0x17C00]  }
0x68: {  	v4 =	vld [tilespmem:s5+$0x1A340]  }
0x69: {  	v5 =	vld [tilespmem:s5+$0x17C30]  }
0x6a: {  	v28 =	vld [tilespmem:s5+$0x1A350]  }
0x6b: {  	v29 =	vld [tilespmem:s5+$0x17C40]  }
0x6c: {  	v7 =	vld [tilespmem:s5+$0x17C20]  }
0x6d: {  	v9 =	vld [tilespmem:s5+$0x1A330];
	_ =	sdelay $0x1  }
0x6e: {  	v0 =	vadd.f32 v1, v0  }
0x6f: {  	v2 =	vadd.f32 v2, v3;
	v4 =	vadd.f32 v4, v5  }
0x70: {  	v1 =	vadd.f32 v28, v29;
	v0 =	vadd.f32 $1.000000000e+00, v0  }
0x71: {  	v7 =	vadd.f32 v9, v7;
	v2 =	vadd.f32 $1.000000000e+00, v2  }
0x72: {  	v4 =	vadd.f32 $1.000000000e+00, v4;
	v1 =	vadd.f32 $1.000000000e+00, v1;
	v6 =	vshra.s32 v0, $0x1  }
0x73: {  	v0 =	vmul.f32 $5.000000000e-01, v0;
	v31 =	vshra.s32 v2, $0x1;
	v2 =	vmul.f32 $5.000000000e-01, v2  }
0x74: {  	v10 =	vshra.s32 v4, $0x1;
	v30 =	vsub.s32 $0x5F3759DF, v6;
	v6 =	vsub.s32 $0x5F3759DF, v31  }
0x75: {  	v12 =	vmul.f32 $5.000000000e-01, v1;
	v1 =	vshra.s32 v1, $0x1;
	v32 =	vmul.f32 v6, v2  }
0x76: {  	v4 =	vmul.f32 $5.000000000e-01, v4;
	v1 =	vsub.s32 $0x5F3759DF, v1;
	v8 =	vmul.f32 v30, v0  }
0x77: {  	v10 =	vsub.s32 $0x5F3759DF, v10;
	v35 =	vmul.f32 v1, v12;
	v3 =	vmul.f32 v6, v32  }
0x78: {  	v11 =	vmul.f32 v10, v4;
	v8 =	vmul.f32 v30, v8  }
0x79: {  	v34 =	vadd.f32 $1.000000000e+00, v7;
	v7 =	vmul.f32 v1, v35;
	v3 =	vsub.f32 $1.500000000e+00, v3  }
0x7a: {  	v33 =	vmul.f32 v10, v11;
	v8 =	vsub.f32 $1.500000000e+00, v8  }
0x7b: {  	v13 =	vshra.s32 v34, $0x1;
	v7 =	vsub.f32 $1.500000000e+00, v7;
	v3 =	vmul.f32 v6, v3  }
0x7c: {  	v5 =	vmul.f32 v30, v8;
	v8 =	vsub.f32 $1.500000000e+00, v33;
	v6 =	vmul.f32 $5.000000000e-01, v34  }
0x7d: {  	v13 =	vsub.s32 $0x5F3759DF, v13;
	v1 =	vmul.f32 v1, v7;
	v37 =	vmul.f32 v3, v2  }
0x7e: {  	v8 =	vmul.f32 v10, v8;
	v39 =	vmul.f32 v13, v6  }
0x7f: {  	v36 =	vmul.f32 v5, v0;
	v38 =	vmul.f32 v37, v3  }
0x80: {  	v14 =	vmul.f32 v8, v4;
	v11 =	vmul.f32 v13, v39  }
0x81: {  	v42 =	vmul.f32 v1, v12;
	v9 =	vmul.f32 v36, v5;
	v10 =	vsub.f32 $1.500000000e+00, v38  }
0x82: {  	v14 =	vmul.f32 v14, v8;
	v40 =	vsub.f32 $1.500000000e+00, v11  }
0x83: {  	v43 =	vmul.f32 v42, v1;
	v9 =	vsub.f32 $1.500000000e+00, v9;
	v3 =	vmul.f32 v10, v3  }
0x84: {  	v41 =	vsub.f32 $1.500000000e+00, v14;
	v7 =	vmul.f32 v13, v40  }
0x85: {  	v5 =	vmul.f32 v9, v5;
	v9 =	vsub.f32 $1.500000000e+00, v43;
	v2 =	vmul.f32 v3, v2  }
0x86: {  	v8 =	vmul.f32 v41, v8;
	v44 =	vmul.f32 v7, v6  }
0x87: {  	v0 =	vmul.f32 v5, v0;
	v1 =	vmul.f32 v9, v1  }
0x88: {  	v2 =	vmul.f32 v2, v3;
	v10 =	vmul.f32 v44, v7  }
0x89: {  	v45 =	vld [tilespmem:s26+$0xFFFFFFB0];
	v4 =	vmul.f32 v8, v4;
	v0 =	vmul.f32 v0, v5  }
0x8a: {  	v46 =	vld [tilespmem:s26+$0xFFFFFFC0];
	v2 =	vsub.f32 $1.500000000e+00, v2;
	v47 =	vsub.f32 $1.500000000e+00, v10  }
0x8b: {  	v52 =	vld [tilespmem:s26+$0xFFFFFFD0];
	v12 =	vmul.f32 v1, v12;
	v4 =	vmul.f32 v4, v8;
	v0 =	vsub.f32 $1.500000000e+00, v0  }
0x8c: {  	v54 =	vld [tilespmem:s26+$0xFFFFFFE0];
	v2 =	vmul.f32 v2, v3;
	v7 =	vmul.f32 v47, v7  }
0x8d: {  	v48 =	vld [tilespmem:s26+$0x10];
	v53 =	vmul.f32 v12, v1;
	v49 =	vsub.f32 $1.500000000e+00, v4;
	v0 =	vmul.f32 v0, v5  }
0x8e: {  	v50 =	vld [tilespmem:s26+$0x20];
	v51 =	vmul.f32 v2, v45;
	v6 =	vmul.f32 v7, v6  }
0x8f: {  	v55 =	vld [tilespmem:s26+$0x30];
	v3 =	vmul.f32 v49, v8;
	v2 =	vmul.f32 v2, v46  }
0x90: {  	v56 =	vld [tilespmem:s26+$0x40];
	v8 =	vsub.f32 $1.500000000e+00, v53;
	v60 =	vmul.f32 v0, v52;
	[tilespmem:s26+$0xFFFFFFB0] =	vst v51;
	v57 =	vmul.f32 v6, v7  }
0x91: {  	v58 =	vld [tilespmem:s26+$0xFFFFFFF0];
	v0 =	vmul.f32 v0, v54;
	[tilespmem:s26+$0xFFFFFFC0] =	vst v2  }
0x92: {  	v59 =	vld [tilespmem:s26+$0x0];
	v10 =	vmul.f32 v3, v48;
	v1 =	vmul.f32 v8, v1;
	[tilespmem:s26+$0xFFFFFFD0] =	vst v60;
	v2 =	vsub.f32 $1.500000000e+00, v57  }
0x93: {  	v3 =	vmul.f32 v3, v50;
	[tilespmem:s26+$0xFFFFFFE0] =	vst v0  }
0x94: {  	[tilespmem:s26+$0x10] =	vst v10;
	v61 =	vmul.f32 v1, v55;
	v2 =	vmul.f32 v2, v7  }
0x95: {  	[tilespmem:s26+$0x20] =	vst v3;
	v1 =	vmul.f32 v56, v1  }
0x96: {  	[tilespmem:s26+$0x30] =	vst v61;
	v62 =	vmul.f32 v2, v58  }
0x97: {  	[tilespmem:s26+$0x40] =	vst v1;
	v63 =	vmul.f32 v2, v59  }
0x98: {  	[tilespmem:s26+$0xFFFFFFF0] =	vst v62  }
0x99: {  	[tilespmem:s26+$0x0] =	vst v63  }
0x9a: {  	[spmem:s12] =	stream.linear.scatter [tilespmem:s18], [sflag:$0x9], $0x4E20, $0x38;
	[tilespmem:$0x1CA60] =	vst v63  }
0x9b: {  	_ =	swait.ge [sflag:s16], $0x4E20  }
0x9c: {  	[sflag:s16] =	ssyncset.done $0x0  }
0x9d: {  	[sflag:s16] =	ssyncadd.s32 $0xFFFFB1E0  }
0x9e: {  	s9 =	simm.s32 $0x0;
	[bflag:$0x0] =	sbarrier.arrive $0xFFFF  }
0x9f: {  	[tilespmem:s22], [sflag:$0x1] =	stream.indirect.gather [spmem:s3], $0x20, s9, s21, $0xb8;
	[tilespmem:$0x1CA60] =	vst v63  }
0xa0: {  	_ = 	snop  }
0xa1: {  	[tilespmem:s23], [sflag:$0x2] =	stream.indirect.gather [spmem:s3], $0x20, s21, s21, $0xb8;
	[tilespmem:$0x1CA60] =	vst v63  }
0xa2: {  	s26 =	simm.s32 $0x100  }
0xa3: {  	[tilespmem:s25], [sflag:$0x3] =	stream.indirect.gather [spmem:s3], $0x20, s26, s21, $0xb8;
	[tilespmem:$0x1CA60] =	vst v63  }
0xa4: {  	s7 =	simm.s32 $0x180  }
0xa5: {  	[tilespmem:s28], [sflag:$0x4] =	stream.indirect.gather [spmem:s3], $0x20, s7, s21, $0xb8;
	[tilespmem:$0x1CA60] =	vst v63  }
0xa6: {  	_ =	swait.ge [sflag:s29], $0x1000  }
0xa7: {  	[sflag:s29] =	ssyncset.done $0x0  }
0xa8: {  	s8 =	simm.s32 $0x2800;
	[sflag:s29] =	ssyncadd.s32 $0xFFFFF000  }
0xa9: {  	[spmem:s2] =	stream.indirect.scatter.add.f32 [tilespmem:s22], [sflag:$0x5], $0x20, s8, s21, $0xb8;
	[tilespmem:$0x1CA60] =	vst v63  }
0xaa: {  	_ =	swait.ge [sflag:s30], $0x1000  }
0xab: {  	[sflag:s30] =	ssyncset.done $0x0  }
0xac: {  	s9 =	simm.s32 $0x2880;
	[sflag:s30] =	ssyncadd.s32 $0xFFFFF000  }
0xad: {  	[spmem:s2] =	stream.indirect.scatter.add.f32 [tilespmem:s23], [sflag:$0x6], $0x20, s9, s21, $0xb8;
	[tilespmem:$0x1CA60] =	vst v63  }
0xae: {  	_ =	swait.ge [sflag:s31], $0x1000  }
0xaf: {  	[sflag:s31] =	ssyncset.done $0x0  }
0xb0: {  	s26 =	simm.s32 $0x2900;
	[sflag:s31] =	ssyncadd.s32 $0xFFFFF000  }
0xb1: {  	[spmem:s2] =	stream.indirect.scatter.add.f32 [tilespmem:s25], [sflag:$0x7], $0x20, s26, s21, $0xb8;
	[tilespmem:$0x1CA60] =	vst v63  }
0xb2: {  	_ =	swait.ge [sflag:s1], $0x1000  }
0xb3: {  	[sflag:s1] =	ssyncset.done $0x0  }
0xb4: {  	s7 =	simm.s32 $0x2980;
	[sflag:s1] =	ssyncadd.s32 $0xFFFFF000  }
0xb5: {  	[spmem:s2] =	stream.indirect.scatter.add.f32 [tilespmem:s28], [sflag:$0x8], $0x20, s7, s21, $0xb8;
	[tilespmem:$0x1CA60] =	vst v63  }
0xb6: {  	_ =	swait.ge [sflag:s0], $0x1000  }
0xb7: {  	[sflag:s0] =	ssyncset.done $0x0  }
0xb8: {  	s8 =	simm.s32 $0x200;
	[sflag:s0] =	ssyncadd.s32 $0xFFFFF000  }
0xb9: {  	[tilespmem:s22], [sflag:$0x1] =	stream.indirect.gather [spmem:s3], $0x20, s8, s21, $0xb8;
	[tilespmem:$0x1CA60] =	vst v63  }
0xba: {  	_ =	swait.ge [sflag:s17], $0x1000  }
0xbb: {  	[sflag:s17] =	ssyncset.done $0x0  }
0xbc: {  	s9 =	simm.s32 $0x280;
	[sflag:s17] =	ssyncadd.s32 $0xFFFFF000  }
0xbd: {  	[tilespmem:s23], [sflag:$0x2] =	stream.indirect.gather [spmem:s3], $0x20, s9, s21, $0xb8;
	[tilespmem:$0x1CA60] =	vst v63  }
0xbe: {  	_ =	swait.ge [sflag:s19], $0x1000  }
0xbf: {  	[sflag:s19] =	ssyncset.done $0x0  }
0xc0: {  	s26 =	simm.s32 $0x300;
	[sflag:s19] =	ssyncadd.s32 $0xFFFFF000  }
0xc1: {  	[tilespmem:s25], [sflag:$0x3] =	stream.indirect.gather [spmem:s3], $0x20, s26, s21, $0xb8;
	[tilespmem:$0x1CA60] =	vst v63  }
0xc2: {  	_ =	swait.ge [sflag:s20], $0x1000  }
0xc3: {  	[sflag:s20] =	ssyncset.done $0x0  }
0xc4: {  	s5 =	simm.s32 $0x800;
	s7 =	simm.s32 $0x380;
	[sflag:s20] =	ssyncadd.s32 $0xFFFFF000  }
.LBB2_4:
0xc5: {  	[tilespmem:s28], [sflag:$0x4] =	stream.indirect.gather [spmem:s3], $0x20, s7, s21, $0xb8;
	[tilespmem:$0x1CA60] =	vst v63  }
0xc6: {  	s7 =	smov.u32 s5  }
0xc7: {  	p0 =	sne.s32 s5, $0x9000;
	s5 =	sadd.s32 $0x800, s5;
	_ =	swait.ge [sflag:s29], $0x1000  }
0xc8: {  	s7 =	sshra.s32 s7, $0x2;
	[sflag:s29] =	ssyncset.done $0x0  }
0xc9: {  	s8 =	sadd.s32 $0x2800, s7;
	[sflag:s29] =	ssyncadd.s32 $0xFFFFF000  }
0xca: {  	[spmem:s2] =	stream.indirect.scatter.add.f32 [tilespmem:s22], [sflag:$0x5], $0x20, s8, s21, $0xb8;
	[tilespmem:$0x1CA60] =	vst v63  }
0xcb: {  	_ =	swait.ge [sflag:s30], $0x1000  }
0xcc: {  	[sflag:s30] =	ssyncset.done $0x0  }
0xcd: {  	s8 =	sadd.s32 $0x2880, s7;
	[sflag:s30] =	ssyncadd.s32 $0xFFFFF000  }
0xce: {  	[spmem:s2] =	stream.indirect.scatter.add.f32 [tilespmem:s23], [sflag:$0x6], $0x20, s8, s21, $0xb8;
	[tilespmem:$0x1CA60] =	vst v63  }
0xcf: {  	_ =	swait.ge [sflag:s31], $0x1000  }
0xd0: {  	[sflag:s31] =	ssyncset.done $0x0  }
0xd1: {  	s8 =	sadd.s32 $0x2900, s7;
	[sflag:s31] =	ssyncadd.s32 $0xFFFFF000  }
0xd2: {  	[spmem:s2] =	stream.indirect.scatter.add.f32 [tilespmem:s25], [sflag:$0x7], $0x20, s8, s21, $0xb8;
	[tilespmem:$0x1CA60] =	vst v63  }
0xd3: {  	_ =	swait.ge [sflag:s1], $0x1000  }
0xd4: {  	[sflag:s1] =	ssyncset.done $0x0  }
0xd5: {  	s8 =	sadd.s32 $0x2980, s7;
	[sflag:s1] =	ssyncadd.s32 $0xFFFFF000  }
0xd6: {  	[spmem:s2] =	stream.indirect.scatter.add.f32 [tilespmem:s28], [sflag:$0x8], $0x20, s8, s21, $0xb8;
	[tilespmem:$0x1CA60] =	vst v63  }
0xd7: {  	_ =	swait.ge [sflag:s0], $0x1000  }
0xd8: {  	[sflag:s0] =	ssyncset.done $0x0  }
0xd9: {  	s8 =	sadd.s32 $0x200, s7;
	[sflag:s0] =	ssyncadd.s32 $0xFFFFF000  }
0xda: {  	[tilespmem:s22], [sflag:$0x1] =	stream.indirect.gather [spmem:s3], $0x20, s8, s21, $0xb8;
	[tilespmem:$0x1CA60] =	vst v63  }
0xdb: {  	_ =	swait.ge [sflag:s17], $0x1000  }
0xdc: {  	[sflag:s17] =	ssyncset.done $0x0  }
0xdd: {  	s8 =	sadd.s32 $0x280, s7;
	[sflag:s17] =	ssyncadd.s32 $0xFFFFF000  }
0xde: {  	[tilespmem:s23], [sflag:$0x2] =	stream.indirect.gather [spmem:s3], $0x20, s8, s21, $0xb8;
	[tilespmem:$0x1CA60] =	vst v63  }
0xdf: {  	_ =	swait.ge [sflag:s19], $0x1000  }
0xe0: {  	[sflag:s19] =	ssyncset.done $0x0  }
.Ltmp1:
0xe1: {  	s8 =	sadd.s32 $0x300, s7;
	[sflag:s19] =	ssyncadd.s32 $0xFFFFF000;
	(pc) =	sbr.rel @p0 .LBB2_4-.Ltmp1, $4  }
0xe2: {  	[tilespmem:s25], [sflag:$0x3] =	stream.indirect.gather [spmem:s3], $0x20, s8, s21, $0xb8;
	[tilespmem:$0x1CA60] =	vst v63  }
0xe3: {  	_ =	swait.ge [sflag:s20], $0x1000  }
0xe4: {  	[sflag:s20] =	ssyncset.done $0x0  }
0xe5: {  	s7 =	sadd.s32 $0x380, s7;
	[sflag:s20] =	ssyncadd.s32 $0xFFFFF000  }
0xe6: {  	[tilespmem:s28], [sflag:$0x4] =	stream.indirect.gather [spmem:s3], $0x20, s7, s21, $0xb8;
	[tilespmem:$0x1CA60] =	vst v63  }
0xe7: {  	_ =	swait.ge [sflag:s29], $0x1000  }
0xe8: {  	[sflag:s29] =	ssyncset.done $0x0  }
0xe9: {  	s5 =	simm.s32 $0x4E00;
	[sflag:s29] =	ssyncadd.s32 $0xFFFFF000  }
0xea: {  	[spmem:s2] =	stream.indirect.scatter.add.f32 [tilespmem:s22], [sflag:$0x5], $0x20, s5, s21, $0xb8;
	[tilespmem:$0x1CA60] =	vst v63  }
0xeb: {  	_ =	swait.ge [sflag:s30], $0x1000  }
0xec: {  	[sflag:s30] =	ssyncset.done $0x0  }
0xed: {  	s8 =	simm.s32 $0x4E80;
	[sflag:s30] =	ssyncadd.s32 $0xFFFFF000  }
0xee: {  	[spmem:s2] =	stream.indirect.scatter.add.f32 [tilespmem:s23], [sflag:$0x6], $0x20, s8, s21, $0xb8;
	[tilespmem:$0x1CA60] =	vst v63  }
0xef: {  	_ =	swait.ge [sflag:s31], $0x1000  }
0xf0: {  	[sflag:s31] =	ssyncset.done $0x0  }
0xf1: {  	s9 =	simm.s32 $0x4F00;
	[sflag:s31] =	ssyncadd.s32 $0xFFFFF000  }
0xf2: {  	[spmem:s2] =	stream.indirect.scatter.add.f32 [tilespmem:s25], [sflag:$0x7], $0x20, s9, s21, $0xb8;
	[tilespmem:$0x1CA60] =	vst v63  }
0xf3: {  	_ =	swait.ge [sflag:s1], $0x1000  }
0xf4: {  	[sflag:s1] =	ssyncset.done $0x0  }
0xf5: {  	s26 =	simm.s32 $0x4F80;
	[sflag:s1] =	ssyncadd.s32 $0xFFFFF000  }
0xf6: {  	[spmem:s2] =	stream.indirect.scatter.add.f32 [tilespmem:s28], [sflag:$0x8], $0x20, s26, s21, $0xb8;
	[tilespmem:$0x1CA60] =	vst v63  }
0xf7: {  	_ =	swait.ge [sflag:s0], $0x1000  }
0xf8: {  	[sflag:s0] =	ssyncset.done $0x0  }
0xf9: {  	[sflag:s0] =	ssyncadd.s32 $0xFFFFF000  }
0xfa: {  	_ =	swait.ge [sflag:s17], $0x1000  }
0xfb: {  	[sflag:s17] =	ssyncset.done $0x0  }
0xfc: {  	[sflag:s17] =	ssyncadd.s32 $0xFFFFF000  }
0xfd: {  	_ =	swait.ge [sflag:s19], $0x1000  }
0xfe: {  	[sflag:s19] =	ssyncset.done $0x0  }
0xff: {  	[sflag:s19] =	ssyncadd.s32 $0xFFFFF000  }
0x100: {  	_ =	swait.ge [sflag:s20], $0x1000  }
0x101: {  	s24 =	sadd.s32 $0x1, s24;
	[sflag:s20] =	ssyncset.done $0x0  }
0x102: {  	p0 =	sne.s32 s24, s14;
	[sflag:s20] =	ssyncadd.s32 $0xFFFFF000  }
.Ltmp2:
0x103: {  	[bflag:$0x0] =	sbarrier.arrive $0xFFFF;
	(pc) =	sbr.rel @p0 .LBB2_1-.Ltmp2, $4  }
0x104: {  	[hbm:s13], [sflag:s6] =	dma.local [spmem:s15], $0xA00  }
0x105: {  	_ =	swait.ge [sflag:s16], $0xA00  }
0x106: {  	[sflag:s16] =	ssyncset.done $0x0  }
0x107: {  	[sflag:s16] =	ssyncadd.s32 $0xFFFFF600  }
0x108: {  	_ =	sfence.sel $0x180000  }
0x109: {  	[bflag:$0x0] =	sbarrier.arrive $0xFFFF  }
0x10a: {  	_ =	strace $0x9000004A  }
0x10b: {  	s0 =	stileid.u32;
	[bflag:$0x2] =	sbarrier.arrive $0xFFFF  }
0x10c: {  	p0 =	sne.s32 s0, $0x0;
	s0 =	rddreg [dreg:$0x3]  }
0x10d: {  	s0 =	sadd.s32 @!p0 $0x100000, s0  }
0x10e: {  	[sflag:s0] =	ssyncadd.tile.s32 @!p0 $0x1;
	_ =	shalt  }
.Lfunc_end2:
_tile_overlayer_lowered:
.L_overlay_start_2:
0x10f: {  	(tag) =	ssettag $0x2  }
0x110: {  	s0 =	rddreg [dreg:$0x0];
	s2 =	stileid.u32  }
0x111: {  	s1 =	rddreg [dreg:$0x1];
	p0 =	sne.s32 s2, $0x0  }
0x112: {  	s3 =	rddreg [dreg:$0x2];
	[bflag:$0x3] =	sbarrier.arrive $0xFFFF;
	s2 =	simm.s32 @!p0 $0x1C09  }
0x113: {  	[timem:s3], [sflag:s2] =	dma.local @!p0 [hbm:s0], s1  }
0x114: {  	s0 =	simm.s32 @!p0 $0x9  }
0x115: {  	_ =	swait.ge @!p0 [sflag:s0], s1  }
0x116: {  	s1 =	ssub.s32 @!p0 $0x0, s1;
	[sflag:s0] =	ssyncset.done @!p0 $0x0  }
0x117: {  	[sflag:s0] =	ssyncadd.s32 @!p0 s1  }
0x118: {  	[bflag:$0x3] =	sbarrier.arrive $0xFFFF  }
0x119: {  	_ =	shalt  }

// kernel: kernel.15.cloned.1.call-start
scs
__scs_entry_jumppad:
0x0: {  	(pc) =	sbr.rel $0x88, $3  }
0x1: {  	(tag) =	ssettag $0x0;
	lr =	simm.s32 $0x1  }
0x2: {  	[smem:$0x3F9B] =	sst lr;
	_ =	strace $0xD0000000  }
0x3: {  	_ = 	snop  }
0x4: {  	_ = 	snop  }
0x5: {  	_ = 	snop  }
0x6: {  	_ = 	snop  }
0x7: {  	_ = 	snop  }
__scs_overlays_trampoline_lowered:
0x8: {  	[smem:$0x3FAA] =	sst s0  }
0x9: {  	[smem:$0x3FAB] =	sst s1  }
0xa: {  	[smem:$0x3FAC] =	sst s2  }
0xb: {  	[smem:$0x3FAD] =	sst s3  }
0xc: {  	[smem:$0x3FAE] =	sst s4  }
0xd: {  	[smem:$0x3FAF] =	sst s5  }
0xe: {  	[smem:$0x3FB0] =	sst s6  }
0xf: {  	[smem:$0x3FB1] =	sst s7  }
0x10: {  	[smem:$0x3FB2] =	sst s8  }
0x11: {  	[smem:$0x3FB3] =	sst s9;
	s0 =	simm.s32 @!p0 $0x0  }
0x12: {  	s1 =	sld [smem:$0x3F99];
	s0 =	simm.s32 @p0 $0x1  }
0x13: {  	[smem:$0x3FB4] =	sst s0;
	s0 =	simm.s32 @!p1 $0x0  }
0x14: {  	s2 =	sld [smem:$0x3F98];
	s0 =	simm.s32 @p1 $0x1  }
0x15: {  	[smem:$0x3FB5] =	sst s0;
	s0 =	simm.s32 @!p2 $0x0  }
0x16: {  	s3 =	sld [smem:$0x3FDB];
	s0 =	simm.s32 @p2 $0x1  }
0x17: {  	s4 =	simm.s32 $0x1BF5;
	[smem:$0x3FB7] =	sst s0  }
0x18: {  	s0 =	sld [smem:$0x3F9A];
	_ =	swait.ge [sflag:s4], $0x0  }
0x19: {  	s7 =	sld [smem:$0x3F9B]  }
0x1a: {  	s8 =	sadd.s32 $0xFFFFE003, lr  }
0x1b: {  	s9 =	sadd.s32 $0xFFFFFEF7, lr;
	s5 =	simm.s32 $0xFFFFFFFF;
	p2 =	slt.u32 s8, $0xFFFFF086  }
0x1c: {  	p1 =	slt.u32 s9, $0xF7A;
	s5 =	simm.s32 @!p2 $0x0  }
0x1d: {  	s5 =	simm.s32 @p1 $0x1;
	p0 =	seq.s32 s7, s2  }
0x1e: {  	s7 =	smul.u32 @!p0 $0xF7A, s2;
	p2 =	seq.s32 @!p0 s5, $0x0  }
0x1f: {  	s9 =	smul.u32 $0xF7A, s1;
	s8 =	simm.s32 @!p0 $0x1BF5;
	p2 =	por !p2, p0  }
0x20: {  	[sflag:s8] =	ssyncset.s32 @!p0 $0xFFFFF086;
	s6 =	sadd.s32 @!p0 s3, s7;
	s7 =	simm.s32 @!p0 $0x108  }
0x21: {  	s3 =	sadd.s32 s3, s9;
	s6 =	sadd.s32 @!p0 $0x88, s6;
	s7 =	simm.s32 @p2 $0x1082  }
0x22: {  	[simem:s7], [sflag:s8] =	dma.local @!p0 [hbm:s6], $0xF7A  }
0x23: {  	s9 =	sor.u32 $0xD0000000, s2;
	s6 =	simm.s32 $0x108;
	_ =	swait.ge @!p0 [sflag:s8], $0x0  }
0x24: {  	s3 =	sadd.s32 $0x88, s3;
	s6 =	simm.s32 @!p1 $0x1082;
	[sflag:s4] =	ssyncset.s32 $0xFFFFF086  }
0x25: {  	[simem:s6], [sflag:s4] =	dma.local [hbm:s3], $0xF7A  }
0x26: {  	[smem:$0x3F9B] =	sst s1;
	(tag) =	ssettag s2;
	_ =	strace s9  }
0x27: {  	s1 =	sld [smem:$0x3FAB]  }
0x28: {  	s2 =	sld [smem:$0x3FAC]  }
0x29: {  	s4 =	sld [smem:$0x3FAE]  }
0x2a: {  	p0 =	seq.s32 s5, $0x0;
	s5 =	sld [smem:$0x3FAF]  }
0x2b: {  	s6 =	sld [smem:$0x3FB0]  }
0x2c: {  	s7 =	sld [smem:$0x3FB1]  }
0x2d: {  	s3 =	simm.s32 $0x108;
	s8 =	sld [smem:$0x3FB2]  }
0x2e: {  	s3 =	simm.s32 @!p0 $0x1082;
	s9 =	sld [smem:$0x3FB3]  }
0x2f: {  	lr =	sadd.s32 s0, s3;
	s0 =	sld [smem:$0x3FAA]  }
0x30: {  	s3 =	sld [smem:$0x3FAD]  }
0x31: {  	[smem:$0x3FB6] =	sst s10  }
0x32: {  	s10 =	sld [smem:$0x3FB4];
	_ =	sdelay $0x3  }
0x33: {  	p0 =	seq.s32 s10, $0x1;
	s10 =	sld [smem:$0x3FB6];
	_ =	sdelay $0x3  }
0x34: {  	[smem:$0x3FB6] =	sst s10  }
0x35: {  	s10 =	sld [smem:$0x3FB5];
	_ =	sdelay $0x3  }
0x36: {  	p1 =	seq.s32 s10, $0x1;
	s10 =	sld [smem:$0x3FB6];
	_ =	sdelay $0x3  }
0x37: {  	[smem:$0x3FB6] =	sst s10  }
0x38: {  	s10 =	sld [smem:$0x3FB7]  }
0x39: {  	_ = 	snop;
	(pc) =	sbr.ind lr, $3  }
0x3a: {  	_ = 	snop  }
0x3b: {  	_ = 	snop  }
0x3c: {  	p2 =	seq.s32 s10, $0x1;
	s10 =	sld [smem:$0x3FB6]  }
0x3d: {  	_ =	shalt  }
0x3e: {  	_ =	shalt  }
0x3f: {  	_ =	shalt  }
0x40: {  	_ =	shalt  }
0x41: {  	_ =	shalt  }
0x42: {  	_ =	shalt  }
0x43: {  	_ =	shalt  }
0x44: {  	_ =	shalt  }
0x45: {  	_ =	shalt  }
0x46: {  	_ =	shalt  }
0x47: {  	_ =	shalt  }
0x48: {  	_ =	shalt  }
0x49: {  	_ =	shalt  }
0x4a: {  	_ =	shalt  }
0x4b: {  	_ =	shalt  }
0x4c: {  	_ =	shalt  }
0x4d: {  	_ =	shalt  }
0x4e: {  	_ =	shalt  }
0x4f: {  	_ =	shalt  }
0x50: {  	_ =	shalt  }
0x51: {  	_ =	shalt  }
0x52: {  	_ =	shalt  }
0x53: {  	_ =	shalt  }
0x54: {  	_ =	shalt  }
0x55: {  	_ =	shalt  }
0x56: {  	_ =	shalt  }
0x57: {  	_ =	shalt  }
0x58: {  	_ =	shalt  }
0x59: {  	_ =	shalt  }
0x5a: {  	_ =	shalt  }
0x5b: {  	_ =	shalt  }
0x5c: {  	_ =	shalt  }
0x5d: {  	_ =	shalt  }
0x5e: {  	_ =	shalt  }
0x5f: {  	_ =	shalt  }
0x60: {  	_ =	shalt  }
0x61: {  	_ =	shalt  }
0x62: {  	_ =	shalt  }
0x63: {  	_ =	shalt  }
0x64: {  	_ =	shalt  }
0x65: {  	_ =	shalt  }
0x66: {  	_ =	shalt  }
0x67: {  	_ =	shalt  }
0x68: {  	_ =	shalt  }
0x69: {  	_ =	shalt  }
0x6a: {  	_ =	shalt  }
0x6b: {  	_ =	shalt  }
0x6c: {  	_ =	shalt  }
0x6d: {  	_ =	shalt  }
0x6e: {  	_ =	shalt  }
0x6f: {  	_ =	shalt  }
0x70: {  	_ =	shalt  }
0x71: {  	_ =	shalt  }
0x72: {  	_ =	shalt  }
0x73: {  	_ =	shalt  }
0x74: {  	_ =	shalt  }
0x75: {  	_ =	shalt  }
0x76: {  	_ =	shalt  }
0x77: {  	_ =	shalt  }
0x78: {  	_ =	shalt  }
0x79: {  	_ =	shalt  }
0x7a: {  	_ =	shalt  }
0x7b: {  	_ =	shalt  }
0x7c: {  	_ =	shalt  }
0x7d: {  	_ =	shalt  }
0x7e: {  	_ =	shalt  }
0x7f: {  	_ =	shalt  }
0x80: {  	_ =	shalt  }
0x81: {  	_ =	shalt  }
0x82: {  	_ =	shalt  }
0x83: {  	_ =	shalt  }
0x84: {  	_ =	shalt  }
0x85: {  	_ =	shalt  }
0x86: {  	_ =	shalt  }
0x87: {  	_ =	shalt  }
.Lfunc_end0:
.L_simem_size_0:
called_computation.2_lowered:
.L_overlay_start_0:
0x88: {  	s2 =	sld [smem:$0x3FD9]  }
0x89: {  	s3 =	sld [smem:$0x3FFE];
	_ =	sdelay $0x1  }
0x8a: {  	s1 =	srdreg.scid  }
0x8b: {  	s0 =	sand.u32 $0x1, s1  }
0x8c: {  	s17 =	sshll.u32 s0, $0xA;
	s2 =	sadd.s32 s3, s2  }
0x8d: {  	s2 =	sadd.s32 s2, s17  }
0x8e: {  	[smem:$0x3FC2] =	sst s2  }
0x8f: {  	_ = 	snop  }
0x90: {  	s2 =	sld [smem:$0x3FD0];
	(tm) =	ssettm $0x1  }
0x91: {  	s18 =	sld [smem:$0x3FFB];
	_ =	sdelay $0x3  }
0x92: {  	_ =	strace s18  }
0x93: {  	s3 =	sld [smem:$0x3FFC];
	_ =	sdelay $0x3  }
0x94: {  	_ =	strace s3  }
0x95: {  	s3 =	sld [smem:$0x3FFD];
	_ =	sdelay $0x3  }
0x96: {  	_ =	strace s3  }
0x97: {  	_ =	strace $0x8FFFFFFF  }
0x98: {  	s19 =	sld [smem:$0x3FDB];
	_ =	sdelay $0x1  }
0x99: {  	s4 =	simm.s32 $_scs_section_size  }
0x9a: {  	s5 =	simm.s32 $_size__tile_overlayer_lowered;
	s6 =	simm.s32 $_tile_overlayer_lowered  }
0x9b: {  	s22 =	simm.s32 $0x1BFF;
	s21 =	sshll.u32 s6, $0x1;
	s3 =	sadd.s32 s4, s19  }
0x9c: {  	s7 =	simm.s32 $0x0;
	s20 =	sshll.u32 s5, $0x1;
	s5 =	sadd.s32 s21, s3  }
0x9d: {  	[timem:s7], [sflag:s22] =	dma.local [hbm:s5], s20  }
0x9e: {  	_ =	swait.ge [sflag:s22], s20  }
0x9f: {  	s4 =	ssub.s32 $0x0, s20;
	[sflag:s22] =	ssyncset.done $0x0  }
0xa0: {  	[sflag:s22] =	ssyncadd.s32 s4;
	_ =	sdelay $0x1  }
0xa1: {  	s23 =	simm.s32 $0x1B8B  }
0xa2: {  	_ =	swait.ge [sflag:s23], $0x1  }
0xa3: {  	[sflag:s23] =	ssyncset.done $0x0  }
0xa4: {  	s25 =	simm.s32 $0x1B8E;
	s24 =	sld [smem:$0x3FFE];
	[sflag:s23] =	ssyncadd.s32 $0xFFFFFFFF  }
0xa5: {  	s26 =	simm.s32 $execute0_lowered;
	[smem:$0x3FD2] =	sst s25  }
0xa6: {  	s5 =	sshll.u32 s26, $0x1;
	_ =	strace $0x8000004C;
	[dreg:$0x1] =	wrdreg $0xFFFFFFFF  }
0xa7: {  	s28 =	simm.s32 $_size_execute0_lowered;
	s3 =	sadd.s32 s3, s5;
	[dreg:$0x0] =	wrdreg $0x0  }
0xa8: {  	s5 =	sshll.u32 s28, $0x1;
	[dreg:$0x2] =	wrdreg s3  }
0xa9: {  	[dreg:$0x3] =	wrdreg s5  }
0xaa: {  	[dreg:$0x4] =	wrdreg $0xC0  }
0xab: {  	_ =	task [dreg:s7], $0x5FFFF  }
0xac: {  	[dreg:$0x1] =	wrdreg $0xFFFFFFFF  }
0xad: {  	[dreg:$0x0] =	wrdreg $0x60  }
0xae: {  	[dreg:$0x2] =	wrdreg s24  }
0xaf: {  	[dreg:$0x3] =	wrdreg s2  }
0xb0: {  	[dreg:$0x4] =	wrdreg $0x70000  }
0xb1: {  	[dreg:$0x5] =	wrdreg $0x98000  }
0xb2: {  	[dreg:$0x6] =	wrdreg $0x9  }
0xb3: {  	_ =	task.clear_ibuf [dreg:s7], $0x7FFFF;
	_ =	strace $0x9000004C  }
0xb4: {  	s29 =	simm.s32 $0x9;
	_ =	strace $0x8000004E  }
0xb5: {  	_ =	swait.ge [sflag:s29], $0x1  }
0xb6: {  	[sflag:s29] =	ssyncadd.s32 $0xFFFFFFFF  }
0xb7: {  	_ =	strace $0x9000004E  }
0xb8: {  	_ =	sfence  }
0xb9: {  	s30 =	sld [smem:$0x0];
	_ =	sdelay $0x2  }
0xba: {  	s31 =	sshll.u32 s1, $0xD;
	s1 =	sshrl.u32 s1, $0x2  }
0xbb: {  	s3 =	sand.u32 $0x4000, s31;
	s1 =	sadd.s32 s1, s30  }
0xbc: {  	s0 =	sor.u32 s3, s0;
	s1 =	sshll.u32 s1, $0x11  }
0xbd: {  	s0 =	sor.u32 s1, s0  }
0xbe: {  	s0 =	sadd.s32 $0x8F2B, s0  }
0xbf: {  	[sflag:s0] =	ssyncadd.remote.s32 $0x1  }
0xc0: {  	_ =	sfence.sel $0xFFFF  }
0xc1: {  	[dreg:$0x0] =	wrdreg $0xFFFFFFFF;
	(pc) =	sbr.abs _section_cstart, $3  }
0xc2: {  	[dreg:$0x1] =	wrdreg $0xFFFFFFFF  }
0xc3: {  	_ =	task.clear_ibuf [dreg:s7], $0x2FFFF;
	_ =	strace $0x9FFFFFFF  }
0xc4: {  	(tm) =	ssettm $0x7FFFFFFF  }
0xc5: {  	_ =	shalt  }
tec
execute0_lowered:
.L_overlay_start_1:
0x0: {  	(tag) =	ssettag $0x1  }
0x1: {  	s1 =	rddreg [dreg:$0x0]  }
0x2: {  	s0 =	srdreg.scid;
	s9 =	rddreg [dreg:$0x1]  }
0x3: {  	s11 =	stileid.u32;
	s2 =	rddreg [dreg:$0x2];
	s13 =	simm.s32 $0x9  }
0x4: {  	s16 =	simm.s32 $0x80;
	s17 =	simm.s32 $0x5000;
	s18 =	simm.s32 $0x5800  }
0x5: {  	s20 =	simm.s32 $0x6000;
	s22 =	simm.s32 $0x6800;
	s28 =	simm.s32 $0x5  }
0x6: {  	s29 =	simm.s32 $0x6;
	s30 =	simm.s32 $0x7;
	s31 =	simm.s32 $0x8  }
0x7: {  	s19 =	simm.s32 $0x4F80;
	s21 =	simm.s32 $0x0;
	s6 =	smul.u32 $0x2800, s11  }
0x8: {  	s0 =	sand.u32 $0x1, s0;
	s25 =	sshll.u32 s11, $0x6;
	s26 =	smul.u32 $0x2710, s11  }
0x9: {  	s3 =	sshll.u32 s0, $0x4;
	s7 =	smul.u32 $0x28000, s0;
	s0 =	ssub.s32 $0x2, s0  }
0xa: {  	s4 =	sor.u32 s11, s3;
	s3 =	rddreg [dreg:$0x3];
	s24 =	sshrl.u32 s6, $0x3  }
0xb: {  	s10 =	sshrl.u32 s0, $0x1;
	s12 =	sadd.s32 s6, s2;
	s5 =	smul.u32 $0x500, s4  }
0xc: {  	s4 =	simm.s32 $0x0;
	s23 =	sadd.s32 s6, s7;
	s7 =	sadd.s32 s24, s1  }
0xd: {  	s0 =	ssub.s32 s0, s10;
	s6 =	sor.u32 $0x1C09, s25;
	s14 =	sadd.s32 s26, s3  }
0xe: {  	s10 =	sshrl.u32 s26, $0x3;
	s12 =	sshrl.u32 s12, $0x3;
	s24 =	simm.s32 $0x2  }
0xf: {  	s25 =	simm.s32 $0x3;
	s26 =	simm.s32 $0x4;
	[smem:$0x7FF] =	sst s4  }
0x10: {  	s9 =	sadd.s32 s9, s10;
	s11 =	smax.u32 s0, $0x1;
	s15 =	sshrl.u32 s14, $0x3  }
0x11: {  	_ =	strace $0x8000004D;
	s8 =	sadd.s32 s5, s1;
	s5 =	sshrl.u32 s23, $0x3  }
0x12: {  	s23 =	simm.s32 $0x1;
	s1 =	sadd.s32 s5, s1;
	s5 =	sadd.s32 $0xB000, s7  }
0x13: {  	s7 =	sadd.s32 $0x1000, s8;
	s8 =	sadd.s32 $0x23E00, s8;
	s10 =	sadd.s32 $0x10000, s1  }
.LBB2_1:
0x14: {  	[spmem:s12], [sflag:s6] =	dma.local [hbm:s5], $0x500  }
0x15: {  	_ =	swait.ge [sflag:s13], $0x500  }
0x16: {  	[sflag:s13] =	ssyncset.done $0x0  }
0x17: {  	s0 =	simm.s32 $0x2800;
	[sflag:s13] =	ssyncadd.s32 $0xFFFFFB00  }
0x18: {  	[tilespmem:s0], [sflag:$0x9] =	stream.linear.gather [hbm4b:s7+s4], $0x2800, $0x38;
	[tilespmem:$0xBF10] =	vst v63  }
0x19: {  	_ =	swait.ge [sflag:s13], $0x2800  }
0x1a: {  	[sflag:s13] =	ssyncset.done $0x0  }
0x1b: {  	[sflag:s13] =	ssyncadd.s32 $0xFFFFD800  }
0x1c: {  	[tilespmem:s4], [sflag:$0x9] =	stream.linear.gather [hbm4b:s8+s4], $0x2800, $0x38;
	[tilespmem:$0xBF10] =	vst v63  }
0x1d: {  	_ =	swait.ge [sflag:s13], $0x2800  }
0x1e: {  	[sflag:s13] =	ssyncset.done $0x0  }
0x1f: {  	[sflag:s13] =	ssyncadd.s32 $0xFFFFD800  }
0x20: {  	[spmem:s15], [sflag:s6] =	dma.local [hbm:s9], $0x4E2  }
0x21: {  	_ =	swait.ge [sflag:s13], $0x4E2  }
0x22: {  	[sflag:s13] =	ssyncset.done $0x0  }
0x23: {  	[sflag:s13] =	ssyncadd.s32 $0xFFFFFB1E  }
0x24: {  	[bflag:$0x0] =	sbarrier.arrive $0xFFFF  }
0x25: {  	[tilespmem:s17], [sflag:$0x1] =	stream.indirect.gather [spmem:s3], $0x10, s4, s16, $0xb8;
	[tilespmem:$0xBF10] =	vst v63  }
0x26: {  	_ = 	snop  }
0x27: {  	[tilespmem:s18], [sflag:$0x2] =	stream.indirect.gather [spmem:s3], $0x10, s16, s16, $0xb8;
	[tilespmem:$0xBF10] =	vst v63  }
0x28: {  	s14 =	simm.s32 $0x100  }
0x29: {  	[tilespmem:s20], [sflag:$0x3] =	stream.indirect.gather [spmem:s3], $0x10, s14, s16, $0xb8;
	[tilespmem:$0xBF10] =	vst v63  }
0x2a: {  	s1 =	simm.s32 $0x180  }
0x2b: {  	[tilespmem:s22], [sflag:$0x4] =	stream.indirect.gather [spmem:s3], $0x10, s1, s16, $0xb8;
	[tilespmem:$0xBF10] =	vst v63  }
0x2c: {  	_ =	swait.ge [sflag:s23], $0x800  }
0x2d: {  	[sflag:s23] =	ssyncset.done $0x0  }
0x2e: {  	s14 =	simm.s32 $0x2800;
	[sflag:s23] =	ssyncadd.s32 $0xFFFFF800  }
0x2f: {  	[spmem:s2] =	stream.indirect.scatter.add.f32 [tilespmem:s17], [sflag:$0x5], $0x10, s14, s16, $0xb8;
	[tilespmem:$0xBF10] =	vst v63  }
0x30: {  	_ =	swait.ge [sflag:s24], $0x800  }
0x31: {  	[sflag:s24] =	ssyncset.done $0x0  }
0x32: {  	s1 =	simm.s32 $0x2880;
	[sflag:s24] =	ssyncadd.s32 $0xFFFFF800  }
0x33: {  	[spmem:s2] =	stream.indirect.scatter.add.f32 [tilespmem:s18], [sflag:$0x6], $0x10, s1, s16, $0xb8;
	[tilespmem:$0xBF10] =	vst v63  }
0x34: {  	_ =	swait.ge [sflag:s25], $0x800  }
0x35: {  	[sflag:s25] =	ssyncset.done $0x0  }
0x36: {  	s14 =	simm.s32 $0x2900;
	[sflag:s25] =	ssyncadd.s32 $0xFFFFF800  }
0x37: {  	[spmem:s2] =	stream.indirect.scatter.add.f32 [tilespmem:s20], [sflag:$0x7], $0x10, s14, s16, $0xb8;
	[tilespmem:$0xBF10] =	vst v63  }
0x38: {  	_ =	swait.ge [sflag:s26], $0x800  }
0x39: {  	[sflag:s26] =	ssyncset.done $0x0  }
0x3a: {  	s1 =	simm.s32 $0x2980;
	[sflag:s26] =	ssyncadd.s32 $0xFFFFF800  }
0x3b: {  	[spmem:s2] =	stream.indirect.scatter.add.f32 [tilespmem:s22], [sflag:$0x8], $0x10, s1, s16, $0xb8;
	[tilespmem:$0xBF10] =	vst v63  }
0x3c: {  	_ =	swait.ge [sflag:s28], $0x800  }
0x3d: {  	[sflag:s28] =	ssyncset.done $0x0  }
0x3e: {  	s14 =	simm.s32 $0x200;
	[sflag:s28] =	ssyncadd.s32 $0xFFFFF800  }
0x3f: {  	[tilespmem:s17], [sflag:$0x1] =	stream.indirect.gather [spmem:s3], $0x10, s14, s16, $0xb8;
	[tilespmem:$0xBF10] =	vst v63  }
0x40: {  	_ =	swait.ge [sflag:s29], $0x800  }
0x41: {  	[sflag:s29] =	ssyncset.done $0x0  }
0x42: {  	s1 =	simm.s32 $0x280;
	[sflag:s29] =	ssyncadd.s32 $0xFFFFF800  }
0x43: {  	[tilespmem:s18], [sflag:$0x2] =	stream.indirect.gather [spmem:s3], $0x10, s1, s16, $0xb8;
	[tilespmem:$0xBF10] =	vst v63  }
0x44: {  	_ =	swait.ge [sflag:s30], $0x800  }
0x45: {  	[sflag:s30] =	ssyncset.done $0x0  }
0x46: {  	s14 =	simm.s32 $0x300;
	[sflag:s30] =	ssyncadd.s32 $0xFFFFF800  }
0x47: {  	[tilespmem:s20], [sflag:$0x3] =	stream.indirect.gather [spmem:s3], $0x10, s14, s16, $0xb8;
	[tilespmem:$0xBF10] =	vst v63  }
0x48: {  	_ =	swait.ge [sflag:s31], $0x800  }
0x49: {  	[sflag:s31] =	ssyncset.done $0x0  }
0x4a: {  	s0 =	simm.s32 $0x380;
	s1 =	simm.s32 $0x800;
	[sflag:s31] =	ssyncadd.s32 $0xFFFFF800  }
.LBB2_2:
0x4b: {  	[tilespmem:s22], [sflag:$0x4] =	stream.indirect.gather [spmem:s3], $0x10, s0, s16, $0xb8;
	[tilespmem:$0xBF10] =	vst v63  }
0x4c: {  	s0 =	smov.u32 s1  }
0x4d: {  	p0 =	sne.s32 s1, $0x9000;
	s1 =	sadd.s32 $0x800, s1;
	_ =	swait.ge [sflag:s23], $0x800  }
0x4e: {  	s0 =	sshra.s32 s0, $0x2;
	[sflag:s23] =	ssyncset.done $0x0  }
0x4f: {  	s14 =	sadd.s32 $0x2800, s0;
	[sflag:s23] =	ssyncadd.s32 $0xFFFFF800  }
0x50: {  	[spmem:s2] =	stream.indirect.scatter.add.f32 [tilespmem:s17], [sflag:$0x5], $0x10, s14, s16, $0xb8;
	[tilespmem:$0xBF10] =	vst v63  }
0x51: {  	_ =	swait.ge [sflag:s24], $0x800  }
0x52: {  	[sflag:s24] =	ssyncset.done $0x0  }
0x53: {  	s14 =	sadd.s32 $0x2880, s0;
	[sflag:s24] =	ssyncadd.s32 $0xFFFFF800  }
0x54: {  	[spmem:s2] =	stream.indirect.scatter.add.f32 [tilespmem:s18], [sflag:$0x6], $0x10, s14, s16, $0xb8;
	[tilespmem:$0xBF10] =	vst v63  }
0x55: {  	_ =	swait.ge [sflag:s25], $0x800  }
0x56: {  	[sflag:s25] =	ssyncset.done $0x0  }
0x57: {  	s14 =	sadd.s32 $0x2900, s0;
	[sflag:s25] =	ssyncadd.s32 $0xFFFFF800  }
0x58: {  	[spmem:s2] =	stream.indirect.scatter.add.f32 [tilespmem:s20], [sflag:$0x7], $0x10, s14, s16, $0xb8;
	[tilespmem:$0xBF10] =	vst v63  }
0x59: {  	_ =	swait.ge [sflag:s26], $0x800  }
0x5a: {  	[sflag:s26] =	ssyncset.done $0x0  }
0x5b: {  	s14 =	sadd.s32 $0x2980, s0;
	[sflag:s26] =	ssyncadd.s32 $0xFFFFF800  }
0x5c: {  	[spmem:s2] =	stream.indirect.scatter.add.f32 [tilespmem:s22], [sflag:$0x8], $0x10, s14, s16, $0xb8;
	[tilespmem:$0xBF10] =	vst v63  }
0x5d: {  	_ =	swait.ge [sflag:s28], $0x800  }
0x5e: {  	[sflag:s28] =	ssyncset.done $0x0  }
0x5f: {  	s14 =	sadd.s32 $0x200, s0;
	[sflag:s28] =	ssyncadd.s32 $0xFFFFF800  }
0x60: {  	[tilespmem:s17], [sflag:$0x1] =	stream.indirect.gather [spmem:s3], $0x10, s14, s16, $0xb8;
	[tilespmem:$0xBF10] =	vst v63  }
0x61: {  	_ =	swait.ge [sflag:s29], $0x800  }
0x62: {  	[sflag:s29] =	ssyncset.done $0x0  }
0x63: {  	s14 =	sadd.s32 $0x280, s0;
	[sflag:s29] =	ssyncadd.s32 $0xFFFFF800  }
0x64: {  	[tilespmem:s18], [sflag:$0x2] =	stream.indirect.gather [spmem:s3], $0x10, s14, s16, $0xb8;
	[tilespmem:$0xBF10] =	vst v63  }
0x65: {  	_ =	swait.ge [sflag:s30], $0x800  }
0x66: {  	[sflag:s30] =	ssyncset.done $0x0  }
.Ltmp0:
0x67: {  	s14 =	sadd.s32 $0x300, s0;
	[sflag:s30] =	ssyncadd.s32 $0xFFFFF800;
	(pc) =	sbr.rel @p0 .LBB2_2-.Ltmp0, $4  }
0x68: {  	[tilespmem:s20], [sflag:$0x3] =	stream.indirect.gather [spmem:s3], $0x10, s14, s16, $0xb8;
	[tilespmem:$0xBF10] =	vst v63  }
0x69: {  	_ =	swait.ge [sflag:s31], $0x800  }
0x6a: {  	[sflag:s31] =	ssyncset.done $0x0  }
0x6b: {  	s0 =	sadd.s32 $0x380, s0;
	[sflag:s31] =	ssyncadd.s32 $0xFFFFF800  }
0x6c: {  	[tilespmem:s22], [sflag:$0x4] =	stream.indirect.gather [spmem:s3], $0x10, s0, s16, $0xb8;
	[tilespmem:$0xBF10] =	vst v63  }
0x6d: {  	_ =	swait.ge [sflag:s23], $0x800  }
0x6e: {  	[sflag:s23] =	ssyncset.done $0x0  }
0x6f: {  	s14 =	simm.s32 $0x4E00;
	[sflag:s23] =	ssyncadd.s32 $0xFFFFF800  }
0x70: {  	[spmem:s2] =	stream.indirect.scatter.add.f32 [tilespmem:s17], [sflag:$0x5], $0x10, s14, s16, $0xb8;
	[tilespmem:$0xBF10] =	vst v63  }
0x71: {  	_ =	swait.ge [sflag:s24], $0x800  }
0x72: {  	[sflag:s24] =	ssyncset.done $0x0  }
0x73: {  	s1 =	simm.s32 $0x4E80;
	[sflag:s24] =	ssyncadd.s32 $0xFFFFF800  }
0x74: {  	[spmem:s2] =	stream.indirect.scatter.add.f32 [tilespmem:s18], [sflag:$0x6], $0x10, s1, s16, $0xb8;
	[tilespmem:$0xBF10] =	vst v63  }
0x75: {  	_ =	swait.ge [sflag:s25], $0x800  }
0x76: {  	[sflag:s25] =	ssyncset.done $0x0  }
0x77: {  	s14 =	simm.s32 $0x4F00;
	[sflag:s25] =	ssyncadd.s32 $0xFFFFF800  }
0x78: {  	[spmem:s2] =	stream.indirect.scatter.add.f32 [tilespmem:s20], [sflag:$0x7], $0x10, s14, s16, $0xb8;
	[tilespmem:$0xBF10] =	vst v63  }
0x79: {  	_ =	swait.ge [sflag:s26], $0x800  }
0x7a: {  	[sflag:s26] =	ssyncset.done $0x0  }
0x7b: {  	[sflag:s26] =	ssyncadd.s32 $0xFFFFF800  }
0x7c: {  	[spmem:s2] =	stream.indirect.scatter.add.f32 [tilespmem:s22], [sflag:$0x8], $0x10, s19, s16, $0xb8;
	[tilespmem:$0xBF10] =	vst v63  }
0x7d: {  	_ =	swait.ge [sflag:s28], $0x800  }
0x7e: {  	[sflag:s28] =	ssyncset.done $0x0  }
0x7f: {  	[sflag:s28] =	ssyncadd.s32 $0xFFFFF800  }
0x80: {  	_ =	swait.ge [sflag:s29], $0x800  }
0x81: {  	[sflag:s29] =	ssyncset.done $0x0  }
0x82: {  	[sflag:s29] =	ssyncadd.s32 $0xFFFFF800  }
0x83: {  	_ =	swait.ge [sflag:s30], $0x800  }
0x84: {  	[sflag:s30] =	ssyncset.done $0x0  }
0x85: {  	[sflag:s30] =	ssyncadd.s32 $0xFFFFF800  }
0x86: {  	_ =	swait.ge [sflag:s31], $0x800  }
0x87: {  	s21 =	sadd.s32 $0x1, s21;
	[sflag:s31] =	ssyncset.done $0x0  }
0x88: {  	p0 =	sne.s32 s21, s11;
	[sflag:s31] =	ssyncadd.s32 $0xFFFFF800  }
.Ltmp1:
0x89: {  	[bflag:$0x0] =	sbarrier.arrive $0xFFFF;
	(pc) =	sbr.rel @p0 .LBB2_1-.Ltmp1, $4  }
0x8a: {  	[hbm:s10], [sflag:s6] =	dma.local [spmem:s12], $0x500  }
0x8b: {  	_ =	swait.ge [sflag:s13], $0x500  }
0x8c: {  	[sflag:s13] =	ssyncset.done $0x0  }
0x8d: {  	[sflag:s13] =	ssyncadd.s32 $0xFFFFFB00  }
0x8e: {  	_ =	sfence.sel $0x180000  }
0x8f: {  	[bflag:$0x0] =	sbarrier.arrive $0xFFFF  }
0x90: {  	_ =	strace $0x9000004D  }
0x91: {  	s0 =	stileid.u32;
	[bflag:$0x2] =	sbarrier.arrive $0xFFFF  }
0x92: {  	p0 =	sne.s32 s0, $0x0;
	s0 =	rddreg [dreg:$0x4]  }
0x93: {  	s0 =	sadd.s32 @!p0 $0x100000, s0  }
0x94: {  	[sflag:s0] =	ssyncadd.tile.s32 @!p0 $0x1;
	_ =	shalt  }
.Lfunc_end2:
_tile_overlayer_lowered:
.L_overlay_start_2:
0x95: {  	(tag) =	ssettag $0x2  }
0x96: {  	s0 =	rddreg [dreg:$0x0];
	s2 =	stileid.u32  }
0x97: {  	s1 =	rddreg [dreg:$0x1];
	p0 =	sne.s32 s2, $0x0  }
0x98: {  	s3 =	rddreg [dreg:$0x2];
	[bflag:$0x3] =	sbarrier.arrive $0xFFFF;
	s2 =	simm.s32 @!p0 $0x1C09  }
0x99: {  	[timem:s3], [sflag:s2] =	dma.local @!p0 [hbm:s0], s1  }
0x9a: {  	s0 =	simm.s32 @!p0 $0x9  }
0x9b: {  	_ =	swait.ge @!p0 [sflag:s0], s1  }
0x9c: {  	s1 =	ssub.s32 @!p0 $0x0, s1;
	[sflag:s0] =	ssyncset.done @!p0 $0x0  }
0x9d: {  	[sflag:s0] =	ssyncadd.s32 @!p0 s1  }
0x9e: {  	[bflag:$0x3] =	sbarrier.arrive $0xFFFF  }
0x9f: {  	_ =	shalt  }

// kernel: kernel.9.cloned.1.call-start
scs
__scs_entry_jumppad:
0x0: {  	(pc) =	sbr.rel $0x88, $3  }
0x1: {  	(tag) =	ssettag $0x0;
	lr =	simm.s32 $0x1  }
0x2: {  	[smem:$0x3F9B] =	sst lr;
	_ =	strace $0xD0000000  }
0x3: {  	_ = 	snop  }
0x4: {  	_ = 	snop  }
0x5: {  	_ = 	snop  }
0x6: {  	_ = 	snop  }
0x7: {  	_ = 	snop  }
__scs_overlays_trampoline_lowered:
0x8: {  	[smem:$0x3FAA] =	sst s0  }
0x9: {  	[smem:$0x3FAB] =	sst s1  }
0xa: {  	[smem:$0x3FAC] =	sst s2  }
0xb: {  	[smem:$0x3FAD] =	sst s3  }
0xc: {  	[smem:$0x3FAE] =	sst s4  }
0xd: {  	[smem:$0x3FAF] =	sst s5  }
0xe: {  	[smem:$0x3FB0] =	sst s6  }
0xf: {  	[smem:$0x3FB1] =	sst s7  }
0x10: {  	[smem:$0x3FB2] =	sst s8  }
0x11: {  	[smem:$0x3FB3] =	sst s9;
	s0 =	simm.s32 @!p0 $0x0  }
0x12: {  	s1 =	sld [smem:$0x3F99];
	s0 =	simm.s32 @p0 $0x1  }
0x13: {  	[smem:$0x3FB4] =	sst s0;
	s0 =	simm.s32 @!p1 $0x0  }
0x14: {  	s2 =	sld [smem:$0x3F98];
	s0 =	simm.s32 @p1 $0x1  }
0x15: {  	[smem:$0x3FB5] =	sst s0;
	s0 =	simm.s32 @!p2 $0x0  }
0x16: {  	s3 =	sld [smem:$0x3FDB];
	s0 =	simm.s32 @p2 $0x1  }
0x17: {  	s4 =	simm.s32 $0x1BF5;
	[smem:$0x3FB7] =	sst s0  }
0x18: {  	s0 =	sld [smem:$0x3F9A];
	_ =	swait.ge [sflag:s4], $0x0  }
0x19: {  	s7 =	sld [smem:$0x3F9B]  }
0x1a: {  	s8 =	sadd.s32 $0xFFFFE003, lr  }
0x1b: {  	s9 =	sadd.s32 $0xFFFFFEF7, lr;
	s5 =	simm.s32 $0xFFFFFFFF;
	p2 =	slt.u32 s8, $0xFFFFF086  }
0x1c: {  	p1 =	slt.u32 s9, $0xF7A;
	s5 =	simm.s32 @!p2 $0x0  }
0x1d: {  	s5 =	simm.s32 @p1 $0x1;
	p0 =	seq.s32 s7, s2  }
0x1e: {  	s7 =	smul.u32 @!p0 $0xF7A, s2;
	p2 =	seq.s32 @!p0 s5, $0x0  }
0x1f: {  	s9 =	smul.u32 $0xF7A, s1;
	s8 =	simm.s32 @!p0 $0x1BF5;
	p2 =	por !p2, p0  }
0x20: {  	[sflag:s8] =	ssyncset.s32 @!p0 $0xFFFFF086;
	s6 =	sadd.s32 @!p0 s3, s7;
	s7 =	simm.s32 @!p0 $0x108  }
0x21: {  	s3 =	sadd.s32 s3, s9;
	s6 =	sadd.s32 @!p0 $0x88, s6;
	s7 =	simm.s32 @p2 $0x1082  }
0x22: {  	[simem:s7], [sflag:s8] =	dma.local @!p0 [hbm:s6], $0xF7A  }
0x23: {  	s9 =	sor.u32 $0xD0000000, s2;
	s6 =	simm.s32 $0x108;
	_ =	swait.ge @!p0 [sflag:s8], $0x0  }
0x24: {  	s3 =	sadd.s32 $0x88, s3;
	s6 =	simm.s32 @!p1 $0x1082;
	[sflag:s4] =	ssyncset.s32 $0xFFFFF086  }
0x25: {  	[simem:s6], [sflag:s4] =	dma.local [hbm:s3], $0xF7A  }
0x26: {  	[smem:$0x3F9B] =	sst s1;
	(tag) =	ssettag s2;
	_ =	strace s9  }
0x27: {  	s1 =	sld [smem:$0x3FAB]  }
0x28: {  	s2 =	sld [smem:$0x3FAC]  }
0x29: {  	s4 =	sld [smem:$0x3FAE]  }
0x2a: {  	p0 =	seq.s32 s5, $0x0;
	s5 =	sld [smem:$0x3FAF]  }
0x2b: {  	s6 =	sld [smem:$0x3FB0]  }
0x2c: {  	s7 =	sld [smem:$0x3FB1]  }
0x2d: {  	s3 =	simm.s32 $0x108;
	s8 =	sld [smem:$0x3FB2]  }
0x2e: {  	s3 =	simm.s32 @!p0 $0x1082;
	s9 =	sld [smem:$0x3FB3]  }
0x2f: {  	lr =	sadd.s32 s0, s3;
	s0 =	sld [smem:$0x3FAA]  }
0x30: {  	s3 =	sld [smem:$0x3FAD]  }
0x31: {  	[smem:$0x3FB6] =	sst s10  }
0x32: {  	s10 =	sld [smem:$0x3FB4];
	_ =	sdelay $0x3  }
0x33: {  	p0 =	seq.s32 s10, $0x1;
	s10 =	sld [smem:$0x3FB6];
	_ =	sdelay $0x3  }
0x34: {  	[smem:$0x3FB6] =	sst s10  }
0x35: {  	s10 =	sld [smem:$0x3FB5];
	_ =	sdelay $0x3  }
0x36: {  	p1 =	seq.s32 s10, $0x1;
	s10 =	sld [smem:$0x3FB6];
	_ =	sdelay $0x3  }
0x37: {  	[smem:$0x3FB6] =	sst s10  }
0x38: {  	s10 =	sld [smem:$0x3FB7]  }
0x39: {  	_ = 	snop;
	(pc) =	sbr.ind lr, $3  }
0x3a: {  	_ = 	snop  }
0x3b: {  	_ = 	snop  }
0x3c: {  	p2 =	seq.s32 s10, $0x1;
	s10 =	sld [smem:$0x3FB6]  }
0x3d: {  	_ =	shalt  }
0x3e: {  	_ =	shalt  }
0x3f: {  	_ =	shalt  }
0x40: {  	_ =	shalt  }
0x41: {  	_ =	shalt  }
0x42: {  	_ =	shalt  }
0x43: {  	_ =	shalt  }
0x44: {  	_ =	shalt  }
0x45: {  	_ =	shalt  }
0x46: {  	_ =	shalt  }
0x47: {  	_ =	shalt  }
0x48: {  	_ =	shalt  }
0x49: {  	_ =	shalt  }
0x4a: {  	_ =	shalt  }
0x4b: {  	_ =	shalt  }
0x4c: {  	_ =	shalt  }
0x4d: {  	_ =	shalt  }
0x4e: {  	_ =	shalt  }
0x4f: {  	_ =	shalt  }
0x50: {  	_ =	shalt  }
0x51: {  	_ =	shalt  }
0x52: {  	_ =	shalt  }
0x53: {  	_ =	shalt  }
0x54: {  	_ =	shalt  }
0x55: {  	_ =	shalt  }
0x56: {  	_ =	shalt  }
0x57: {  	_ =	shalt  }
0x58: {  	_ =	shalt  }
0x59: {  	_ =	shalt  }
0x5a: {  	_ =	shalt  }
0x5b: {  	_ =	shalt  }
0x5c: {  	_ =	shalt  }
0x5d: {  	_ =	shalt  }
0x5e: {  	_ =	shalt  }
0x5f: {  	_ =	shalt  }
0x60: {  	_ =	shalt  }
0x61: {  	_ =	shalt  }
0x62: {  	_ =	shalt  }
0x63: {  	_ =	shalt  }
0x64: {  	_ =	shalt  }
0x65: {  	_ =	shalt  }
0x66: {  	_ =	shalt  }
0x67: {  	_ =	shalt  }
0x68: {  	_ =	shalt  }
0x69: {  	_ =	shalt  }
0x6a: {  	_ =	shalt  }
0x6b: {  	_ =	shalt  }
0x6c: {  	_ =	shalt  }
0x6d: {  	_ =	shalt  }
0x6e: {  	_ =	shalt  }
0x6f: {  	_ =	shalt  }
0x70: {  	_ =	shalt  }
0x71: {  	_ =	shalt  }
0x72: {  	_ =	shalt  }
0x73: {  	_ =	shalt  }
0x74: {  	_ =	shalt  }
0x75: {  	_ =	shalt  }
0x76: {  	_ =	shalt  }
0x77: {  	_ =	shalt  }
0x78: {  	_ =	shalt  }
0x79: {  	_ =	shalt  }
0x7a: {  	_ =	shalt  }
0x7b: {  	_ =	shalt  }
0x7c: {  	_ =	shalt  }
0x7d: {  	_ =	shalt  }
0x7e: {  	_ =	shalt  }
0x7f: {  	_ =	shalt  }
0x80: {  	_ =	shalt  }
0x81: {  	_ =	shalt  }
0x82: {  	_ =	shalt  }
0x83: {  	_ =	shalt  }
0x84: {  	_ =	shalt  }
0x85: {  	_ =	shalt  }
0x86: {  	_ =	shalt  }
0x87: {  	_ =	shalt  }
.Lfunc_end0:
.L_simem_size_0:
called_computation_lowered:
.L_overlay_start_0:
0x88: {  	s2 =	sld [smem:$0x3FD9]  }
0x89: {  	s3 =	sld [smem:$0x3FFE];
	_ =	sdelay $0x1  }
0x8a: {  	s1 =	srdreg.scid  }
0x8b: {  	s0 =	sand.u32 $0x1, s1  }
0x8c: {  	s17 =	sshll.u32 s0, $0xA;
	s2 =	sadd.s32 s3, s2  }
0x8d: {  	s2 =	sadd.s32 s2, s17  }
0x8e: {  	[smem:$0x3FC2] =	sst s2  }
0x8f: {  	_ = 	snop  }
0x90: {  	s2 =	sld [smem:$0x3FD0];
	(tm) =	ssettm $0x1  }
0x91: {  	s18 =	sld [smem:$0x3FFB];
	_ =	sdelay $0x3  }
0x92: {  	_ =	strace s18  }
0x93: {  	s3 =	sld [smem:$0x3FFC];
	_ =	sdelay $0x3  }
0x94: {  	_ =	strace s3  }
0x95: {  	s3 =	sld [smem:$0x3FFD];
	_ =	sdelay $0x3  }
0x96: {  	_ =	strace s3  }
0x97: {  	_ =	strace $0x8FFFFFFF  }
0x98: {  	s19 =	sld [smem:$0x3FDB];
	_ =	sdelay $0x1  }
0x99: {  	s4 =	simm.s32 $_scs_section_size  }
0x9a: {  	s5 =	simm.s32 $_size__tile_overlayer_lowered;
	s6 =	simm.s32 $_tile_overlayer_lowered  }
0x9b: {  	s22 =	simm.s32 $0x1BFF;
	s21 =	sshll.u32 s6, $0x1;
	s3 =	sadd.s32 s4, s19  }
0x9c: {  	s7 =	simm.s32 $0x0;
	s20 =	sshll.u32 s5, $0x1;
	s5 =	sadd.s32 s21, s3  }
0x9d: {  	[timem:s7], [sflag:s22] =	dma.local [hbm:s5], s20  }
0x9e: {  	_ =	swait.ge [sflag:s22], s20  }
0x9f: {  	s4 =	ssub.s32 $0x0, s20;
	[sflag:s22] =	ssyncset.done $0x0  }
0xa0: {  	[sflag:s22] =	ssyncadd.s32 s4;
	_ =	sdelay $0x1  }
0xa1: {  	s23 =	simm.s32 $0x1B8B  }
0xa2: {  	_ =	swait.ge [sflag:s23], $0x1  }
0xa3: {  	[sflag:s23] =	ssyncset.done $0x0  }
0xa4: {  	s25 =	simm.s32 $0x1B8E;
	s24 =	sld [smem:$0x3FFE];
	[sflag:s23] =	ssyncadd.s32 $0xFFFFFFFF  }
0xa5: {  	s26 =	simm.s32 $execute0_lowered;
	[smem:$0x3FD2] =	sst s25  }
0xa6: {  	s5 =	sshll.u32 s26, $0x1;
	_ =	strace $0x80000046;
	[dreg:$0x1] =	wrdreg $0xFFFFFFFF  }
0xa7: {  	s28 =	simm.s32 $_size_execute0_lowered;
	s3 =	sadd.s32 s3, s5;
	[dreg:$0x0] =	wrdreg $0x0  }
0xa8: {  	s5 =	sshll.u32 s28, $0x1;
	[dreg:$0x2] =	wrdreg s3  }
0xa9: {  	[dreg:$0x3] =	wrdreg s5  }
0xaa: {  	[dreg:$0x4] =	wrdreg $0xC0  }
0xab: {  	_ =	task [dreg:s7], $0x5FFFF  }
0xac: {  	[dreg:$0x1] =	wrdreg $0xFFFFFFFF  }
0xad: {  	[dreg:$0x0] =	wrdreg $0x60  }
0xae: {  	[dreg:$0x2] =	wrdreg s24  }
0xaf: {  	[dreg:$0x3] =	wrdreg s2  }
0xb0: {  	[dreg:$0x4] =	wrdreg $0x30000  }
0xb1: {  	[dreg:$0x5] =	wrdreg $0x9  }
0xb2: {  	_ =	task.clear_ibuf [dreg:s7], $0x6FFFF;
	_ =	strace $0x90000046  }
0xb3: {  	s29 =	simm.s32 $0x9;
	_ =	strace $0x80000048  }
0xb4: {  	_ =	swait.ge [sflag:s29], $0x1  }
0xb5: {  	[sflag:s29] =	ssyncadd.s32 $0xFFFFFFFF  }
0xb6: {  	_ =	strace $0x90000048  }
0xb7: {  	_ =	sfence  }
0xb8: {  	s30 =	sld [smem:$0x0];
	_ =	sdelay $0x2  }
0xb9: {  	s31 =	sshll.u32 s1, $0xD;
	s1 =	sshrl.u32 s1, $0x2  }
0xba: {  	s3 =	sand.u32 $0x4000, s31;
	s1 =	sadd.s32 s1, s30  }
0xbb: {  	s0 =	sor.u32 s3, s0;
	s1 =	sshll.u32 s1, $0x11  }
0xbc: {  	s0 =	sor.u32 s1, s0  }
0xbd: {  	s0 =	sadd.s32 $0x8F2B, s0  }
0xbe: {  	[sflag:s0] =	ssyncadd.remote.s32 $0x1  }
0xbf: {  	_ =	sfence.sel $0xFFFF  }
0xc0: {  	[dreg:$0x0] =	wrdreg $0xFFFFFFFF;
	(pc) =	sbr.abs _section_cstart, $3  }
0xc1: {  	[dreg:$0x1] =	wrdreg $0xFFFFFFFF  }
0xc2: {  	_ =	task.clear_ibuf [dreg:s7], $0x2FFFF;
	_ =	strace $0x9FFFFFFF  }
0xc3: {  	(tm) =	ssettm $0x7FFFFFFF  }
tec
execute0_lowered:
.L_overlay_start_1:
0x0: {  	(tag) =	ssettag $0x1  }
0x1: {  	s6 =	rddreg [dreg:$0x0]  }
0x2: {  	s2 =	rddreg [dreg:$0x1]  }
0x3: {  	s0 =	srdreg.scid;
	s3 =	rddreg [dreg:$0x2];
	s4 =	simm.s32 $0x0  }
0x4: {  	s13 =	simm.s32 $0x80;
	s14 =	simm.s32 $0x1;
	s15 =	simm.s32 $0x2  }
0x5: {  	s16 =	simm.s32 $0x0;
	s5 =	sand.u32 $0x1, s0;
	s0 =	stileid.u32  }
0x6: {  	[smem:$0x7FF] =	sst s4;
	s1 =	sshll.u32 s5, $0x4;
	s8 =	smul.u32 $0x2800, s0  }
0x7: {  	s9 =	smul.u32 $0x28000, s5;
	s5 =	ssub.s32 $0x2, s5;
	s1 =	sor.u32 s0, s1  }
0x8: {  	s31 =	sshll.u32 s0, $0x6;
	s30 =	sshrl.u32 s5, $0x1;
	s7 =	smul.u32 $0x500, s1  }
0x9: {  	s1 =	rddreg [dreg:$0x3];
	_ =	strace $0x80000047;
	s9 =	sadd.s32 s8, s9  }
0xa: {  	s10 =	sshrl.u32 s8, $0x3;
	s11 =	ssub.s32 s5, s30;
	s12 =	sadd.s32 s8, s3  }
0xb: {  	s9 =	sshrl.u32 s9, $0x3;
	s10 =	sadd.s32 s10, s6;
	s7 =	sadd.s32 s7, s6  }
0xc: {  	s9 =	sadd.s32 s9, s6;
	s5 =	sadd.s32 $0xB000, s10;
	s6 =	sor.u32 $0x1C03, s31  }
0xd: {  	s10 =	sshrl.u32 s12, $0x3;
	s12 =	simm.s32 $0x2800;
	s7 =	sadd.s32 $0x1000, s7  }
0xe: {  	s8 =	sadd.s32 $0x10000, s9;
	s9 =	smax.u32 s11, $0x1;
	s11 =	simm.s32 $0x3  }
.LBB2_1:
0xf: {  	[spmem:s10], [sflag:s6] =	dma.local [hbm:s5], $0x500  }
0x10: {  	_ =	swait.ge [sflag:s11], $0x500  }
0x11: {  	[sflag:s11] =	ssyncset.done $0x0  }
0x12: {  	[sflag:s11] =	ssyncadd.s32 $0xFFFFFB00  }
0x13: {  	[tilespmem:s4], [sflag:$0x3] =	stream.linear.gather [hbm4b:s7+s4], $0x2800, $0x38;
	[tilespmem:$0x5800] =	vst v63  }
0x14: {  	_ =	swait.ge [sflag:s11], $0x2800  }
0x15: {  	[sflag:s11] =	ssyncset.done $0x0  }
0x16: {  	[sflag:s11] =	ssyncadd.s32 $0xFFFFD800  }
0x17: {  	[tilespmem:s12], [sflag:$0x3] =	stream.linear.gather [hbm4b:s2+s4], $0x800, $0x38;
	[tilespmem:$0x5800] =	vst v63  }
0x18: {  	_ =	swait.ge [sflag:s11], $0x800  }
0x19: {  	[sflag:s11] =	ssyncset.done $0x0  }
0x1a: {  	[sflag:s11] =	ssyncadd.s32 $0xFFFFF800  }
0x1b: {  	s17 =	simm.s32 $0x0;
	[bflag:$0x0] =	sbarrier.arrive $0xFFFF  }
0x1c: {  	[spmem:s3] =	stream.indirect.scatter.add.f32 [tilespmem:s12], [sflag:$0x1], $0x10, s17, s13, $0xb8;
	[tilespmem:$0x5800] =	vst v63  }
0x1d: {  	s31 =	simm.s32 $0x80  }
0x1e: {  	[spmem:s3] =	stream.indirect.scatter.add.f32 [tilespmem:s12], [sflag:$0x2], $0x10, s31, s13, $0xb8;
	[tilespmem:$0x5800] =	vst v63  }
0x1f: {  	_ =	swait.ge [sflag:s14], $0x800  }
0x20: {  	[sflag:s14] =	ssyncset.done $0x0  }
0x21: {  	[sflag:s14] =	ssyncadd.s32 $0xFFFFF800  }
0x22: {  	_ =	swait.ge [sflag:s15], $0x800  }
0x23: {  	s18 =	simm.s32 $0x800;
	s17 =	simm.s32 $0x400;
	[sflag:s15] =	ssyncset.done $0x0  }
.LBB2_2:
0x24: {  	s19 =	sshra.s32 s17, $0x2  }
0x25: {  	[sflag:s15] =	ssyncadd.s32 $0xFFFFF800;
	s17 =	smov.u32 s18;
	s20 =	sadd.s32 $0x400, s18  }
0x26: {  	[spmem:s3] =	stream.indirect.scatter.add.f32 [tilespmem:s12], [sflag:$0x1], $0x10, s19, s13, $0xb8;
	[tilespmem:$0x5800] =	vst v63  }
0x27: {  	p0 =	sne.s32 s18, $0x9C00;
	s18 =	sadd.s32 $0x80, s19  }
0x28: {  	[spmem:s3] =	stream.indirect.scatter.add.f32 [tilespmem:s12], [sflag:$0x2], $0x10, s18, s13, $0xb8;
	[tilespmem:$0x5800] =	vst v63  }
.Ltmp0:
0x29: {  	_ =	swait.ge [sflag:s14], $0x800;
	(pc) =	sbr.rel @p0 .LBB2_2-.Ltmp0, $4  }
0x2a: {  	[sflag:s14] =	ssyncset.done $0x0  }
0x2b: {  	[sflag:s14] =	ssyncadd.s32 $0xFFFFF800  }
0x2c: {  	_ =	swait.ge [sflag:s15], $0x800  }
0x2d: {  	s18 =	smov.u32 s20;
	[sflag:s15] =	ssyncset.done $0x0  }
0x2e: {  	s17 =	sshra.s32 s17, $0x2;
	[sflag:s15] =	ssyncadd.s32 $0xFFFFF800  }
0x2f: {  	[spmem:s3] =	stream.indirect.scatter.add.f32 [tilespmem:s12], [sflag:$0x1], $0x10, s17, s13, $0xb8;
	[tilespmem:$0x5800] =	vst v63  }
0x30: {  	s17 =	sadd.s32 $0x80, s17  }
0x31: {  	[spmem:s3] =	stream.indirect.scatter.add.f32 [tilespmem:s12], [sflag:$0x2], $0x10, s17, s13, $0xb8;
	[tilespmem:$0x5800] =	vst v63  }
0x32: {  	_ =	swait.ge [sflag:s14], $0x800  }
0x33: {  	[sflag:s14] =	ssyncset.done $0x0  }
0x34: {  	[sflag:s14] =	ssyncadd.s32 $0xFFFFF800  }
0x35: {  	_ =	swait.ge [sflag:s15], $0x800  }
0x36: {  	s16 =	sadd.s32 $0x1, s16;
	[sflag:s15] =	ssyncset.done $0x0  }
0x37: {  	p0 =	sne.s32 s16, s9;
	[sflag:s15] =	ssyncadd.s32 $0xFFFFF800  }
.Ltmp1:
0x38: {  	[bflag:$0x0] =	sbarrier.arrive $0xFFFF;
	(pc) =	sbr.rel @p0 .LBB2_1-.Ltmp1, $4  }
0x39: {  	[hbm:s8], [sflag:s6] =	dma.local [spmem:s10], $0x500  }
0x3a: {  	_ =	swait.ge [sflag:s11], $0x500  }
0x3b: {  	[sflag:s11] =	ssyncset.done $0x0  }
0x3c: {  	[sflag:s11] =	ssyncadd.s32 $0xFFFFFB00  }
0x3d: {  	_ =	sfence.sel $0x180000  }
0x3e: {  	[bflag:$0x0] =	sbarrier.arrive $0xFFFF  }
0x3f: {  	p0 =	sne.s32 s0, $0x0;
	_ =	strace $0x90000047  }
0x40: {  	s0 =	sadd.s32 @!p0 $0x100000, s1;
	[bflag:$0x2] =	sbarrier.arrive $0xFFFF  }
0x41: {  	[sflag:s0] =	ssyncadd.tile.s32 @!p0 $0x1;
	_ =	shalt  }
.Lfunc_end2:
_tile_overlayer_lowered:
.L_overlay_start_2:
0x42: {  	(tag) =	ssettag $0x2  }
0x43: {  	s0 =	rddreg [dreg:$0x0];
	s2 =	stileid.u32  }
0x44: {  	s1 =	rddreg [dreg:$0x1];
	p0 =	sne.s32 s2, $0x0  }
0x45: {  	s3 =	rddreg [dreg:$0x2];
	[bflag:$0x3] =	sbarrier.arrive $0xFFFF;
	s2 =	simm.s32 @!p0 $0x1C03  }
0x46: {  	[timem:s3], [sflag:s2] =	dma.local @!p0 [hbm:s0], s1  }
0x47: {  	s0 =	simm.s32 @!p0 $0x3  }
0x48: {  	_ =	swait.ge @!p0 [sflag:s0], s1  }
0x49: {  	s1 =	ssub.s32 @!p0 $0x0, s1;
	[sflag:s0] =	ssyncset.done @!p0 $0x0  }
0x4a: {  	[sflag:s0] =	ssyncadd.s32 @!p0 s1  }
0x4b: {  	[bflag:$0x3] =	sbarrier.arrive $0xFFFF  }
0x4c: {  	_ =	shalt  }

</sc_bundles>
